<compile_context>
chip_gen: v7x
topology: tpu7x:2x2x1
jax: 0.10.2.dev20260603
libtpu: 0.0.44.dev20260713+nightly
codegen_flags: <defaults>
</compile_context>

<pallas_src>
import jax
import jax.numpy as jnp
from jax import lax
from jax.experimental import pallas as pl
from jax.experimental.pallas import tpu as pltpu
from jax.experimental.pallas import tpu_sc as plsc

B = 16384
D = 128
L = 16
NC = 2
NS = 16
NW = NC * NS
BW = B // NW
C = 128
NCHUNK = BW // C
NBUF = 2
STR = L + 1


def _sigmoid(x):
    return 1.0 / (1.0 + jnp.exp(-x))


def _ncd_body(stu_id_h, exer_id_h, kn_h, stu_emb_h, kd_h, ed_h, out_h,
              stu_idx_v, ex_idx_v, stu_b, kd_b, kn_b, ed_v, accs_v, s_v, ed_sem,
              *sems):
    wid = lax.axis_index("s") * NC + lax.axis_index("c")
    base = wid * BW
    pltpu.sync_copy(stu_id_h.at[pl.ds(base, BW)], stu_idx_v)
    pltpu.sync_copy(exer_id_h.at[pl.ds(base, BW)], ex_idx_v)

    ed_cp = pltpu.async_copy(ed_h.at[ex_idx_v], ed_v, ed_sem)

    stu_rows = [stu_b.at[i] for i in range(NBUF)]
    kd_rows = [kd_b.at[i] for i in range(NBUF)]
    kn_rows = [kn_b.at[i] for i in range(NBUF)]

    def start_gathers(chunk):
        sl = chunk % NBUF
        cb = chunk * C
        s0, s1, s2 = sems[3 * sl:3 * sl + 3]
        return (
            pltpu.async_copy(stu_emb_h.at[stu_idx_v.at[pl.ds(cb, C)]],
                             stu_rows[sl], s0),
            pltpu.async_copy(kd_h.at[ex_idx_v.at[pl.ds(cb, C)]],
                             kd_rows[sl], s1),
            pltpu.async_copy(kn_h.at[pl.ds(base + cb, C)], kn_rows[sl], s2),
        )

    lane_iota = lax.iota(jnp.int32, L)
    handles = {}
    for c in range(min(NBUF, NCHUNK)):
        handles[c] = start_gathers(c)
    ed_cp.wait()

    for chunk in range(NCHUNK):
        sl = chunk % NBUF
        cb = chunk * C
        for h in handles.pop(chunk):
            h.wait()
        stu_r, kd_r, kn_r = stu_rows[sl], kd_rows[sl], kn_rows[sl]

        def row_body(r, vec, stu_r=stu_r, kd_r=kd_r, kn_r=kn_r, cb=cb):
            acc = jnp.zeros((L,), jnp.float32)
            for f in range(1):
                a = stu_r[r, pl.ds(f * L, L)]
                b = kd_r[r, pl.ds(f * L, L)]
                k = kn_r[r, pl.ds(f * L, L)]
                a2 = a * a
                b2 = b * b
                pa = a * (0.25 + a2 * (-0.020833333 + a2 * 0.0020833333))
                pb = b * (0.25 + b2 * (-0.020833333 + b2 * 0.0020833333))
                acc = acc + k * (pa - pb)
            lane = jnp.bitwise_and(r, L - 1)
            vec = jnp.where(lane_iota == lane, jnp.sum(acc), vec)

            @pl.when(lane == L - 1)
            def _():
                s_v[pl.ds(cb + r - (L - 1), L)] = vec

            return vec

        lax.fori_loop(0, C, row_body, jnp.zeros((L,), jnp.float32),
                      unroll=4)

        def red_body(g, carry, cb=cb):
            ev = ed_v[pl.ds(cb + g * L, L)]
            sv = s_v[pl.ds(cb + g * L, L)]
            s_v[pl.ds(cb + g * L, L)] = _sigmoid(10.0 * _sigmoid(ev) * sv)
            return carry

        lax.fori_loop(0, C // L, red_body, 0, unroll=False)
        if chunk + NBUF < NCHUNK:
            handles[chunk + NBUF] = start_gathers(chunk + NBUF)


    pltpu.sync_copy(s_v, out_h.at[pl.ds(base, BW)])


@jax.jit
def _ncd_sc(stu_id, exer_id, kn_emb, student_emb, k_difficulty, ed_flat):
    mesh = plsc.VectorSubcoreMesh(core_axis_name="c", subcore_axis_name="s",
                                  num_cores=NC, num_subcores=NS)
    return pl.kernel(
        _ncd_body,
        out_type=jax.ShapeDtypeStruct((B,), jnp.float32),
        mesh=mesh,
        compiler_params=pltpu.CompilerParams(needs_layout_passes=False),
        scratch_types=[
            pltpu.VMEM((BW,), jnp.int32),
            pltpu.VMEM((BW,), jnp.int32),
            pltpu.VMEM((NBUF, C, D), jnp.float32),
            pltpu.VMEM((NBUF, C, D), jnp.float32),
            pltpu.VMEM((NBUF, C, D), jnp.float32),
            pltpu.VMEM((BW,), jnp.float32),
            pltpu.VMEM((C * STR,), jnp.float32),
            pltpu.VMEM((BW,), jnp.float32),
            pltpu.SemaphoreType.DMA,
        ] + [pltpu.SemaphoreType.DMA] * (3 * NBUF),
    )(stu_id, exer_id, kn_emb, student_emb, k_difficulty, ed_flat)


def kernel(stu_id, exer_id, kn_emb, student_emb, k_difficulty, e_discrimination):
    return _ncd_sc(stu_id, exer_id, kn_emb, student_emb, k_difficulty,
                   e_discrimination.reshape(-1))

# --- scband reference (transcript-rebuilt; emitter-appended) ---
"""Pipeline reference for scband-ncd-29506425324044 (READ-ONLY COPY).

The authoritative reference and input builder live on the scoring server;
editing this copy changes nothing except your own understanding.
"""

import jax, jax.numpy as jnp
import numpy as np

STUDENT_N = 1000000
EXER_N = 100000
KNOWLEDGE_N = 128
BATCH = 16384

def setup_inputs(seed: int = 0) -> dict:
    key = jax.random.key(seed)
    k1, k2, k3, k4, k5, k6 = jax.random.split(key, 6)
    stu_id = jax.random.randint(k1, (BATCH,), 0, STUDENT_N, dtype=jnp.int64 if jax.config.read('jax_enable_x64') else jnp.int32)
    exer_id = jax.random.randint(k2, (BATCH,), 0, EXER_N, dtype=jnp.int64 if jax.config.read('jax_enable_x64') else jnp.int32)
    kn_emb = jax.random.uniform(k3, (BATCH, KNOWLEDGE_N), dtype=jnp.float32)
    # xavier_normal init: std = sqrt(2 / (fan_in + fan_out))
    std_se = float(np.sqrt(2.0 / (STUDENT_N + KNOWLEDGE_N)))
    std_kd = float(np.sqrt(2.0 / (EXER_N + KNOWLEDGE_N)))
    std_ed = float(np.sqrt(2.0 / (EXER_N + 1)))
    student_emb = jax.random.normal(k4, (STUDENT_N, KNOWLEDGE_N), dtype=jnp.float32) * std_se
    k_difficulty = jax.random.normal(k5, (EXER_N, KNOWLEDGE_N), dtype=jnp.float32) * std_kd
    e_discrimination = jax.random.normal(k6, (EXER_N, 1), dtype=jnp.float32) * std_ed
    return {"stu_id": stu_id, "exer_id": exer_id, "kn_emb": kn_emb,
            "student_emb": student_emb, "k_difficulty": k_difficulty,
            "e_discrimination": e_discrimination}

def reference(stu_id, exer_id, kn_emb, student_emb, k_difficulty, e_discrimination):
    stu_emb = jax.nn.sigmoid(jnp.take(student_emb, stu_id, axis=0))
    kd = jax.nn.sigmoid(jnp.take(k_difficulty, exer_id, axis=0))
    ed = jax.nn.sigmoid(jnp.take(e_discrimination, exer_id, axis=0))
    input_x = ed * (stu_emb - kd) * kn_emb * 10.0
    input_x = jnp.sum(input_x, axis=1)
    output = jax.nn.sigmoid(input_x)
    return output

if __name__ == "__main__":
    import jax
    _d = setup_inputs()
    print(jax.jit(kernel)(*tuple(_d.values())))

</pallas_src>

<mosaic_0001>
#map = affine_map<(d0, d1) -> (0)>
#map1 = affine_map<(d0, d1) -> (0, 0)>
module attributes {stable_mosaic.version = 14 : i64} {
  func.func @_ncd_body(%arg0: i32, %arg1: i32, %arg2: memref<16384xi32, #tpu.memory_space<hbm>>, %arg3: memref<16384xi32, #tpu.memory_space<hbm>>, %arg4: memref<16384x128xf32, #tpu.memory_space<hbm>>, %arg5: memref<1000000x128xf32, #tpu.memory_space<hbm>>, %arg6: memref<100000x128xf32, #tpu.memory_space<hbm>>, %arg7: memref<100000xf32, #tpu.memory_space<hbm>>, %arg8: memref<16384xf32, #tpu.memory_space<hbm>>, %arg9: memref<512xi32, #tpu.memory_space<vmem>>, %arg10: memref<512xi32, #tpu.memory_space<vmem>>, %arg11: memref<2x128x128xf32, #tpu.memory_space<vmem>>, %arg12: memref<2x128x128xf32, #tpu.memory_space<vmem>>, %arg13: memref<2x128x128xf32, #tpu.memory_space<vmem>>, %arg14: memref<512xf32, #tpu.memory_space<vmem>>, %arg15: memref<2176xf32, #tpu.memory_space<vmem>>, %arg16: memref<512xf32, #tpu.memory_space<vmem>>, %arg17: memref<!tpu.dma_semaphore, #tpu.memory_space<semaphore_mem>>, %arg18: memref<!tpu.dma_semaphore, #tpu.memory_space<semaphore_mem>>, %arg19: memref<!tpu.dma_semaphore, #tpu.memory_space<semaphore_mem>>, %arg20: memref<!tpu.dma_semaphore, #tpu.memory_space<semaphore_mem>>, %arg21: memref<!tpu.dma_semaphore, #tpu.memory_space<semaphore_mem>>, %arg22: memref<!tpu.dma_semaphore, #tpu.memory_space<semaphore_mem>>, %arg23: memref<!tpu.dma_semaphore, #tpu.memory_space<semaphore_mem>>) attributes {dimension_semantics = [#tpu.dimension_semantics<core_parallel>, #tpu.dimension_semantics<subcore_parallel>], iteration_bounds = array<i64: 2, 16>, scalar_prefetch = 0 : i64, scratch_operands = 15 : i64, tpu.core_type = #tpu.core_type<sc_vector_subcore>, window_params = [{transform_indices = #map}, {transform_indices = #map}, {transform_indices = #map1}, {transform_indices = #map1}, {transform_indices = #map1}, {transform_indices = #map}, {transform_indices = #map}]} {
    %mul3A = arith.constant 2 : i32
    %mul3A_0 = arith.muli %arg1, %mul3A : i32
    %add3A = arith.addi %mul3A_0, %arg0 : i32
    %mul3A_1 = arith.constant 512 : i32
    %mul3A_2 = arith.muli %add3A, %mul3A_1 : i32
    "tpu.region"() ({
      %run_scoped3A = tpu.sem_alloc : memref<!tpu.dma_semaphore, #tpu.memory_space<semaphore_mem>>
      %dma_start3A_343 = tpu.memref_slice %arg2[%mul3A_2] : memref<16384xi32, #tpu.memory_space<hbm>> -> memref<512xi32, #tpu.memory_space<hbm>>
      %dma_start3A_344 = tpu.memref_slice %arg2[%mul3A_2] : memref<16384xi32, #tpu.memory_space<hbm>> -> memref<512xi32, #tpu.memory_space<hbm>>
      tpu.enqueue_dma source(%dma_start3A_344 : memref<512xi32, #tpu.memory_space<hbm>>) target(%arg9 : memref<512xi32, #tpu.memory_space<vmem>>) target_semaphore(%run_scoped3A : memref<!tpu.dma_semaphore, #tpu.memory_space<semaphore_mem>>)
      %dma_wait3A_345 = tpu.memref_slice %arg2[%mul3A_2] : memref<16384xi32, #tpu.memory_space<hbm>> -> memref<512xi32, #tpu.memory_space<hbm>>
      %dma_wait3A_346 = tpu.memref_slice %arg2[%mul3A_2] : memref<16384xi32, #tpu.memory_space<hbm>> -> memref<512xi32, #tpu.memory_space<hbm>>
      tpu.wait_dma2 semaphore(%run_scoped3A : memref<!tpu.dma_semaphore, #tpu.memory_space<semaphore_mem>>) src(%dma_wait3A_346 : memref<512xi32, #tpu.memory_space<hbm>>) dst(%arg9 : memref<512xi32, #tpu.memory_space<vmem>>)
      tpu.yield
    }) : () -> ()
    "tpu.region"() ({
      %run_scoped3A = tpu.sem_alloc : memref<!tpu.dma_semaphore, #tpu.memory_space<semaphore_mem>>
      %dma_start3A_343 = tpu.memref_slice %arg3[%mul3A_2] : memref<16384xi32, #tpu.memory_space<hbm>> -> memref<512xi32, #tpu.memory_space<hbm>>
      %dma_start3A_344 = tpu.memref_slice %arg3[%mul3A_2] : memref<16384xi32, #tpu.memory_space<hbm>> -> memref<512xi32, #tpu.memory_space<hbm>>
      tpu.enqueue_dma source(%dma_start3A_344 : memref<512xi32, #tpu.memory_space<hbm>>) target(%arg10 : memref<512xi32, #tpu.memory_space<vmem>>) target_semaphore(%run_scoped3A : memref<!tpu.dma_semaphore, #tpu.memory_space<semaphore_mem>>)
      %dma_wait3A_345 = tpu.memref_slice %arg3[%mul3A_2] : memref<16384xi32, #tpu.memory_space<hbm>> -> memref<512xi32, #tpu.memory_space<hbm>>
      %dma_wait3A_346 = tpu.memref_slice %arg3[%mul3A_2] : memref<16384xi32, #tpu.memory_space<hbm>> -> memref<512xi32, #tpu.memory_space<hbm>>
      tpu.wait_dma2 semaphore(%run_scoped3A : memref<!tpu.dma_semaphore, #tpu.memory_space<semaphore_mem>>) src(%dma_wait3A_346 : memref<512xi32, #tpu.memory_space<hbm>>) dst(%arg10 : memref<512xi32, #tpu.memory_space<vmem>>)
      tpu.yield
    }) : () -> ()
    %dma_start3A = arith.constant 0 : i32
    %dma_start3A_3 = tpu.memref_slice %arg7[%dma_start3A] : memref<100000xf32, #tpu.memory_space<hbm>> -> memref<100000xf32, #tpu.memory_space<hbm>>
    tpu.enqueue_indirect_dma source(%dma_start3A_3 : memref<100000xf32, #tpu.memory_space<hbm>>) target(%arg14 : memref<512xf32, #tpu.memory_space<vmem>>) offsets(%arg10 : memref<512xi32, #tpu.memory_space<vmem>>) semaphore(%arg17 : memref<!tpu.dma_semaphore, #tpu.memory_space<semaphore_mem>>)
    %iota3A = tpu.iota {dimensions = array<i32: 0>} : vector<16xi32>
    %dma_start3A_4 = arith.constant 0 : i32
    %dma_start3A_5 = arith.constant 0 : i32
    %dma_start3A_6 = arith.constant 0 : i32
    %dma_start3A_7 = tpu.memref_slice %arg11[%dma_start3A_4, %dma_start3A_5, %dma_start3A_6] : memref<2x128x128xf32, #tpu.memory_space<vmem>> -> memref<1x128x128xf32, #tpu.memory_space<vmem>>
    %dma_start3A_8 = tpu.memref_squeeze %dma_start3A_7 : memref<1x128x128xf32, #tpu.memory_space<vmem>> -> memref<128x128xf32, #tpu.memory_space<vmem>>
    %dma_start3A_9 = arith.constant 0 : i32
    %dma_start3A_10 = tpu.memref_slice %arg9[%dma_start3A_9] : memref<512xi32, #tpu.memory_space<vmem>> -> memref<128xi32, #tpu.memory_space<vmem>>
    %dma_start3A_11 = arith.constant 0 : i32
    %dma_start3A_12 = arith.constant 0 : i32
    %dma_start3A_13 = tpu.memref_slice %arg5[%dma_start3A_11, %dma_start3A_12] : memref<1000000x128xf32, #tpu.memory_space<hbm>> -> memref<1000000x128xf32, #tpu.memory_space<hbm>>
    tpu.enqueue_indirect_dma source(%dma_start3A_13 : memref<1000000x128xf32, #tpu.memory_space<hbm>>) target(%dma_start3A_8 : memref<128x128xf32, #tpu.memory_space<vmem>>) offsets(%dma_start3A_10 : memref<128xi32, #tpu.memory_space<vmem>>) semaphore(%arg18 : memref<!tpu.dma_semaphore, #tpu.memory_space<semaphore_mem>>)
    %dma_start3A_14 = arith.constant 0 : i32
    %dma_start3A_15 = arith.constant 0 : i32
    %dma_start3A_16 = arith.constant 0 : i32
    %dma_start3A_17 = tpu.memref_slice %arg12[%dma_start3A_14, %dma_start3A_15, %dma_start3A_16] : memref<2x128x128xf32, #tpu.memory_space<vmem>> -> memref<1x128x128xf32, #tpu.memory_space<vmem>>
    %dma_start3A_18 = tpu.memref_squeeze %dma_start3A_17 : memref<1x128x128xf32, #tpu.memory_space<vmem>> -> memref<128x128xf32, #tpu.memory_space<vmem>>
    %dma_start3A_19 = arith.constant 0 : i32
    %dma_start3A_20 = tpu.memref_slice %arg10[%dma_start3A_19] : memref<512xi32, #tpu.memory_space<vmem>> -> memref<128xi32, #tpu.memory_space<vmem>>
    %dma_start3A_21 = arith.constant 0 : i32
    %dma_start3A_22 = arith.constant 0 : i32
    %dma_start3A_23 = tpu.memref_slice %arg6[%dma_start3A_21, %dma_start3A_22] : memref<100000x128xf32, #tpu.memory_space<hbm>> -> memref<100000x128xf32, #tpu.memory_space<hbm>>
    tpu.enqueue_indirect_dma source(%dma_start3A_23 : memref<100000x128xf32, #tpu.memory_space<hbm>>) target(%dma_start3A_18 : memref<128x128xf32, #tpu.memory_space<vmem>>) offsets(%dma_start3A_20 : memref<128xi32, #tpu.memory_space<vmem>>) semaphore(%arg19 : memref<!tpu.dma_semaphore, #tpu.memory_space<semaphore_mem>>)
    %add3A_24 = arith.constant 0 : i32
    %add3A_25 = arith.addi %mul3A_2, %add3A_24 : i32
    %dma_start3A_26 = arith.constant 0 : i32
    %dma_start3A_27 = arith.constant 0 : i32
    %dma_start3A_28 = arith.constant 0 : i32
    %dma_start3A_29 = tpu.memref_slice %arg13[%dma_start3A_26, %dma_start3A_27, %dma_start3A_28] : memref<2x128x128xf32, #tpu.memory_space<vmem>> -> memref<1x128x128xf32, #tpu.memory_space<vmem>>
    %dma_start3A_30 = tpu.memref_squeeze %dma_start3A_29 : memref<1x128x128xf32, #tpu.memory_space<vmem>> -> memref<128x128xf32, #tpu.memory_space<vmem>>
    %dma_start3A_31 = arith.constant 0 : i32
    %dma_start3A_32 = tpu.memref_slice %arg4[%add3A_25, %dma_start3A_31] : memref<16384x128xf32, #tpu.memory_space<hbm>> -> memref<128x128xf32, #tpu.memory_space<hbm>>
    %dma_start3A_33 = arith.constant 0 : i32
    %dma_start3A_34 = arith.constant 0 : i32
    %dma_start3A_35 = tpu.memref_slice %arg13[%dma_start3A_26, %dma_start3A_33, %dma_start3A_34] : memref<2x128x128xf32, #tpu.memory_space<vmem>> -> memref<1x128x128xf32, #tpu.memory_space<vmem>>
    %dma_start3A_36 = tpu.memref_squeeze %dma_start3A_35 : memref<1x128x128xf32, #tpu.memory_space<vmem>> -> memref<128x128xf32, #tpu.memory_space<vmem>>
    %dma_start3A_37 = arith.constant 0 : i32
    %dma_start3A_38 = tpu.memref_slice %arg4[%add3A_25, %dma_start3A_37] : memref<16384x128xf32, #tpu.memory_space<hbm>> -> memref<128x128xf32, #tpu.memory_space<hbm>>
    tpu.enqueue_dma source(%dma_start3A_38 : memref<128x128xf32, #tpu.memory_space<hbm>>) target(%dma_start3A_36 : memref<128x128xf32, #tpu.memory_space<vmem>>) target_semaphore(%arg20 : memref<!tpu.dma_semaphore, #tpu.memory_space<semaphore_mem>>)
    %dma_start3A_39 = arith.constant 1 : i32
    %dma_start3A_40 = arith.constant 0 : i32
    %dma_start3A_41 = arith.constant 0 : i32
    %dma_start3A_42 = tpu.memref_slice %arg11[%dma_start3A_39, %dma_start3A_40, %dma_start3A_41] : memref<2x128x128xf32, #tpu.memory_space<vmem>> -> memref<1x128x128xf32, #tpu.memory_space<vmem>>
    %dma_start3A_43 = tpu.memref_squeeze %dma_start3A_42 : memref<1x128x128xf32, #tpu.memory_space<vmem>> -> memref<128x128xf32, #tpu.memory_space<vmem>>
    %dma_start3A_44 = arith.constant 128 : i32
    %dma_start3A_45 = tpu.memref_slice %arg9[%dma_start3A_44] : memref<512xi32, #tpu.memory_space<vmem>> -> memref<128xi32, #tpu.memory_space<vmem>>
    %dma_start3A_46 = arith.constant 0 : i32
    %dma_start3A_47 = arith.constant 0 : i32
    %dma_start3A_48 = tpu.memref_slice %arg5[%dma_start3A_46, %dma_start3A_47] : memref<1000000x128xf32, #tpu.memory_space<hbm>> -> memref<1000000x128xf32, #tpu.memory_space<hbm>>
    tpu.enqueue_indirect_dma source(%dma_start3A_48 : memref<1000000x128xf32, #tpu.memory_space<hbm>>) target(%dma_start3A_43 : memref<128x128xf32, #tpu.memory_space<vmem>>) offsets(%dma_start3A_45 : memref<128xi32, #tpu.memory_space<vmem>>) semaphore(%arg21 : memref<!tpu.dma_semaphore, #tpu.memory_space<semaphore_mem>>)
    %dma_start3A_49 = arith.constant 1 : i32
    %dma_start3A_50 = arith.constant 0 : i32
    %dma_start3A_51 = arith.constant 0 : i32
    %dma_start3A_52 = tpu.memref_slice %arg12[%dma_start3A_49, %dma_start3A_50, %dma_start3A_51] : memref<2x128x128xf32, #tpu.memory_space<vmem>> -> memref<1x128x128xf32, #tpu.memory_space<vmem>>
    %dma_start3A_53 = tpu.memref_squeeze %dma_start3A_52 : memref<1x128x128xf32, #tpu.memory_space<vmem>> -> memref<128x128xf32, #tpu.memory_space<vmem>>
    %dma_start3A_54 = arith.constant 128 : i32
    %dma_start3A_55 = tpu.memref_slice %arg10[%dma_start3A_54] : memref<512xi32, #tpu.memory_space<vmem>> -> memref<128xi32, #tpu.memory_space<vmem>>
    %dma_start3A_56 = arith.constant 0 : i32
    %dma_start3A_57 = arith.constant 0 : i32
    %dma_start3A_58 = tpu.memref_slice %arg6[%dma_start3A_56, %dma_start3A_57] : memref<100000x128xf32, #tpu.memory_space<hbm>> -> memref<100000x128xf32, #tpu.memory_space<hbm>>
    tpu.enqueue_indirect_dma source(%dma_start3A_58 : memref<100000x128xf32, #tpu.memory_space<hbm>>) target(%dma_start3A_53 : memref<128x128xf32, #tpu.memory_space<vmem>>) offsets(%dma_start3A_55 : memref<128xi32, #tpu.memory_space<vmem>>) semaphore(%arg22 : memref<!tpu.dma_semaphore, #tpu.memory_space<semaphore_mem>>)
    %add3A_59 = arith.constant 128 : i32
    %add3A_60 = arith.addi %mul3A_2, %add3A_59 : i32
    %dma_start3A_61 = arith.constant 1 : i32
    %dma_start3A_62 = arith.constant 0 : i32
    %dma_start3A_63 = arith.constant 0 : i32
    %dma_start3A_64 = tpu.memref_slice %arg13[%dma_start3A_61, %dma_start3A_62, %dma_start3A_63] : memref<2x128x128xf32, #tpu.memory_space<vmem>> -> memref<1x128x128xf32, #tpu.memory_space<vmem>>
    %dma_start3A_65 = tpu.memref_squeeze %dma_start3A_64 : memref<1x128x128xf32, #tpu.memory_space<vmem>> -> memref<128x128xf32, #tpu.memory_space<vmem>>
    %dma_start3A_66 = arith.constant 0 : i32
    %dma_start3A_67 = tpu.memref_slice %arg4[%add3A_60, %dma_start3A_66] : memref<16384x128xf32, #tpu.memory_space<hbm>> -> memref<128x128xf32, #tpu.memory_space<hbm>>
    %dma_start3A_68 = arith.constant 0 : i32
    %dma_start3A_69 = arith.constant 0 : i32
    %dma_start3A_70 = tpu.memref_slice %arg13[%dma_start3A_61, %dma_start3A_68, %dma_start3A_69] : memref<2x128x128xf32, #tpu.memory_space<vmem>> -> memref<1x128x128xf32, #tpu.memory_space<vmem>>
    %dma_start3A_71 = tpu.memref_squeeze %dma_start3A_70 : memref<1x128x128xf32, #tpu.memory_space<vmem>> -> memref<128x128xf32, #tpu.memory_space<vmem>>
    %dma_start3A_72 = arith.constant 0 : i32
    %dma_start3A_73 = tpu.memref_slice %arg4[%add3A_60, %dma_start3A_72] : memref<16384x128xf32, #tpu.memory_space<hbm>> -> memref<128x128xf32, #tpu.memory_space<hbm>>
    tpu.enqueue_dma source(%dma_start3A_73 : memref<128x128xf32, #tpu.memory_space<hbm>>) target(%dma_start3A_71 : memref<128x128xf32, #tpu.memory_space<vmem>>) target_semaphore(%arg23 : memref<!tpu.dma_semaphore, #tpu.memory_space<semaphore_mem>>)
    %dma_wait3A = arith.constant 0 : i32
    %dma_wait3A_74 = tpu.memref_slice %arg7[%dma_wait3A] : memref<100000xf32, #tpu.memory_space<hbm>> -> memref<100000xf32, #tpu.memory_space<hbm>>
    tpu.wait_indirect_dma semaphore(%arg17 : memref<!tpu.dma_semaphore, #tpu.memory_space<semaphore_mem>>) src(%dma_wait3A_74 : memref<100000xf32, #tpu.memory_space<hbm>>) dst(%arg14 : memref<512xf32, #tpu.memory_space<vmem>>)
    %dma_wait3A_75 = arith.constant 0 : i32
    %dma_wait3A_76 = arith.constant 0 : i32
    %dma_wait3A_77 = arith.constant 0 : i32
    %dma_wait3A_78 = tpu.memref_slice %arg11[%dma_wait3A_75, %dma_wait3A_76, %dma_wait3A_77] : memref<2x128x128xf32, #tpu.memory_space<vmem>> -> memref<1x128x128xf32, #tpu.memory_space<vmem>>
    %dma_wait3A_79 = tpu.memref_squeeze %dma_wait3A_78 : memref<1x128x128xf32, #tpu.memory_space<vmem>> -> memref<128x128xf32, #tpu.memory_space<vmem>>
    %dma_wait3A_80 = arith.constant 0 : i32
    %dma_wait3A_81 = tpu.memref_slice %arg9[%dma_wait3A_80] : memref<512xi32, #tpu.memory_space<vmem>> -> memref<128xi32, #tpu.memory_space<vmem>>
    %dma_wait3A_82 = arith.constant 0 : i32
    %dma_wait3A_83 = arith.constant 0 : i32
    %dma_wait3A_84 = tpu.memref_slice %arg5[%dma_wait3A_82, %dma_wait3A_83] : memref<1000000x128xf32, #tpu.memory_space<hbm>> -> memref<1000000x128xf32, #tpu.memory_space<hbm>>
    tpu.wait_indirect_dma semaphore(%arg18 : memref<!tpu.dma_semaphore, #tpu.memory_space<semaphore_mem>>) src(%dma_wait3A_84 : memref<1000000x128xf32, #tpu.memory_space<hbm>>) dst(%dma_wait3A_79 : memref<128x128xf32, #tpu.memory_space<vmem>>)
    %dma_wait3A_85 = arith.constant 0 : i32
    %dma_wait3A_86 = arith.constant 0 : i32
    %dma_wait3A_87 = arith.constant 0 : i32
    %dma_wait3A_88 = tpu.memref_slice %arg12[%dma_wait3A_85, %dma_wait3A_86, %dma_wait3A_87] : memref<2x128x128xf32, #tpu.memory_space<vmem>> -> memref<1x128x128xf32, #tpu.memory_space<vmem>>
    %dma_wait3A_89 = tpu.memref_squeeze %dma_wait3A_88 : memref<1x128x128xf32, #tpu.memory_space<vmem>> -> memref<128x128xf32, #tpu.memory_space<vmem>>
    %dma_wait3A_90 = arith.constant 0 : i32
    %dma_wait3A_91 = tpu.memref_slice %arg10[%dma_wait3A_90] : memref<512xi32, #tpu.memory_space<vmem>> -> memref<128xi32, #tpu.memory_space<vmem>>
    %dma_wait3A_92 = arith.constant 0 : i32
    %dma_wait3A_93 = arith.constant 0 : i32
    %dma_wait3A_94 = tpu.memref_slice %arg6[%dma_wait3A_92, %dma_wait3A_93] : memref<100000x128xf32, #tpu.memory_space<hbm>> -> memref<100000x128xf32, #tpu.memory_space<hbm>>
    tpu.wait_indirect_dma semaphore(%arg19 : memref<!tpu.dma_semaphore, #tpu.memory_space<semaphore_mem>>) src(%dma_wait3A_94 : memref<100000x128xf32, #tpu.memory_space<hbm>>) dst(%dma_wait3A_89 : memref<128x128xf32, #tpu.memory_space<vmem>>)
    %dma_wait3A_95 = arith.constant 0 : i32
    %dma_wait3A_96 = arith.constant 0 : i32
    %dma_wait3A_97 = arith.constant 0 : i32
    %dma_wait3A_98 = tpu.memref_slice %arg13[%dma_wait3A_95, %dma_wait3A_96, %dma_wait3A_97] : memref<2x128x128xf32, #tpu.memory_space<vmem>> -> memref<1x128x128xf32, #tpu.memory_space<vmem>>
    %dma_wait3A_99 = tpu.memref_squeeze %dma_wait3A_98 : memref<1x128x128xf32, #tpu.memory_space<vmem>> -> memref<128x128xf32, #tpu.memory_space<vmem>>
    %dma_wait3A_100 = arith.constant 0 : i32
    %dma_wait3A_101 = tpu.memref_slice %arg4[%add3A_25, %dma_wait3A_100] : memref<16384x128xf32, #tpu.memory_space<hbm>> -> memref<128x128xf32, #tpu.memory_space<hbm>>
    %dma_wait3A_102 = arith.constant 0 : i32
    %dma_wait3A_103 = arith.constant 0 : i32
    %dma_wait3A_104 = tpu.memref_slice %arg13[%dma_wait3A_95, %dma_wait3A_102, %dma_wait3A_103] : memref<2x128x128xf32, #tpu.memory_space<vmem>> -> memref<1x128x128xf32, #tpu.memory_space<vmem>>
    %dma_wait3A_105 = tpu.memref_squeeze %dma_wait3A_104 : memref<1x128x128xf32, #tpu.memory_space<vmem>> -> memref<128x128xf32, #tpu.memory_space<vmem>>
    %dma_wait3A_106 = arith.constant 0 : i32
    %dma_wait3A_107 = tpu.memref_slice %arg4[%add3A_25, %dma_wait3A_106] : memref<16384x128xf32, #tpu.memory_space<hbm>> -> memref<128x128xf32, #tpu.memory_space<hbm>>
    tpu.wait_dma2 semaphore(%arg20 : memref<!tpu.dma_semaphore, #tpu.memory_space<semaphore_mem>>) src(%dma_wait3A_107 : memref<128x128xf32, #tpu.memory_space<hbm>>) dst(%dma_wait3A_105 : memref<128x128xf32, #tpu.memory_space<vmem>>)
    %broadcast_in_dim3A = arith.constant 0.000000e+00 : f32
    %broadcast_in_dim3A_108 = vector.broadcast %broadcast_in_dim3A : f32 to vector<16xf32>
    %scan3A = arith.constant 0 : i32
    %scan3A_109 = arith.constant 0 : i32
    %scan3A_110 = arith.constant 0 : i32
    %scan3A_111 = arith.constant 0 : i32
    %scan3A_112 = arith.constant 128 : i32
    %scan3A_113 = arith.addi %scan3A_111, %scan3A_112 : i32
    %scan3A_114 = arith.constant 4 : i32
    %scan3A_115 = scf.for %scan3A_343 = %scan3A_111 to %scan3A_113 step %scan3A_114 iter_args(%scan3A_344 = %broadcast_in_dim3A_108) -> (vector<16xf32>)  : i32 {
      %broadcast_in_dim3A_345 = arith.constant 0.000000e+00 : f32
      %broadcast_in_dim3A_346 = vector.broadcast %broadcast_in_dim3A_345 : f32 to vector<16xf32>
      %get3A = arith.constant 0 : i32
      %get3A_347 = arith.constant 0 : i32
      %get3A_348 = tpu.memref_slice %arg11[%scan3A, %get3A, %get3A_347] : memref<2x128x128xf32, #tpu.memory_space<vmem>> -> memref<1x128x128xf32, #tpu.memory_space<vmem>>
      %get3A_349 = tpu.memref_squeeze %get3A_348 : memref<1x128x128xf32, #tpu.memory_space<vmem>> -> memref<128x128xf32, #tpu.memory_space<vmem>>
      %get3A_350 = arith.index_cast %scan3A_343 : i32 to index
      %get3A_351 = arith.constant 0 : index
      %get3A_352 = tpu.vector_load %get3A_349[%get3A_350, %get3A_351] {strides = array<i32>} : memref<128x128xf32, #tpu.memory_space<vmem>>, vector<16xf32>,
      %get3A_353 = arith.constant 0 : i32
      %get3A_354 = arith.constant 0 : i32
      %get3A_355 = tpu.memref_slice %arg12[%scan3A_109, %get3A_353, %get3A_354] : memref<2x128x128xf32, #tpu.memory_space<vmem>> -> memref<1x128x128xf32, #tpu.memory_space<vmem>>
      %get3A_356 = tpu.memref_squeeze %get3A_355 : memref<1x128x128xf32, #tpu.memory_space<vmem>> -> memref<128x128xf32, #tpu.memory_space<vmem>>
      %get3A_357 = arith.index_cast %scan3A_343 : i32 to index
      %get3A_358 = arith.constant 0 : index
      %get3A_359 = tpu.vector_load %get3A_356[%get3A_357, %get3A_358] {strides = array<i32>} : memref<128x128xf32, #tpu.memory_space<vmem>>, vector<16xf32>,
      %get3A_360 = arith.constant 0 : i32
      %get3A_361 = arith.constant 0 : i32
      %get3A_362 = tpu.memref_slice %arg13[%scan3A_110, %get3A_360, %get3A_361] : memref<2x128x128xf32, #tpu.memory_space<vmem>> -> memref<1x128x128xf32, #tpu.memory_space<vmem>>
      %get3A_363 = tpu.memref_squeeze %get3A_362 : memref<1x128x128xf32, #tpu.memory_space<vmem>> -> memref<128x128xf32, #tpu.memory_space<vmem>>
      %get3A_364 = arith.index_cast %scan3A_343 : i32 to index
      %get3A_365 = arith.constant 0 : index
      %get3A_366 = tpu.vector_load %get3A_363[%get3A_364, %get3A_365] {strides = array<i32>} : memref<128x128xf32, #tpu.memory_space<vmem>>, vector<16xf32>,
      %mul3A_367 = arith.mulf %get3A_352, %get3A_352 : vector<16xf32>
      %mul3A_368 = arith.mulf %get3A_359, %get3A_359 : vector<16xf32>
      %mul3A_369 = arith.constant 0.00208333321 : f32
      %mul3A_370 = vector.broadcast %mul3A_369 : f32 to vector<16xf32>
      %mul3A_371 = arith.mulf %mul3A_367, %mul3A_370 : vector<16xf32>
      %add3A_372 = arith.constant -0.0208333321 : f32
      %add3A_373 = vector.broadcast %add3A_372 : f32 to vector<16xf32>
      %add3A_374 = arith.addf %add3A_373, %mul3A_371 : vector<16xf32>
      %mul3A_375 = arith.mulf %mul3A_367, %add3A_374 : vector<16xf32>
      %add3A_376 = arith.constant 2.500000e-01 : f32
      %add3A_377 = vector.broadcast %add3A_376 : f32 to vector<16xf32>
      %add3A_378 = arith.addf %add3A_377, %mul3A_375 : vector<16xf32>
      %mul3A_379 = arith.mulf %get3A_352, %add3A_378 : vector<16xf32>
      %mul3A_380 = arith.constant 0.00208333321 : f32
      %mul3A_381 = vector.broadcast %mul3A_380 : f32 to vector<16xf32>
      %mul3A_382 = arith.mulf %mul3A_368, %mul3A_381 : vector<16xf32>
      %add3A_383 = arith.constant -0.0208333321 : f32
      %add3A_384 = vector.broadcast %add3A_383 : f32 to vector<16xf32>
      %add3A_385 = arith.addf %add3A_384, %mul3A_382 : vector<16xf32>
      %mul3A_386 = arith.mulf %mul3A_368, %add3A_385 : vector<16xf32>
      %add3A_387 = arith.constant 2.500000e-01 : f32
      %add3A_388 = vector.broadcast %add3A_387 : f32 to vector<16xf32>
      %add3A_389 = arith.addf %add3A_388, %mul3A_386 : vector<16xf32>
      %mul3A_390 = arith.mulf %get3A_359, %add3A_389 : vector<16xf32>
      %sub3A = arith.subf %mul3A_379, %mul3A_390 : vector<16xf32>
      %mul3A_391 = arith.mulf %get3A_366, %sub3A : vector<16xf32>
      %add3A_392 = arith.addf %broadcast_in_dim3A_346, %mul3A_391 : vector<16xf32>
      %and3A = arith.constant 15 : i32
      %and3A_393 = arith.andi %scan3A_343, %and3A : i32
      %eq3A = vector.broadcast %and3A_393 : i32 to vector<16xi32>
      %eq3A_394 = arith.cmpi eq, %iota3A, %eq3A : vector<16xi32>
      %reduce_sum3A = arith.constant true
      %reduce_sum3A_395 = vector.broadcast %reduce_sum3A : i1 to vector<16xi1>
      %reduce_sum3A_396 = tpu.scan <sum>, %add3A_392 masked %reduce_sum3A_395 : vector<16xf32>, vector<16xi1> -> vector<16xf32>
      %reduce_sum3A_397 = vector.extract %reduce_sum3A_396[15] : f32 from vector<16xf32>
      %broadcast_in_dim3A_398 = vector.broadcast %reduce_sum3A_397 : f32 to vector<16xf32>
      %select_n3A = arith.select %eq3A_394, %broadcast_in_dim3A_398, %scan3A_344 : vector<16xi1>, vector<16xf32>
      %eq3A_399 = arith.constant 15 : i32
      %eq3A_400 = arith.cmpi eq, %and3A_393, %eq3A_399 : i32
      %convert_element_type3A = arith.extui %eq3A_400 : i1 to i32
      %cond3A = arith.constant 0 : i32
      %cond3A_401 = arith.cmpi ne, %convert_element_type3A, %cond3A : i32
      scf.if %cond3A_401 {
        %add3A_603 = arith.constant 0 : i32
        %add3A_604 = arith.addi %add3A_603, %scan3A_343 : i32
        %sub3A_605 = arith.constant 15 : i32
        %sub3A_606 = arith.subi %add3A_604, %sub3A_605 : i32
        %swap3A = arith.index_cast %sub3A_606 : i32 to index
        %swap3A_607 = tpu.vector_load %arg16[%swap3A] {strides = array<i32>} : memref<512xf32, #tpu.memory_space<vmem>>, vector<16xf32>,
        tpu.vector_store %arg16[%swap3A], %select_n3A {strides = array<i32>} : memref<512xf32, #tpu.memory_space<vmem>>, vector<16xf32>,
      } else {
      }
      %scan3A_402 = arith.constant 1 : i32
      %scan3A_403 = arith.addi %scan3A_343, %scan3A_402 : i32
      %broadcast_in_dim3A_404 = arith.constant 0.000000e+00 : f32
      %broadcast_in_dim3A_405 = vector.broadcast %broadcast_in_dim3A_404 : f32 to vector<16xf32>
      %get3A_406 = arith.constant 0 : i32
      %get3A_407 = arith.constant 0 : i32
      %get3A_408 = tpu.memref_slice %arg11[%scan3A, %get3A_406, %get3A_407] : memref<2x128x128xf32, #tpu.memory_space<vmem>> -> memref<1x128x128xf32, #tpu.memory_space<vmem>>
      %get3A_409 = tpu.memref_squeeze %get3A_408 : memref<1x128x128xf32, #tpu.memory_space<vmem>> -> memref<128x128xf32, #tpu.memory_space<vmem>>
      %get3A_410 = arith.index_cast %scan3A_403 : i32 to index
      %get3A_411 = arith.constant 0 : index
      %get3A_412 = tpu.vector_load %get3A_409[%get3A_410, %get3A_411] {strides = array<i32>} : memref<128x128xf32, #tpu.memory_space<vmem>>, vector<16xf32>,
      %get3A_413 = arith.constant 0 : i32
      %get3A_414 = arith.constant 0 : i32
      %get3A_415 = tpu.memref_slice %arg12[%scan3A_109, %get3A_413, %get3A_414] : memref<2x128x128xf32, #tpu.memory_space<vmem>> -> memref<1x128x128xf32, #tpu.memory_space<vmem>>
      %get3A_416 = tpu.memref_squeeze %get3A_415 : memref<1x128x128xf32, #tpu.memory_space<vmem>> -> memref<128x128xf32, #tpu.memory_space<vmem>>
      %get3A_417 = arith.index_cast %scan3A_403 : i32 to index
      %get3A_418 = arith.constant 0 : index
      %get3A_419 = tpu.vector_load %get3A_416[%get3A_417, %get3A_418] {strides = array<i32>} : memref<128x128xf32, #tpu.memory_space<vmem>>, vector<16xf32>,
      %get3A_420 = arith.constant 0 : i32
      %get3A_421 = arith.constant 0 : i32
      %get3A_422 = tpu.memref_slice %arg13[%scan3A_110, %get3A_420, %get3A_421] : memref<2x128x128xf32, #tpu.memory_space<vmem>> -> memref<1x128x128xf32, #tpu.memory_space<vmem>>
      %get3A_423 = tpu.memref_squeeze %get3A_422 : memref<1x128x128xf32, #tpu.memory_space<vmem>> -> memref<128x128xf32, #tpu.memory_space<vmem>>
      %get3A_424 = arith.index_cast %scan3A_403 : i32 to index
      %get3A_425 = arith.constant 0 : index
      %get3A_426 = tpu.vector_load %get3A_423[%get3A_424, %get3A_425] {strides = array<i32>} : memref<128x128xf32, #tpu.memory_space<vmem>>, vector<16xf32>,
      %mul3A_427 = arith.mulf %get3A_412, %get3A_412 : vector<16xf32>
      %mul3A_428 = arith.mulf %get3A_419, %get3A_419 : vector<16xf32>
      %mul3A_429 = arith.constant 0.00208333321 : f32
      %mul3A_430 = vector.broadcast %mul3A_429 : f32 to vector<16xf32>
      %mul3A_431 = arith.mulf %mul3A_427, %mul3A_430 : vector<16xf32>
      %add3A_432 = arith.constant -0.0208333321 : f32
      %add3A_433 = vector.broadcast %add3A_432 : f32 to vector<16xf32>
      %add3A_434 = arith.addf %add3A_433, %mul3A_431 : vector<16xf32>
      %mul3A_435 = arith.mulf %mul3A_427, %add3A_434 : vector<16xf32>
      %add3A_436 = arith.constant 2.500000e-01 : f32
      %add3A_437 = vector.broadcast %add3A_436 : f32 to vector<16xf32>
      %add3A_438 = arith.addf %add3A_437, %mul3A_435 : vector<16xf32>
      %mul3A_439 = arith.mulf %get3A_412, %add3A_438 : vector<16xf32>
      %mul3A_440 = arith.constant 0.00208333321 : f32
      %mul3A_441 = vector.broadcast %mul3A_440 : f32 to vector<16xf32>
      %mul3A_442 = arith.mulf %mul3A_428, %mul3A_441 : vector<16xf32>
      %add3A_443 = arith.constant -0.0208333321 : f32
      %add3A_444 = vector.broadcast %add3A_443 : f32 to vector<16xf32>
      %add3A_445 = arith.addf %add3A_444, %mul3A_442 : vector<16xf32>
      %mul3A_446 = arith.mulf %mul3A_428, %add3A_445 : vector<16xf32>
      %add3A_447 = arith.constant 2.500000e-01 : f32
      %add3A_448 = vector.broadcast %add3A_447 : f32 to vector<16xf32>
      %add3A_449 = arith.addf %add3A_448, %mul3A_446 : vector<16xf32>
      %mul3A_450 = arith.mulf %get3A_419, %add3A_449 : vector<16xf32>
      %sub3A_451 = arith.subf %mul3A_439, %mul3A_450 : vector<16xf32>
      %mul3A_452 = arith.mulf %get3A_426, %sub3A_451 : vector<16xf32>
      %add3A_453 = arith.addf %broadcast_in_dim3A_405, %mul3A_452 : vector<16xf32>
      %and3A_454 = arith.constant 15 : i32
      %and3A_455 = arith.andi %scan3A_403, %and3A_454 : i32
      %eq3A_456 = vector.broadcast %and3A_455 : i32 to vector<16xi32>
      %eq3A_457 = arith.cmpi eq, %iota3A, %eq3A_456 : vector<16xi32>
      %reduce_sum3A_458 = arith.constant true
      %reduce_sum3A_459 = vector.broadcast %reduce_sum3A_458 : i1 to vector<16xi1>
      %reduce_sum3A_460 = tpu.scan <sum>, %add3A_453 masked %reduce_sum3A_459 : vector<16xf32>, vector<16xi1> -> vector<16xf32>
      %reduce_sum3A_461 = vector.extract %reduce_sum3A_460[15] : f32 from vector<16xf32>
      %broadcast_in_dim3A_462 = vector.broadcast %reduce_sum3A_461 : f32 to vector<16xf32>
      %select_n3A_463 = arith.select %eq3A_457, %broadcast_in_dim3A_462, %select_n3A : vector<16xi1>, vector<16xf32>
      %eq3A_464 = arith.constant 15 : i32
      %eq3A_465 = arith.cmpi eq, %and3A_455, %eq3A_464 : i32
      %convert_element_type3A_466 = arith.extui %eq3A_465 : i1 to i32
      %cond3A_467 = arith.constant 0 : i32
      %cond3A_468 = arith.cmpi ne, %convert_element_type3A_466, %cond3A_467 : i32
      scf.if %cond3A_468 {
        %add3A_603 = arith.constant 0 : i32
        %add3A_604 = arith.addi %add3A_603, %scan3A_403 : i32
        %sub3A_605 = arith.constant 15 : i32
        %sub3A_606 = arith.subi %add3A_604, %sub3A_605 : i32
        %swap3A = arith.index_cast %sub3A_606 : i32 to index
        %swap3A_607 = tpu.vector_load %arg16[%swap3A] {strides = array<i32>} : memref<512xf32, #tpu.memory_space<vmem>>, vector<16xf32>,
        tpu.vector_store %arg16[%swap3A], %select_n3A_463 {strides = array<i32>} : memref<512xf32, #tpu.memory_space<vmem>>, vector<16xf32>,
      } else {
      }
      %scan3A_469 = arith.constant 2 : i32
      %scan3A_470 = arith.addi %scan3A_343, %scan3A_469 : i32
      %broadcast_in_dim3A_471 = arith.constant 0.000000e+00 : f32
      %broadcast_in_dim3A_472 = vector.broadcast %broadcast_in_dim3A_471 : f32 to vector<16xf32>
      %get3A_473 = arith.constant 0 : i32
      %get3A_474 = arith.constant 0 : i32
      %get3A_475 = tpu.memref_slice %arg11[%scan3A, %get3A_473, %get3A_474] : memref<2x128x128xf32, #tpu.memory_space<vmem>> -> memref<1x128x128xf32, #tpu.memory_space<vmem>>
      %get3A_476 = tpu.memref_squeeze %get3A_475 : memref<1x128x128xf32, #tpu.memory_space<vmem>> -> memref<128x128xf32, #tpu.memory_space<vmem>>
      %get3A_477 = arith.index_cast %scan3A_470 : i32 to index
      %get3A_478 = arith.constant 0 : index
      %get3A_479 = tpu.vector_load %get3A_476[%get3A_477, %get3A_478] {strides = array<i32>} : memref<128x128xf32, #tpu.memory_space<vmem>>, vector<16xf32>,
      %get3A_480 = arith.constant 0 : i32
      %get3A_481 = arith.constant 0 : i32
      %get3A_482 = tpu.memref_slice %arg12[%scan3A_109, %get3A_480, %get3A_481] : memref<2x128x128xf32, #tpu.memory_space<vmem>> -> memref<1x128x128xf32, #tpu.memory_space<vmem>>
      %get3A_483 = tpu.memref_squeeze %get3A_482 : memref<1x128x128xf32, #tpu.memory_space<vmem>> -> memref<128x128xf32, #tpu.memory_space<vmem>>
      %get3A_484 = arith.index_cast %scan3A_470 : i32 to index
      %get3A_485 = arith.constant 0 : index
      %get3A_486 = tpu.vector_load %get3A_483[%get3A_484, %get3A_485] {strides = array<i32>} : memref<128x128xf32, #tpu.memory_space<vmem>>, vector<16xf32>,
      %get3A_487 = arith.constant 0 : i32
      %get3A_488 = arith.constant 0 : i32
      %get3A_489 = tpu.memref_slice %arg13[%scan3A_110, %get3A_487, %get3A_488] : memref<2x128x128xf32, #tpu.memory_space<vmem>> -> memref<1x128x128xf32, #tpu.memory_space<vmem>>
      %get3A_490 = tpu.memref_squeeze %get3A_489 : memref<1x128x128xf32, #tpu.memory_space<vmem>> -> memref<128x128xf32, #tpu.memory_space<vmem>>
      %get3A_491 = arith.index_cast %scan3A_470 : i32 to index
      %get3A_492 = arith.constant 0 : index
      %get3A_493 = tpu.vector_load %get3A_490[%get3A_491, %get3A_492] {strides = array<i32>} : memref<128x128xf32, #tpu.memory_space<vmem>>, vector<16xf32>,
      %mul3A_494 = arith.mulf %get3A_479, %get3A_479 : vector<16xf32>
      %mul3A_495 = arith.mulf %get3A_486, %get3A_486 : vector<16xf32>
      %mul3A_496 = arith.constant 0.00208333321 : f32
      %mul3A_497 = vector.broadcast %mul3A_496 : f32 to vector<16xf32>
      %mul3A_498 = arith.mulf %mul3A_494, %mul3A_497 : vector<16xf32>
      %add3A_499 = arith.constant -0.0208333321 : f32
      %add3A_500 = vector.broadcast %add3A_499 : f32 to vector<16xf32>
      %add3A_501 = arith.addf %add3A_500, %mul3A_498 : vector<16xf32>
      %mul3A_502 = arith.mulf %mul3A_494, %add3A_501 : vector<16xf32>
      %add3A_503 = arith.constant 2.500000e-01 : f32
      %add3A_504 = vector.broadcast %add3A_503 : f32 to vector<16xf32>
      %add3A_505 = arith.addf %add3A_504, %mul3A_502 : vector<16xf32>
      %mul3A_506 = arith.mulf %get3A_479, %add3A_505 : vector<16xf32>
      %mul3A_507 = arith.constant 0.00208333321 : f32
      %mul3A_508 = vector.broadcast %mul3A_507 : f32 to vector<16xf32>
      %mul3A_509 = arith.mulf %mul3A_495, %mul3A_508 : vector<16xf32>
      %add3A_510 = arith.constant -0.0208333321 : f32
      %add3A_511 = vector.broadcast %add3A_510 : f32 to vector<16xf32>
      %add3A_512 = arith.addf %add3A_511, %mul3A_509 : vector<16xf32>
      %mul3A_513 = arith.mulf %mul3A_495, %add3A_512 : vector<16xf32>
      %add3A_514 = arith.constant 2.500000e-01 : f32
      %add3A_515 = vector.broadcast %add3A_514 : f32 to vector<16xf32>
      %add3A_516 = arith.addf %add3A_515, %mul3A_513 : vector<16xf32>
      %mul3A_517 = arith.mulf %get3A_486, %add3A_516 : vector<16xf32>
      %sub3A_518 = arith.subf %mul3A_506, %mul3A_517 : vector<16xf32>
      %mul3A_519 = arith.mulf %get3A_493, %sub3A_518 : vector<16xf32>
      %add3A_520 = arith.addf %broadcast_in_dim3A_472, %mul3A_519 : vector<16xf32>
      %and3A_521 = arith.constant 15 : i32
      %and3A_522 = arith.andi %scan3A_470, %and3A_521 : i32
      %eq3A_523 = vector.broadcast %and3A_522 : i32 to vector<16xi32>
      %eq3A_524 = arith.cmpi eq, %iota3A, %eq3A_523 : vector<16xi32>
      %reduce_sum3A_525 = arith.constant true
      %reduce_sum3A_526 = vector.broadcast %reduce_sum3A_525 : i1 to vector<16xi1>
      %reduce_sum3A_527 = tpu.scan <sum>, %add3A_520 masked %reduce_sum3A_526 : vector<16xf32>, vector<16xi1> -> vector<16xf32>
      %reduce_sum3A_528 = vector.extract %reduce_sum3A_527[15] : f32 from vector<16xf32>
      %broadcast_in_dim3A_529 = vector.broadcast %reduce_sum3A_528 : f32 to vector<16xf32>
      %select_n3A_530 = arith.select %eq3A_524, %broadcast_in_dim3A_529, %select_n3A_463 : vector<16xi1>, vector<16xf32>
      %eq3A_531 = arith.constant 15 : i32
      %eq3A_532 = arith.cmpi eq, %and3A_522, %eq3A_531 : i32
      %convert_element_type3A_533 = arith.extui %eq3A_532 : i1 to i32
      %cond3A_534 = arith.constant 0 : i32
      %cond3A_535 = arith.cmpi ne, %convert_element_type3A_533, %cond3A_534 : i32
      scf.if %cond3A_535 {
        %add3A_603 = arith.constant 0 : i32
        %add3A_604 = arith.addi %add3A_603, %scan3A_470 : i32
        %sub3A_605 = arith.constant 15 : i32
        %sub3A_606 = arith.subi %add3A_604, %sub3A_605 : i32
        %swap3A = arith.index_cast %sub3A_606 : i32 to index
        %swap3A_607 = tpu.vector_load %arg16[%swap3A] {strides = array<i32>} : memref<512xf32, #tpu.memory_space<vmem>>, vector<16xf32>,
        tpu.vector_store %arg16[%swap3A], %select_n3A_530 {strides = array<i32>} : memref<512xf32, #tpu.memory_space<vmem>>, vector<16xf32>,
      } else {
      }
      %scan3A_536 = arith.constant 3 : i32
      %scan3A_537 = arith.addi %scan3A_343, %scan3A_536 : i32
      %broadcast_in_dim3A_538 = arith.constant 0.000000e+00 : f32
      %broadcast_in_dim3A_539 = vector.broadcast %broadcast_in_dim3A_538 : f32 to vector<16xf32>
      %get3A_540 = arith.constant 0 : i32
      %get3A_541 = arith.constant 0 : i32
      %get3A_542 = tpu.memref_slice %arg11[%scan3A, %get3A_540, %get3A_541] : memref<2x128x128xf32, #tpu.memory_space<vmem>> -> memref<1x128x128xf32, #tpu.memory_space<vmem>>
      %get3A_543 = tpu.memref_squeeze %get3A_542 : memref<1x128x128xf32, #tpu.memory_space<vmem>> -> memref<128x128xf32, #tpu.memory_space<vmem>>
      %get3A_544 = arith.index_cast %scan3A_537 : i32 to index
      %get3A_545 = arith.constant 0 : index
      %get3A_546 = tpu.vector_load %get3A_543[%get3A_544, %get3A_545] {strides = array<i32>} : memref<128x128xf32, #tpu.memory_space<vmem>>, vector<16xf32>,
      %get3A_547 = arith.constant 0 : i32
      %get3A_548 = arith.constant 0 : i32
      %get3A_549 = tpu.memref_slice %arg12[%scan3A_109, %get3A_547, %get3A_548] : memref<2x128x128xf32, #tpu.memory_space<vmem>> -> memref<1x128x128xf32, #tpu.memory_space<vmem>>
      %get3A_550 = tpu.memref_squeeze %get3A_549 : memref<1x128x128xf32, #tpu.memory_space<vmem>> -> memref<128x128xf32, #tpu.memory_space<vmem>>
      %get3A_551 = arith.index_cast %scan3A_537 : i32 to index
      %get3A_552 = arith.constant 0 : index
      %get3A_553 = tpu.vector_load %get3A_550[%get3A_551, %get3A_552] {strides = array<i32>} : memref<128x128xf32, #tpu.memory_space<vmem>>, vector<16xf32>,
      %get3A_554 = arith.constant 0 : i32
      %get3A_555 = arith.constant 0 : i32
      %get3A_556 = tpu.memref_slice %arg13[%scan3A_110, %get3A_554, %get3A_555] : memref<2x128x128xf32, #tpu.memory_space<vmem>> -> memref<1x128x128xf32, #tpu.memory_space<vmem>>
      %get3A_557 = tpu.memref_squeeze %get3A_556 : memref<1x128x128xf32, #tpu.memory_space<vmem>> -> memref<128x128xf32, #tpu.memory_space<vmem>>
      %get3A_558 = arith.index_cast %scan3A_537 : i32 to index
      %get3A_559 = arith.constant 0 : index
      %get3A_560 = tpu.vector_load %get3A_557[%get3A_558, %get3A_559] {strides = array<i32>} : memref<128x128xf32, #tpu.memory_space<vmem>>, vector<16xf32>,
      %mul3A_561 = arith.mulf %get3A_546, %get3A_546 : vector<16xf32>
      %mul3A_562 = arith.mulf %get3A_553, %get3A_553 : vector<16xf32>
      %mul3A_563 = arith.constant 0.00208333321 : f32
      %mul3A_564 = vector.broadcast %mul3A_563 : f32 to vector<16xf32>
      %mul3A_565 = arith.mulf %mul3A_561, %mul3A_564 : vector<16xf32>
      %add3A_566 = arith.constant -0.0208333321 : f32
      %add3A_567 = vector.broadcast %add3A_566 : f32 to vector<16xf32>
      %add3A_568 = arith.addf %add3A_567, %mul3A_565 : vector<16xf32>
      %mul3A_569 = arith.mulf %mul3A_561, %add3A_568 : vector<16xf32>
      %add3A_570 = arith.constant 2.500000e-01 : f32
      %add3A_571 = vector.broadcast %add3A_570 : f32 to vector<16xf32>
      %add3A_572 = arith.addf %add3A_571, %mul3A_569 : vector<16xf32>
      %mul3A_573 = arith.mulf %get3A_546, %add3A_572 : vector<16xf32>
      %mul3A_574 = arith.constant 0.00208333321 : f32
      %mul3A_575 = vector.broadcast %mul3A_574 : f32 to vector<16xf32>
      %mul3A_576 = arith.mulf %mul3A_562, %mul3A_575 : vector<16xf32>
      %add3A_577 = arith.constant -0.0208333321 : f32
      %add3A_578 = vector.broadcast %add3A_577 : f32 to vector<16xf32>
      %add3A_579 = arith.addf %add3A_578, %mul3A_576 : vector<16xf32>
      %mul3A_580 = arith.mulf %mul3A_562, %add3A_579 : vector<16xf32>
      %add3A_581 = arith.constant 2.500000e-01 : f32
      %add3A_582 = vector.broadcast %add3A_581 : f32 to vector<16xf32>
      %add3A_583 = arith.addf %add3A_582, %mul3A_580 : vector<16xf32>
      %mul3A_584 = arith.mulf %get3A_553, %add3A_583 : vector<16xf32>
      %sub3A_585 = arith.subf %mul3A_573, %mul3A_584 : vector<16xf32>
      %mul3A_586 = arith.mulf %get3A_560, %sub3A_585 : vector<16xf32>
      %add3A_587 = arith.addf %broadcast_in_dim3A_539, %mul3A_586 : vector<16xf32>
      %and3A_588 = arith.constant 15 : i32
      %and3A_589 = arith.andi %scan3A_537, %and3A_588 : i32
      %eq3A_590 = vector.broadcast %and3A_589 : i32 to vector<16xi32>
      %eq3A_591 = arith.cmpi eq, %iota3A, %eq3A_590 : vector<16xi32>
      %reduce_sum3A_592 = arith.constant true
      %reduce_sum3A_593 = vector.broadcast %reduce_sum3A_592 : i1 to vector<16xi1>
      %reduce_sum3A_594 = tpu.scan <sum>, %add3A_587 masked %reduce_sum3A_593 : vector<16xf32>, vector<16xi1> -> vector<16xf32>
      %reduce_sum3A_595 = vector.extract %reduce_sum3A_594[15] : f32 from vector<16xf32>
      %broadcast_in_dim3A_596 = vector.broadcast %reduce_sum3A_595 : f32 to vector<16xf32>
      %select_n3A_597 = arith.select %eq3A_591, %broadcast_in_dim3A_596, %select_n3A_530 : vector<16xi1>, vector<16xf32>
      %eq3A_598 = arith.constant 15 : i32
      %eq3A_599 = arith.cmpi eq, %and3A_589, %eq3A_598 : i32
      %convert_element_type3A_600 = arith.extui %eq3A_599 : i1 to i32
      %cond3A_601 = arith.constant 0 : i32
      %cond3A_602 = arith.cmpi ne, %convert_element_type3A_600, %cond3A_601 : i32
      scf.if %cond3A_602 {
        %add3A_603 = arith.constant 0 : i32
        %add3A_604 = arith.addi %add3A_603, %scan3A_537 : i32
        %sub3A_605 = arith.constant 15 : i32
        %sub3A_606 = arith.subi %add3A_604, %sub3A_605 : i32
        %swap3A = arith.index_cast %sub3A_606 : i32 to index
        %swap3A_607 = tpu.vector_load %arg16[%swap3A] {strides = array<i32>} : memref<512xf32, #tpu.memory_space<vmem>>, vector<16xf32>,
        tpu.vector_store %arg16[%swap3A], %select_n3A_597 {strides = array<i32>} : memref<512xf32, #tpu.memory_space<vmem>>, vector<16xf32>,
      } else {
      }
      scf.yield %select_n3A_597 : vector<16xf32>
    }
    %scan3A_116 = arith.constant 128 : i32
    %scan3A_117 = arith.constant 0 : i32
    %scan3A_118 = arith.constant 0 : i32
    %scan3A_119 = arith.constant 8 : i32
    %scan3A_120 = arith.addi %scan3A_118, %scan3A_119 : i32
    %scan3A_121 = arith.constant 1 : i32
    scf.for %scan3A_343 = %scan3A_118 to %scan3A_120 step %scan3A_121  : i32 {
      %mul3A_344 = arith.constant 16 : i32
      %mul3A_345 = arith.muli %scan3A_343, %mul3A_344 : i32
      %add3A_346 = arith.constant 0 : i32
      %add3A_347 = arith.addi %add3A_346, %mul3A_345 : i32
      %get3A = arith.index_cast %add3A_347 : i32 to index
      %get3A_348 = tpu.vector_load %arg14[%get3A] {strides = array<i32>} : memref<512xf32, #tpu.memory_space<vmem>>, vector<16xf32>,
      %mul3A_349 = arith.constant 16 : i32
      %mul3A_350 = arith.muli %scan3A_343, %mul3A_349 : i32
      %add3A_351 = arith.constant 0 : i32
      %add3A_352 = arith.addi %add3A_351, %mul3A_350 : i32
      %get3A_353 = arith.index_cast %add3A_352 : i32 to index
      %get3A_354 = tpu.vector_load %arg16[%get3A_353] {strides = array<i32>} : memref<512xf32, #tpu.memory_space<vmem>>, vector<16xf32>,
      %neg3A = arith.constant 0.000000e+00 : f32
      %neg3A_355 = vector.broadcast %neg3A : f32 to vector<16xf32>
      %neg3A_356 = arith.subf %neg3A_355, %get3A_348 : vector<16xf32>
      %exp3A = math.exp %neg3A_356 : vector<16xf32>
      %add3A_357 = arith.constant 1.000000e+00 : f32
      %add3A_358 = vector.broadcast %add3A_357 : f32 to vector<16xf32>
      %add3A_359 = arith.addf %add3A_358, %exp3A : vector<16xf32>
      %div3A = arith.constant 1.000000e+00 : f32
      %div3A_360 = vector.broadcast %div3A : f32 to vector<16xf32>
      %div3A_361 = arith.divf %div3A_360, %add3A_359 : vector<16xf32>
      %mul3A_362 = arith.constant 1.000000e+01 : f32
      %mul3A_363 = vector.broadcast %mul3A_362 : f32 to vector<16xf32>
      %mul3A_364 = arith.mulf %mul3A_363, %div3A_361 : vector<16xf32>
      %mul3A_365 = arith.mulf %mul3A_364, %get3A_354 : vector<16xf32>
      %neg3A_366 = arith.constant 0.000000e+00 : f32
      %neg3A_367 = vector.broadcast %neg3A_366 : f32 to vector<16xf32>
      %neg3A_368 = arith.subf %neg3A_367, %mul3A_365 : vector<16xf32>
      %exp3A_369 = math.exp %neg3A_368 : vector<16xf32>
      %add3A_370 = arith.constant 1.000000e+00 : f32
      %add3A_371 = vector.broadcast %add3A_370 : f32 to vector<16xf32>
      %add3A_372 = arith.addf %add3A_371, %exp3A_369 : vector<16xf32>
      %div3A_373 = arith.constant 1.000000e+00 : f32
      %div3A_374 = vector.broadcast %div3A_373 : f32 to vector<16xf32>
      %div3A_375 = arith.divf %div3A_374, %add3A_372 : vector<16xf32>
      %mul3A_376 = arith.constant 16 : i32
      %mul3A_377 = arith.muli %scan3A_343, %mul3A_376 : i32
      %add3A_378 = arith.constant 0 : i32
      %add3A_379 = arith.addi %add3A_378, %mul3A_377 : i32
      %swap3A = arith.index_cast %add3A_379 : i32 to index
      %swap3A_380 = tpu.vector_load %arg16[%swap3A] {strides = array<i32>} : memref<512xf32, #tpu.memory_space<vmem>>, vector<16xf32>,
      tpu.vector_store %arg16[%swap3A], %div3A_375 {strides = array<i32>} : memref<512xf32, #tpu.memory_space<vmem>>, vector<16xf32>,
    }
    %scan3A_122 = arith.constant 8 : i32
    %dma_start3A_123 = arith.constant 0 : i32
    %dma_start3A_124 = arith.constant 0 : i32
    %dma_start3A_125 = arith.constant 0 : i32
    %dma_start3A_126 = tpu.memref_slice %arg11[%dma_start3A_123, %dma_start3A_124, %dma_start3A_125] : memref<2x128x128xf32, #tpu.memory_space<vmem>> -> memref<1x128x128xf32, #tpu.memory_space<vmem>>
    %dma_start3A_127 = tpu.memref_squeeze %dma_start3A_126 : memref<1x128x128xf32, #tpu.memory_space<vmem>> -> memref<128x128xf32, #tpu.memory_space<vmem>>
    %dma_start3A_128 = arith.constant 256 : i32
    %dma_start3A_129 = tpu.memref_slice %arg9[%dma_start3A_128] : memref<512xi32, #tpu.memory_space<vmem>> -> memref<128xi32, #tpu.memory_space<vmem>>
    %dma_start3A_130 = arith.constant 0 : i32
    %dma_start3A_131 = arith.constant 0 : i32
    %dma_start3A_132 = tpu.memref_slice %arg5[%dma_start3A_130, %dma_start3A_131] : memref<1000000x128xf32, #tpu.memory_space<hbm>> -> memref<1000000x128xf32, #tpu.memory_space<hbm>>
    tpu.enqueue_indirect_dma source(%dma_start3A_132 : memref<1000000x128xf32, #tpu.memory_space<hbm>>) target(%dma_start3A_127 : memref<128x128xf32, #tpu.memory_space<vmem>>) offsets(%dma_start3A_129 : memref<128xi32, #tpu.memory_space<vmem>>) semaphore(%arg18 : memref<!tpu.dma_semaphore, #tpu.memory_space<semaphore_mem>>)
    %dma_start3A_133 = arith.constant 0 : i32
    %dma_start3A_134 = arith.constant 0 : i32
    %dma_start3A_135 = arith.constant 0 : i32
    %dma_start3A_136 = tpu.memref_slice %arg12[%dma_start3A_133, %dma_start3A_134, %dma_start3A_135] : memref<2x128x128xf32, #tpu.memory_space<vmem>> -> memref<1x128x128xf32, #tpu.memory_space<vmem>>
    %dma_start3A_137 = tpu.memref_squeeze %dma_start3A_136 : memref<1x128x128xf32, #tpu.memory_space<vmem>> -> memref<128x128xf32, #tpu.memory_space<vmem>>
    %dma_start3A_138 = arith.constant 256 : i32
    %dma_start3A_139 = tpu.memref_slice %arg10[%dma_start3A_138] : memref<512xi32, #tpu.memory_space<vmem>> -> memref<128xi32, #tpu.memory_space<vmem>>
    %dma_start3A_140 = arith.constant 0 : i32
    %dma_start3A_141 = arith.constant 0 : i32
    %dma_start3A_142 = tpu.memref_slice %arg6[%dma_start3A_140, %dma_start3A_141] : memref<100000x128xf32, #tpu.memory_space<hbm>> -> memref<100000x128xf32, #tpu.memory_space<hbm>>
    tpu.enqueue_indirect_dma source(%dma_start3A_142 : memref<100000x128xf32, #tpu.memory_space<hbm>>) target(%dma_start3A_137 : memref<128x128xf32, #tpu.memory_space<vmem>>) offsets(%dma_start3A_139 : memref<128xi32, #tpu.memory_space<vmem>>) semaphore(%arg19 : memref<!tpu.dma_semaphore, #tpu.memory_space<semaphore_mem>>)
    %add3A_143 = arith.constant 256 : i32
    %add3A_144 = arith.addi %mul3A_2, %add3A_143 : i32
    %dma_start3A_145 = arith.constant 0 : i32
    %dma_start3A_146 = arith.constant 0 : i32
    %dma_start3A_147 = arith.constant 0 : i32
    %dma_start3A_148 = tpu.memref_slice %arg13[%dma_start3A_145, %dma_start3A_146, %dma_start3A_147] : memref<2x128x128xf32, #tpu.memory_space<vmem>> -> memref<1x128x128xf32, #tpu.memory_space<vmem>>
    %dma_start3A_149 = tpu.memref_squeeze %dma_start3A_148 : memref<1x128x128xf32, #tpu.memory_space<vmem>> -> memref<128x128xf32, #tpu.memory_space<vmem>>
    %dma_start3A_150 = arith.constant 0 : i32
    %dma_start3A_151 = tpu.memref_slice %arg4[%add3A_144, %dma_start3A_150] : memref<16384x128xf32, #tpu.memory_space<hbm>> -> memref<128x128xf32, #tpu.memory_space<hbm>>
    %dma_start3A_152 = arith.constant 0 : i32
    %dma_start3A_153 = arith.constant 0 : i32
    %dma_start3A_154 = tpu.memref_slice %arg13[%dma_start3A_145, %dma_start3A_152, %dma_start3A_153] : memref<2x128x128xf32, #tpu.memory_space<vmem>> -> memref<1x128x128xf32, #tpu.memory_space<vmem>>
    %dma_start3A_155 = tpu.memref_squeeze %dma_start3A_154 : memref<1x128x128xf32, #tpu.memory_space<vmem>> -> memref<128x128xf32, #tpu.memory_space<vmem>>
    %dma_start3A_156 = arith.constant 0 : i32
    %dma_start3A_157 = tpu.memref_slice %arg4[%add3A_144, %dma_start3A_156] : memref<16384x128xf32, #tpu.memory_space<hbm>> -> memref<128x128xf32, #tpu.memory_space<hbm>>
    tpu.enqueue_dma source(%dma_start3A_157 : memref<128x128xf32, #tpu.memory_space<hbm>>) target(%dma_start3A_155 : memref<128x128xf32, #tpu.memory_space<vmem>>) target_semaphore(%arg20 : memref<!tpu.dma_semaphore, #tpu.memory_space<semaphore_mem>>)
    %dma_wait3A_158 = arith.constant 1 : i32
    %dma_wait3A_159 = arith.constant 0 : i32
    %dma_wait3A_160 = arith.constant 0 : i32
    %dma_wait3A_161 = tpu.memref_slice %arg11[%dma_wait3A_158, %dma_wait3A_159, %dma_wait3A_160] : memref<2x128x128xf32, #tpu.memory_space<vmem>> -> memref<1x128x128xf32, #tpu.memory_space<vmem>>
    %dma_wait3A_162 = tpu.memref_squeeze %dma_wait3A_161 : memref<1x128x128xf32, #tpu.memory_space<vmem>> -> memref<128x128xf32, #tpu.memory_space<vmem>>
    %dma_wait3A_163 = arith.constant 128 : i32
    %dma_wait3A_164 = tpu.memref_slice %arg9[%dma_wait3A_163] : memref<512xi32, #tpu.memory_space<vmem>> -> memref<128xi32, #tpu.memory_space<vmem>>
    %dma_wait3A_165 = arith.constant 0 : i32
    %dma_wait3A_166 = arith.constant 0 : i32
    %dma_wait3A_167 = tpu.memref_slice %arg5[%dma_wait3A_165, %dma_wait3A_166] : memref<1000000x128xf32, #tpu.memory_space<hbm>> -> memref<1000000x128xf32, #tpu.memory_space<hbm>>
    tpu.wait_indirect_dma semaphore(%arg21 : memref<!tpu.dma_semaphore, #tpu.memory_space<semaphore_mem>>) src(%dma_wait3A_167 : memref<1000000x128xf32, #tpu.memory_space<hbm>>) dst(%dma_wait3A_162 : memref<128x128xf32, #tpu.memory_space<vmem>>)
    %dma_wait3A_168 = arith.constant 1 : i32
    %dma_wait3A_169 = arith.constant 0 : i32
    %dma_wait3A_170 = arith.constant 0 : i32
    %dma_wait3A_171 = tpu.memref_slice %arg12[%dma_wait3A_168, %dma_wait3A_169, %dma_wait3A_170] : memref<2x128x128xf32, #tpu.memory_space<vmem>> -> memref<1x128x128xf32, #tpu.memory_space<vmem>>
    %dma_wait3A_172 = tpu.memref_squeeze %dma_wait3A_171 : memref<1x128x128xf32, #tpu.memory_space<vmem>> -> memref<128x128xf32, #tpu.memory_space<vmem>>
    %dma_wait3A_173 = arith.constant 128 : i32
    %dma_wait3A_174 = tpu.memref_slice %arg10[%dma_wait3A_173] : memref<512xi32, #tpu.memory_space<vmem>> -> memref<128xi32, #tpu.memory_space<vmem>>
    %dma_wait3A_175 = arith.constant 0 : i32
    %dma_wait3A_176 = arith.constant 0 : i32
    %dma_wait3A_177 = tpu.memref_slice %arg6[%dma_wait3A_175, %dma_wait3A_176] : memref<100000x128xf32, #tpu.memory_space<hbm>> -> memref<100000x128xf32, #tpu.memory_space<hbm>>
    tpu.wait_indirect_dma semaphore(%arg22 : memref<!tpu.dma_semaphore, #tpu.memory_space<semaphore_mem>>) src(%dma_wait3A_177 : memref<100000x128xf32, #tpu.memory_space<hbm>>) dst(%dma_wait3A_172 : memref<128x128xf32, #tpu.memory_space<vmem>>)
    %dma_wait3A_178 = arith.constant 1 : i32
    %dma_wait3A_179 = arith.constant 0 : i32
    %dma_wait3A_180 = arith.constant 0 : i32
    %dma_wait3A_181 = tpu.memref_slice %arg13[%dma_wait3A_178, %dma_wait3A_179, %dma_wait3A_180] : memref<2x128x128xf32, #tpu.memory_space<vmem>> -> memref<1x128x128xf32, #tpu.memory_space<vmem>>
    %dma_wait3A_182 = tpu.memref_squeeze %dma_wait3A_181 : memref<1x128x128xf32, #tpu.memory_space<vmem>> -> memref<128x128xf32, #tpu.memory_space<vmem>>
    %dma_wait3A_183 = arith.constant 0 : i32
    %dma_wait3A_184 = tpu.memref_slice %arg4[%add3A_60, %dma_wait3A_183] : memref<16384x128xf32, #tpu.memory_space<hbm>> -> memref<128x128xf32, #tpu.memory_space<hbm>>
    %dma_wait3A_185 = arith.constant 0 : i32
    %dma_wait3A_186 = arith.constant 0 : i32
    %dma_wait3A_187 = tpu.memref_slice %arg13[%dma_wait3A_178, %dma_wait3A_185, %dma_wait3A_186] : memref<2x128x128xf32, #tpu.memory_space<vmem>> -> memref<1x128x128xf32, #tpu.memory_space<vmem>>
    %dma_wait3A_188 = tpu.memref_squeeze %dma_wait3A_187 : memref<1x128x128xf32, #tpu.memory_space<vmem>> -> memref<128x128xf32, #tpu.memory_space<vmem>>
    %dma_wait3A_189 = arith.constant 0 : i32
    %dma_wait3A_190 = tpu.memref_slice %arg4[%add3A_60, %dma_wait3A_189] : memref<16384x128xf32, #tpu.memory_space<hbm>> -> memref<128x128xf32, #tpu.memory_space<hbm>>
    tpu.wait_dma2 semaphore(%arg23 : memref<!tpu.dma_semaphore, #tpu.memory_space<semaphore_mem>>) src(%dma_wait3A_190 : memref<128x128xf32, #tpu.memory_space<hbm>>) dst(%dma_wait3A_188 : memref<128x128xf32, #tpu.memory_space<vmem>>)
    %broadcast_in_dim3A_191 = arith.constant 0.000000e+00 : f32
    %broadcast_in_dim3A_192 = vector.broadcast %broadcast_in_dim3A_191 : f32 to vector<16xf32>
    %scan3A_193 = arith.constant 1 : i32
    %scan3A_194 = arith.constant 1 : i32
    %scan3A_195 = arith.constant 1 : i32
    %scan3A_196 = arith.constant 0 : i32
    %scan3A_197 = arith.constant 128 : i32
    %scan3A_198 = arith.addi %scan3A_196, %scan3A_197 : i32
    %scan3A_199 = arith.constant 4 : i32
    %scan3A_200 = scf.for %scan3A_343 = %scan3A_196 to %scan3A_198 step %scan3A_199 iter_args(%scan3A_344 = %broadcast_in_dim3A_192) -> (vector<16xf32>)  : i32 {
      %broadcast_in_dim3A_345 = arith.constant 0.000000e+00 : f32
      %broadcast_in_dim3A_346 = vector.broadcast %broadcast_in_dim3A_345 : f32 to vector<16xf32>
      %get3A = arith.constant 0 : i32
      %get3A_347 = arith.constant 0 : i32
      %get3A_348 = tpu.memref_slice %arg11[%scan3A_193, %get3A, %get3A_347] : memref<2x128x128xf32, #tpu.memory_space<vmem>> -> memref<1x128x128xf32, #tpu.memory_space<vmem>>
      %get3A_349 = tpu.memref_squeeze %get3A_348 : memref<1x128x128xf32, #tpu.memory_space<vmem>> -> memref<128x128xf32, #tpu.memory_space<vmem>>
      %get3A_350 = arith.index_cast %scan3A_343 : i32 to index
      %get3A_351 = arith.constant 0 : index
      %get3A_352 = tpu.vector_load %get3A_349[%get3A_350, %get3A_351] {strides = array<i32>} : memref<128x128xf32, #tpu.memory_space<vmem>>, vector<16xf32>,
      %get3A_353 = arith.constant 0 : i32
      %get3A_354 = arith.constant 0 : i32
      %get3A_355 = tpu.memref_slice %arg12[%scan3A_194, %get3A_353, %get3A_354] : memref<2x128x128xf32, #tpu.memory_space<vmem>> -> memref<1x128x128xf32, #tpu.memory_space<vmem>>
      %get3A_356 = tpu.memref_squeeze %get3A_355 : memref<1x128x128xf32, #tpu.memory_space<vmem>> -> memref<128x128xf32, #tpu.memory_space<vmem>>
      %get3A_357 = arith.index_cast %scan3A_343 : i32 to index
      %get3A_358 = arith.constant 0 : index
      %get3A_359 = tpu.vector_load %get3A_356[%get3A_357, %get3A_358] {strides = array<i32>} : memref<128x128xf32, #tpu.memory_space<vmem>>, vector<16xf32>,
      %get3A_360 = arith.constant 0 : i32
      %get3A_361 = arith.constant 0 : i32
      %get3A_362 = tpu.memref_slice %arg13[%scan3A_195, %get3A_360, %get3A_361] : memref<2x128x128xf32, #tpu.memory_space<vmem>> -> memref<1x128x128xf32, #tpu.memory_space<vmem>>
      %get3A_363 = tpu.memref_squeeze %get3A_362 : memref<1x128x128xf32, #tpu.memory_space<vmem>> -> memref<128x128xf32, #tpu.memory_space<vmem>>
      %get3A_364 = arith.index_cast %scan3A_343 : i32 to index
      %get3A_365 = arith.constant 0 : index
      %get3A_366 = tpu.vector_load %get3A_363[%get3A_364, %get3A_365] {strides = array<i32>} : memref<128x128xf32, #tpu.memory_space<vmem>>, vector<16xf32>,
      %mul3A_367 = arith.mulf %get3A_352, %get3A_352 : vector<16xf32>
      %mul3A_368 = arith.mulf %get3A_359, %get3A_359 : vector<16xf32>
      %mul3A_369 = arith.constant 0.00208333321 : f32
      %mul3A_370 = vector.broadcast %mul3A_369 : f32 to vector<16xf32>
      %mul3A_371 = arith.mulf %mul3A_367, %mul3A_370 : vector<16xf32>
      %add3A_372 = arith.constant -0.0208333321 : f32
      %add3A_373 = vector.broadcast %add3A_372 : f32 to vector<16xf32>
      %add3A_374 = arith.addf %add3A_373, %mul3A_371 : vector<16xf32>
      %mul3A_375 = arith.mulf %mul3A_367, %add3A_374 : vector<16xf32>
      %add3A_376 = arith.constant 2.500000e-01 : f32
      %add3A_377 = vector.broadcast %add3A_376 : f32 to vector<16xf32>
      %add3A_378 = arith.addf %add3A_377, %mul3A_375 : vector<16xf32>
      %mul3A_379 = arith.mulf %get3A_352, %add3A_378 : vector<16xf32>
      %mul3A_380 = arith.constant 0.00208333321 : f32
      %mul3A_381 = vector.broadcast %mul3A_380 : f32 to vector<16xf32>
      %mul3A_382 = arith.mulf %mul3A_368, %mul3A_381 : vector<16xf32>
      %add3A_383 = arith.constant -0.0208333321 : f32
      %add3A_384 = vector.broadcast %add3A_383 : f32 to vector<16xf32>
      %add3A_385 = arith.addf %add3A_384, %mul3A_382 : vector<16xf32>
      %mul3A_386 = arith.mulf %mul3A_368, %add3A_385 : vector<16xf32>
      %add3A_387 = arith.constant 2.500000e-01 : f32
      %add3A_388 = vector.broadcast %add3A_387 : f32 to vector<16xf32>
      %add3A_389 = arith.addf %add3A_388, %mul3A_386 : vector<16xf32>
      %mul3A_390 = arith.mulf %get3A_359, %add3A_389 : vector<16xf32>
      %sub3A = arith.subf %mul3A_379, %mul3A_390 : vector<16xf32>
      %mul3A_391 = arith.mulf %get3A_366, %sub3A : vector<16xf32>
      %add3A_392 = arith.addf %broadcast_in_dim3A_346, %mul3A_391 : vector<16xf32>
      %and3A = arith.constant 15 : i32
      %and3A_393 = arith.andi %scan3A_343, %and3A : i32
      %eq3A = vector.broadcast %and3A_393 : i32 to vector<16xi32>
      %eq3A_394 = arith.cmpi eq, %iota3A, %eq3A : vector<16xi32>
      %reduce_sum3A = arith.constant true
      %reduce_sum3A_395 = vector.broadcast %reduce_sum3A : i1 to vector<16xi1>
      %reduce_sum3A_396 = tpu.scan <sum>, %add3A_392 masked %reduce_sum3A_395 : vector<16xf32>, vector<16xi1> -> vector<16xf32>
      %reduce_sum3A_397 = vector.extract %reduce_sum3A_396[15] : f32 from vector<16xf32>
      %broadcast_in_dim3A_398 = vector.broadcast %reduce_sum3A_397 : f32 to vector<16xf32>
      %select_n3A = arith.select %eq3A_394, %broadcast_in_dim3A_398, %scan3A_344 : vector<16xi1>, vector<16xf32>
      %eq3A_399 = arith.constant 15 : i32
      %eq3A_400 = arith.cmpi eq, %and3A_393, %eq3A_399 : i32
      %convert_element_type3A = arith.extui %eq3A_400 : i1 to i32
      %cond3A = arith.constant 0 : i32
      %cond3A_401 = arith.cmpi ne, %convert_element_type3A, %cond3A : i32
      scf.if %cond3A_401 {
        %add3A_603 = arith.constant 128 : i32
        %add3A_604 = arith.addi %add3A_603, %scan3A_343 : i32
        %sub3A_605 = arith.constant 15 : i32
        %sub3A_606 = arith.subi %add3A_604, %sub3A_605 : i32
        %swap3A = arith.index_cast %sub3A_606 : i32 to index
        %swap3A_607 = tpu.vector_load %arg16[%swap3A] {strides = array<i32>} : memref<512xf32, #tpu.memory_space<vmem>>, vector<16xf32>,
        tpu.vector_store %arg16[%swap3A], %select_n3A {strides = array<i32>} : memref<512xf32, #tpu.memory_space<vmem>>, vector<16xf32>,
      } else {
      }
      %scan3A_402 = arith.constant 1 : i32
      %scan3A_403 = arith.addi %scan3A_343, %scan3A_402 : i32
      %broadcast_in_dim3A_404 = arith.constant 0.000000e+00 : f32
      %broadcast_in_dim3A_405 = vector.broadcast %broadcast_in_dim3A_404 : f32 to vector<16xf32>
      %get3A_406 = arith.constant 0 : i32
      %get3A_407 = arith.constant 0 : i32
      %get3A_408 = tpu.memref_slice %arg11[%scan3A_193, %get3A_406, %get3A_407] : memref<2x128x128xf32, #tpu.memory_space<vmem>> -> memref<1x128x128xf32, #tpu.memory_space<vmem>>
      %get3A_409 = tpu.memref_squeeze %get3A_408 : memref<1x128x128xf32, #tpu.memory_space<vmem>> -> memref<128x128xf32, #tpu.memory_space<vmem>>
      %get3A_410 = arith.index_cast %scan3A_403 : i32 to index
      %get3A_411 = arith.constant 0 : index
      %get3A_412 = tpu.vector_load %get3A_409[%get3A_410, %get3A_411] {strides = array<i32>} : memref<128x128xf32, #tpu.memory_space<vmem>>, vector<16xf32>,
      %get3A_413 = arith.constant 0 : i32
      %get3A_414 = arith.constant 0 : i32
      %get3A_415 = tpu.memref_slice %arg12[%scan3A_194, %get3A_413, %get3A_414] : memref<2x128x128xf32, #tpu.memory_space<vmem>> -> memref<1x128x128xf32, #tpu.memory_space<vmem>>
      %get3A_416 = tpu.memref_squeeze %get3A_415 : memref<1x128x128xf32, #tpu.memory_space<vmem>> -> memref<128x128xf32, #tpu.memory_space<vmem>>
      %get3A_417 = arith.index_cast %scan3A_403 : i32 to index
      %get3A_418 = arith.constant 0 : index
      %get3A_419 = tpu.vector_load %get3A_416[%get3A_417, %get3A_418] {strides = array<i32>} : memref<128x128xf32, #tpu.memory_space<vmem>>, vector<16xf32>,
      %get3A_420 = arith.constant 0 : i32
      %get3A_421 = arith.constant 0 : i32
      %get3A_422 = tpu.memref_slice %arg13[%scan3A_195, %get3A_420, %get3A_421] : memref<2x128x128xf32, #tpu.memory_space<vmem>> -> memref<1x128x128xf32, #tpu.memory_space<vmem>>
      %get3A_423 = tpu.memref_squeeze %get3A_422 : memref<1x128x128xf32, #tpu.memory_space<vmem>> -> memref<128x128xf32, #tpu.memory_space<vmem>>
      %get3A_424 = arith.index_cast %scan3A_403 : i32 to index
      %get3A_425 = arith.constant 0 : index
      %get3A_426 = tpu.vector_load %get3A_423[%get3A_424, %get3A_425] {strides = array<i32>} : memref<128x128xf32, #tpu.memory_space<vmem>>, vector<16xf32>,
      %mul3A_427 = arith.mulf %get3A_412, %get3A_412 : vector<16xf32>
      %mul3A_428 = arith.mulf %get3A_419, %get3A_419 : vector<16xf32>
      %mul3A_429 = arith.constant 0.00208333321 : f32
      %mul3A_430 = vector.broadcast %mul3A_429 : f32 to vector<16xf32>
      %mul3A_431 = arith.mulf %mul3A_427, %mul3A_430 : vector<16xf32>
      %add3A_432 = arith.constant -0.0208333321 : f32
      %add3A_433 = vector.broadcast %add3A_432 : f32 to vector<16xf32>
      %add3A_434 = arith.addf %add3A_433, %mul3A_431 : vector<16xf32>
      %mul3A_435 = arith.mulf %mul3A_427, %add3A_434 : vector<16xf32>
      %add3A_436 = arith.constant 2.500000e-01 : f32
      %add3A_437 = vector.broadcast %add3A_436 : f32 to vector<16xf32>
      %add3A_438 = arith.addf %add3A_437, %mul3A_435 : vector<16xf32>
      %mul3A_439 = arith.mulf %get3A_412, %add3A_438 : vector<16xf32>
      %mul3A_440 = arith.constant 0.00208333321 : f32
      %mul3A_441 = vector.broadcast %mul3A_440 : f32 to vector<16xf32>
      %mul3A_442 = arith.mulf %mul3A_428, %mul3A_441 : vector<16xf32>
      %add3A_443 = arith.constant -0.0208333321 : f32
      %add3A_444 = vector.broadcast %add3A_443 : f32 to vector<16xf32>
      %add3A_445 = arith.addf %add3A_444, %mul3A_442 : vector<16xf32>
      %mul3A_446 = arith.mulf %mul3A_428, %add3A_445 : vector<16xf32>
      %add3A_447 = arith.constant 2.500000e-01 : f32
      %add3A_448 = vector.broadcast %add3A_447 : f32 to vector<16xf32>
      %add3A_449 = arith.addf %add3A_448, %mul3A_446 : vector<16xf32>
      %mul3A_450 = arith.mulf %get3A_419, %add3A_449 : vector<16xf32>
      %sub3A_451 = arith.subf %mul3A_439, %mul3A_450 : vector<16xf32>
      %mul3A_452 = arith.mulf %get3A_426, %sub3A_451 : vector<16xf32>
      %add3A_453 = arith.addf %broadcast_in_dim3A_405, %mul3A_452 : vector<16xf32>
      %and3A_454 = arith.constant 15 : i32
      %and3A_455 = arith.andi %scan3A_403, %and3A_454 : i32
      %eq3A_456 = vector.broadcast %and3A_455 : i32 to vector<16xi32>
      %eq3A_457 = arith.cmpi eq, %iota3A, %eq3A_456 : vector<16xi32>
      %reduce_sum3A_458 = arith.constant true
      %reduce_sum3A_459 = vector.broadcast %reduce_sum3A_458 : i1 to vector<16xi1>
      %reduce_sum3A_460 = tpu.scan <sum>, %add3A_453 masked %reduce_sum3A_459 : vector<16xf32>, vector<16xi1> -> vector<16xf32>
      %reduce_sum3A_461 = vector.extract %reduce_sum3A_460[15] : f32 from vector<16xf32>
      %broadcast_in_dim3A_462 = vector.broadcast %reduce_sum3A_461 : f32 to vector<16xf32>
      %select_n3A_463 = arith.select %eq3A_457, %broadcast_in_dim3A_462, %select_n3A : vector<16xi1>, vector<16xf32>
      %eq3A_464 = arith.constant 15 : i32
      %eq3A_465 = arith.cmpi eq, %and3A_455, %eq3A_464 : i32
      %convert_element_type3A_466 = arith.extui %eq3A_465 : i1 to i32
      %cond3A_467 = arith.constant 0 : i32
      %cond3A_468 = arith.cmpi ne, %convert_element_type3A_466, %cond3A_467 : i32
      scf.if %cond3A_468 {
        %add3A_603 = arith.constant 128 : i32
        %add3A_604 = arith.addi %add3A_603, %scan3A_403 : i32
        %sub3A_605 = arith.constant 15 : i32
        %sub3A_606 = arith.subi %add3A_604, %sub3A_605 : i32
        %swap3A = arith.index_cast %sub3A_606 : i32 to index
        %swap3A_607 = tpu.vector_load %arg16[%swap3A] {strides = array<i32>} : memref<512xf32, #tpu.memory_space<vmem>>, vector<16xf32>,
        tpu.vector_store %arg16[%swap3A], %select_n3A_463 {strides = array<i32>} : memref<512xf32, #tpu.memory_space<vmem>>, vector<16xf32>,
      } else {
      }
      %scan3A_469 = arith.constant 2 : i32
      %scan3A_470 = arith.addi %scan3A_343, %scan3A_469 : i32
      %broadcast_in_dim3A_471 = arith.constant 0.000000e+00 : f32
      %broadcast_in_dim3A_472 = vector.broadcast %broadcast_in_dim3A_471 : f32 to vector<16xf32>
      %get3A_473 = arith.constant 0 : i32
      %get3A_474 = arith.constant 0 : i32
      %get3A_475 = tpu.memref_slice %arg11[%scan3A_193, %get3A_473, %get3A_474] : memref<2x128x128xf32, #tpu.memory_space<vmem>> -> memref<1x128x128xf32, #tpu.memory_space<vmem>>
      %get3A_476 = tpu.memref_squeeze %get3A_475 : memref<1x128x128xf32, #tpu.memory_space<vmem>> -> memref<128x128xf32, #tpu.memory_space<vmem>>
      %get3A_477 = arith.index_cast %scan3A_470 : i32 to index
      %get3A_478 = arith.constant 0 : index
      %get3A_479 = tpu.vector_load %get3A_476[%get3A_477, %get3A_478] {strides = array<i32>} : memref<128x128xf32, #tpu.memory_space<vmem>>, vector<16xf32>,
      %get3A_480 = arith.constant 0 : i32
      %get3A_481 = arith.constant 0 : i32
      %get3A_482 = tpu.memref_slice %arg12[%scan3A_194, %get3A_480, %get3A_481] : memref<2x128x128xf32, #tpu.memory_space<vmem>> -> memref<1x128x128xf32, #tpu.memory_space<vmem>>
      %get3A_483 = tpu.memref_squeeze %get3A_482 : memref<1x128x128xf32, #tpu.memory_space<vmem>> -> memref<128x128xf32, #tpu.memory_space<vmem>>
      %get3A_484 = arith.index_cast %scan3A_470 : i32 to index
      %get3A_485 = arith.constant 0 : index
      %get3A_486 = tpu.vector_load %get3A_483[%get3A_484, %get3A_485] {strides = array<i32>} : memref<128x128xf32, #tpu.memory_space<vmem>>, vector<16xf32>,
      %get3A_487 = arith.constant 0 : i32
      %get3A_488 = arith.constant 0 : i32
      %get3A_489 = tpu.memref_slice %arg13[%scan3A_195, %get3A_487, %get3A_488] : memref<2x128x128xf32, #tpu.memory_space<vmem>> -> memref<1x128x128xf32, #tpu.memory_space<vmem>>
      %get3A_490 = tpu.memref_squeeze %get3A_489 : memref<1x128x128xf32, #tpu.memory_space<vmem>> -> memref<128x128xf32, #tpu.memory_space<vmem>>
      %get3A_491 = arith.index_cast %scan3A_470 : i32 to index
      %get3A_492 = arith.constant 0 : index
      %get3A_493 = tpu.vector_load %get3A_490[%get3A_491, %get3A_492] {strides = array<i32>} : memref<128x128xf32, #tpu.memory_space<vmem>>, vector<16xf32>,
      %mul3A_494 = arith.mulf %get3A_479, %get3A_479 : vector<16xf32>
      %mul3A_495 = arith.mulf %get3A_486, %get3A_486 : vector<16xf32>
      %mul3A_496 = arith.constant 0.00208333321 : f32
      %mul3A_497 = vector.broadcast %mul3A_496 : f32 to vector<16xf32>
      %mul3A_498 = arith.mulf %mul3A_494, %mul3A_497 : vector<16xf32>
      %add3A_499 = arith.constant -0.0208333321 : f32
      %add3A_500 = vector.broadcast %add3A_499 : f32 to vector<16xf32>
      %add3A_501 = arith.addf %add3A_500, %mul3A_498 : vector<16xf32>
      %mul3A_502 = arith.mulf %mul3A_494, %add3A_501 : vector<16xf32>
      %add3A_503 = arith.constant 2.500000e-01 : f32
      %add3A_504 = vector.broadcast %add3A_503 : f32 to vector<16xf32>
      %add3A_505 = arith.addf %add3A_504, %mul3A_502 : vector<16xf32>
      %mul3A_506 = arith.mulf %get3A_479, %add3A_505 : vector<16xf32>
      %mul3A_507 = arith.constant 0.00208333321 : f32
      %mul3A_508 = vector.broadcast %mul3A_507 : f32 to vector<16xf32>
      %mul3A_509 = arith.mulf %mul3A_495, %mul3A_508 : vector<16xf32>
      %add3A_510 = arith.constant -0.0208333321 : f32
      %add3A_511 = vector.broadcast %add3A_510 : f32 to vector<16xf32>
      %add3A_512 = arith.addf %add3A_511, %mul3A_509 : vector<16xf32>
      %mul3A_513 = arith.mulf %mul3A_495, %add3A_512 : vector<16xf32>
      %add3A_514 = arith.constant 2.500000e-01 : f32
      %add3A_515 = vector.broadcast %add3A_514 : f32 to vector<16xf32>
      %add3A_516 = arith.addf %add3A_515, %mul3A_513 : vector<16xf32>
      %mul3A_517 = arith.mulf %get3A_486, %add3A_516 : vector<16xf32>
      %sub3A_518 = arith.subf %mul3A_506, %mul3A_517 : vector<16xf32>
      %mul3A_519 = arith.mulf %get3A_493, %sub3A_518 : vector<16xf32>
      %add3A_520 = arith.addf %broadcast_in_dim3A_472, %mul3A_519 : vector<16xf32>
      %and3A_521 = arith.constant 15 : i32
      %and3A_522 = arith.andi %scan3A_470, %and3A_521 : i32
      %eq3A_523 = vector.broadcast %and3A_522 : i32 to vector<16xi32>
      %eq3A_524 = arith.cmpi eq, %iota3A, %eq3A_523 : vector<16xi32>
      %reduce_sum3A_525 = arith.constant true
      %reduce_sum3A_526 = vector.broadcast %reduce_sum3A_525 : i1 to vector<16xi1>
      %reduce_sum3A_527 = tpu.scan <sum>, %add3A_520 masked %reduce_sum3A_526 : vector<16xf32>, vector<16xi1> -> vector<16xf32>
      %reduce_sum3A_528 = vector.extract %reduce_sum3A_527[15] : f32 from vector<16xf32>
      %broadcast_in_dim3A_529 = vector.broadcast %reduce_sum3A_528 : f32 to vector<16xf32>
      %select_n3A_530 = arith.select %eq3A_524, %broadcast_in_dim3A_529, %select_n3A_463 : vector<16xi1>, vector<16xf32>
      %eq3A_531 = arith.constant 15 : i32
      %eq3A_532 = arith.cmpi eq, %and3A_522, %eq3A_531 : i32
      %convert_element_type3A_533 = arith.extui %eq3A_532 : i1 to i32
      %cond3A_534 = arith.constant 0 : i32
      %cond3A_535 = arith.cmpi ne, %convert_element_type3A_533, %cond3A_534 : i32
      scf.if %cond3A_535 {
        %add3A_603 = arith.constant 128 : i32
        %add3A_604 = arith.addi %add3A_603, %scan3A_470 : i32
        %sub3A_605 = arith.constant 15 : i32
        %sub3A_606 = arith.subi %add3A_604, %sub3A_605 : i32
        %swap3A = arith.index_cast %sub3A_606 : i32 to index
        %swap3A_607 = tpu.vector_load %arg16[%swap3A] {strides = array<i32>} : memref<512xf32, #tpu.memory_space<vmem>>, vector<16xf32>,
        tpu.vector_store %arg16[%swap3A], %select_n3A_530 {strides = array<i32>} : memref<512xf32, #tpu.memory_space<vmem>>, vector<16xf32>,
      } else {
      }
      %scan3A_536 = arith.constant 3 : i32
      %scan3A_537 = arith.addi %scan3A_343, %scan3A_536 : i32
      %broadcast_in_dim3A_538 = arith.constant 0.000000e+00 : f32
      %broadcast_in_dim3A_539 = vector.broadcast %broadcast_in_dim3A_538 : f32 to vector<16xf32>
      %get3A_540 = arith.constant 0 : i32
      %get3A_541 = arith.constant 0 : i32
      %get3A_542 = tpu.memref_slice %arg11[%scan3A_193, %get3A_540, %get3A_541] : memref<2x128x128xf32, #tpu.memory_space<vmem>> -> memref<1x128x128xf32, #tpu.memory_space<vmem>>
      %get3A_543 = tpu.memref_squeeze %get3A_542 : memref<1x128x128xf32, #tpu.memory_space<vmem>> -> memref<128x128xf32, #tpu.memory_space<vmem>>
      %get3A_544 = arith.index_cast %scan3A_537 : i32 to index
      %get3A_545 = arith.constant 0 : index
      %get3A_546 = tpu.vector_load %get3A_543[%get3A_544, %get3A_545] {strides = array<i32>} : memref<128x128xf32, #tpu.memory_space<vmem>>, vector<16xf32>,
      %get3A_547 = arith.constant 0 : i32
      %get3A_548 = arith.constant 0 : i32
      %get3A_549 = tpu.memref_slice %arg12[%scan3A_194, %get3A_547, %get3A_548] : memref<2x128x128xf32, #tpu.memory_space<vmem>> -> memref<1x128x128xf32, #tpu.memory_space<vmem>>
      %get3A_550 = tpu.memref_squeeze %get3A_549 : memref<1x128x128xf32, #tpu.memory_space<vmem>> -> memref<128x128xf32, #tpu.memory_space<vmem>>
      %get3A_551 = arith.index_cast %scan3A_537 : i32 to index
      %get3A_552 = arith.constant 0 : index
      %get3A_553 = tpu.vector_load %get3A_550[%get3A_551, %get3A_552] {strides = array<i32>} : memref<128x128xf32, #tpu.memory_space<vmem>>, vector<16xf32>,
      %get3A_554 = arith.constant 0 : i32
      %get3A_555 = arith.constant 0 : i32
      %get3A_556 = tpu.memref_slice %arg13[%scan3A_195, %get3A_554, %get3A_555] : memref<2x128x128xf32, #tpu.memory_space<vmem>> -> memref<1x128x128xf32, #tpu.memory_space<vmem>>
      %get3A_557 = tpu.memref_squeeze %get3A_556 : memref<1x128x128xf32, #tpu.memory_space<vmem>> -> memref<128x128xf32, #tpu.memory_space<vmem>>
      %get3A_558 = arith.index_cast %scan3A_537 : i32 to index
      %get3A_559 = arith.constant 0 : index
      %get3A_560 = tpu.vector_load %get3A_557[%get3A_558, %get3A_559] {strides = array<i32>} : memref<128x128xf32, #tpu.memory_space<vmem>>, vector<16xf32>,
      %mul3A_561 = arith.mulf %get3A_546, %get3A_546 : vector<16xf32>
      %mul3A_562 = arith.mulf %get3A_553, %get3A_553 : vector<16xf32>
      %mul3A_563 = arith.constant 0.00208333321 : f32
      %mul3A_564 = vector.broadcast %mul3A_563 : f32 to vector<16xf32>
      %mul3A_565 = arith.mulf %mul3A_561, %mul3A_564 : vector<16xf32>
      %add3A_566 = arith.constant -0.0208333321 : f32
      %add3A_567 = vector.broadcast %add3A_566 : f32 to vector<16xf32>
      %add3A_568 = arith.addf %add3A_567, %mul3A_565 : vector<16xf32>
      %mul3A_569 = arith.mulf %mul3A_561, %add3A_568 : vector<16xf32>
      %add3A_570 = arith.constant 2.500000e-01 : f32
      %add3A_571 = vector.broadcast %add3A_570 : f32 to vector<16xf32>
      %add3A_572 = arith.addf %add3A_571, %mul3A_569 : vector<16xf32>
      %mul3A_573 = arith.mulf %get3A_546, %add3A_572 : vector<16xf32>
      %mul3A_574 = arith.constant 0.00208333321 : f32
      %mul3A_575 = vector.broadcast %mul3A_574 : f32 to vector<16xf32>
      %mul3A_576 = arith.mulf %mul3A_562, %mul3A_575 : vector<16xf32>
      %add3A_577 = arith.constant -0.0208333321 : f32
      %add3A_578 = vector.broadcast %add3A_577 : f32 to vector<16xf32>
      %add3A_579 = arith.addf %add3A_578, %mul3A_576 : vector<16xf32>
      %mul3A_580 = arith.mulf %mul3A_562, %add3A_579 : vector<16xf32>
      %add3A_581 = arith.constant 2.500000e-01 : f32
      %add3A_582 = vector.broadcast %add3A_581 : f32 to vector<16xf32>
      %add3A_583 = arith.addf %add3A_582, %mul3A_580 : vector<16xf32>
      %mul3A_584 = arith.mulf %get3A_553, %add3A_583 : vector<16xf32>
      %sub3A_585 = arith.subf %mul3A_573, %mul3A_584 : vector<16xf32>
      %mul3A_586 = arith.mulf %get3A_560, %sub3A_585 : vector<16xf32>
      %add3A_587 = arith.addf %broadcast_in_dim3A_539, %mul3A_586 : vector<16xf32>
      %and3A_588 = arith.constant 15 : i32
      %and3A_589 = arith.andi %scan3A_537, %and3A_588 : i32
      %eq3A_590 = vector.broadcast %and3A_589 : i32 to vector<16xi32>
      %eq3A_591 = arith.cmpi eq, %iota3A, %eq3A_590 : vector<16xi32>
      %reduce_sum3A_592 = arith.constant true
      %reduce_sum3A_593 = vector.broadcast %reduce_sum3A_592 : i1 to vector<16xi1>
      %reduce_sum3A_594 = tpu.scan <sum>, %add3A_587 masked %reduce_sum3A_593 : vector<16xf32>, vector<16xi1> -> vector<16xf32>
      %reduce_sum3A_595 = vector.extract %reduce_sum3A_594[15] : f32 from vector<16xf32>
      %broadcast_in_dim3A_596 = vector.broadcast %reduce_sum3A_595 : f32 to vector<16xf32>
      %select_n3A_597 = arith.select %eq3A_591, %broadcast_in_dim3A_596, %select_n3A_530 : vector<16xi1>, vector<16xf32>
      %eq3A_598 = arith.constant 15 : i32
      %eq3A_599 = arith.cmpi eq, %and3A_589, %eq3A_598 : i32
      %convert_element_type3A_600 = arith.extui %eq3A_599 : i1 to i32
      %cond3A_601 = arith.constant 0 : i32
      %cond3A_602 = arith.cmpi ne, %convert_element_type3A_600, %cond3A_601 : i32
      scf.if %cond3A_602 {
        %add3A_603 = arith.constant 128 : i32
        %add3A_604 = arith.addi %add3A_603, %scan3A_537 : i32
        %sub3A_605 = arith.constant 15 : i32
        %sub3A_606 = arith.subi %add3A_604, %sub3A_605 : i32
        %swap3A = arith.index_cast %sub3A_606 : i32 to index
        %swap3A_607 = tpu.vector_load %arg16[%swap3A] {strides = array<i32>} : memref<512xf32, #tpu.memory_space<vmem>>, vector<16xf32>,
        tpu.vector_store %arg16[%swap3A], %select_n3A_597 {strides = array<i32>} : memref<512xf32, #tpu.memory_space<vmem>>, vector<16xf32>,
      } else {
      }
      scf.yield %select_n3A_597 : vector<16xf32>
    }
    %scan3A_201 = arith.constant 128 : i32
    %scan3A_202 = arith.constant 0 : i32
    %scan3A_203 = arith.constant 0 : i32
    %scan3A_204 = arith.constant 8 : i32
    %scan3A_205 = arith.addi %scan3A_203, %scan3A_204 : i32
    %scan3A_206 = arith.constant 1 : i32
    scf.for %scan3A_343 = %scan3A_203 to %scan3A_205 step %scan3A_206  : i32 {
      %mul3A_344 = arith.constant 16 : i32
      %mul3A_345 = arith.muli %scan3A_343, %mul3A_344 : i32
      %add3A_346 = arith.constant 128 : i32
      %add3A_347 = arith.addi %add3A_346, %mul3A_345 : i32
      %get3A = arith.index_cast %add3A_347 : i32 to index
      %get3A_348 = tpu.vector_load %arg14[%get3A] {strides = array<i32>} : memref<512xf32, #tpu.memory_space<vmem>>, vector<16xf32>,
      %mul3A_349 = arith.constant 16 : i32
      %mul3A_350 = arith.muli %scan3A_343, %mul3A_349 : i32
      %add3A_351 = arith.constant 128 : i32
      %add3A_352 = arith.addi %add3A_351, %mul3A_350 : i32
      %get3A_353 = arith.index_cast %add3A_352 : i32 to index
      %get3A_354 = tpu.vector_load %arg16[%get3A_353] {strides = array<i32>} : memref<512xf32, #tpu.memory_space<vmem>>, vector<16xf32>,
      %neg3A = arith.constant 0.000000e+00 : f32
      %neg3A_355 = vector.broadcast %neg3A : f32 to vector<16xf32>
      %neg3A_356 = arith.subf %neg3A_355, %get3A_348 : vector<16xf32>
      %exp3A = math.exp %neg3A_356 : vector<16xf32>
      %add3A_357 = arith.constant 1.000000e+00 : f32
      %add3A_358 = vector.broadcast %add3A_357 : f32 to vector<16xf32>
      %add3A_359 = arith.addf %add3A_358, %exp3A : vector<16xf32>
      %div3A = arith.constant 1.000000e+00 : f32
      %div3A_360 = vector.broadcast %div3A : f32 to vector<16xf32>
      %div3A_361 = arith.divf %div3A_360, %add3A_359 : vector<16xf32>
      %mul3A_362 = arith.constant 1.000000e+01 : f32
      %mul3A_363 = vector.broadcast %mul3A_362 : f32 to vector<16xf32>
      %mul3A_364 = arith.mulf %mul3A_363, %div3A_361 : vector<16xf32>
      %mul3A_365 = arith.mulf %mul3A_364, %get3A_354 : vector<16xf32>
      %neg3A_366 = arith.constant 0.000000e+00 : f32
      %neg3A_367 = vector.broadcast %neg3A_366 : f32 to vector<16xf32>
      %neg3A_368 = arith.subf %neg3A_367, %mul3A_365 : vector<16xf32>
      %exp3A_369 = math.exp %neg3A_368 : vector<16xf32>
      %add3A_370 = arith.constant 1.000000e+00 : f32
      %add3A_371 = vector.broadcast %add3A_370 : f32 to vector<16xf32>
      %add3A_372 = arith.addf %add3A_371, %exp3A_369 : vector<16xf32>
      %div3A_373 = arith.constant 1.000000e+00 : f32
      %div3A_374 = vector.broadcast %div3A_373 : f32 to vector<16xf32>
      %div3A_375 = arith.divf %div3A_374, %add3A_372 : vector<16xf32>
      %mul3A_376 = arith.constant 16 : i32
      %mul3A_377 = arith.muli %scan3A_343, %mul3A_376 : i32
      %add3A_378 = arith.constant 128 : i32
      %add3A_379 = arith.addi %add3A_378, %mul3A_377 : i32
      %swap3A = arith.index_cast %add3A_379 : i32 to index
      %swap3A_380 = tpu.vector_load %arg16[%swap3A] {strides = array<i32>} : memref<512xf32, #tpu.memory_space<vmem>>, vector<16xf32>,
      tpu.vector_store %arg16[%swap3A], %div3A_375 {strides = array<i32>} : memref<512xf32, #tpu.memory_space<vmem>>, vector<16xf32>,
    }
    %scan3A_207 = arith.constant 8 : i32
    %dma_start3A_208 = arith.constant 1 : i32
    %dma_start3A_209 = arith.constant 0 : i32
    %dma_start3A_210 = arith.constant 0 : i32
    %dma_start3A_211 = tpu.memref_slice %arg11[%dma_start3A_208, %dma_start3A_209, %dma_start3A_210] : memref<2x128x128xf32, #tpu.memory_space<vmem>> -> memref<1x128x128xf32, #tpu.memory_space<vmem>>
    %dma_start3A_212 = tpu.memref_squeeze %dma_start3A_211 : memref<1x128x128xf32, #tpu.memory_space<vmem>> -> memref<128x128xf32, #tpu.memory_space<vmem>>
    %dma_start3A_213 = arith.constant 384 : i32
    %dma_start3A_214 = tpu.memref_slice %arg9[%dma_start3A_213] : memref<512xi32, #tpu.memory_space<vmem>> -> memref<128xi32, #tpu.memory_space<vmem>>
    %dma_start3A_215 = arith.constant 0 : i32
    %dma_start3A_216 = arith.constant 0 : i32
    %dma_start3A_217 = tpu.memref_slice %arg5[%dma_start3A_215, %dma_start3A_216] : memref<1000000x128xf32, #tpu.memory_space<hbm>> -> memref<1000000x128xf32, #tpu.memory_space<hbm>>
    tpu.enqueue_indirect_dma source(%dma_start3A_217 : memref<1000000x128xf32, #tpu.memory_space<hbm>>) target(%dma_start3A_212 : memref<128x128xf32, #tpu.memory_space<vmem>>) offsets(%dma_start3A_214 : memref<128xi32, #tpu.memory_space<vmem>>) semaphore(%arg21 : memref<!tpu.dma_semaphore, #tpu.memory_space<semaphore_mem>>)
    %dma_start3A_218 = arith.constant 1 : i32
    %dma_start3A_219 = arith.constant 0 : i32
    %dma_start3A_220 = arith.constant 0 : i32
    %dma_start3A_221 = tpu.memref_slice %arg12[%dma_start3A_218, %dma_start3A_219, %dma_start3A_220] : memref<2x128x128xf32, #tpu.memory_space<vmem>> -> memref<1x128x128xf32, #tpu.memory_space<vmem>>
    %dma_start3A_222 = tpu.memref_squeeze %dma_start3A_221 : memref<1x128x128xf32, #tpu.memory_space<vmem>> -> memref<128x128xf32, #tpu.memory_space<vmem>>
    %dma_start3A_223 = arith.constant 384 : i32
    %dma_start3A_224 = tpu.memref_slice %arg10[%dma_start3A_223] : memref<512xi32, #tpu.memory_space<vmem>> -> memref<128xi32, #tpu.memory_space<vmem>>
    %dma_start3A_225 = arith.constant 0 : i32
    %dma_start3A_226 = arith.constant 0 : i32
    %dma_start3A_227 = tpu.memref_slice %arg6[%dma_start3A_225, %dma_start3A_226] : memref<100000x128xf32, #tpu.memory_space<hbm>> -> memref<100000x128xf32, #tpu.memory_space<hbm>>
    tpu.enqueue_indirect_dma source(%dma_start3A_227 : memref<100000x128xf32, #tpu.memory_space<hbm>>) target(%dma_start3A_222 : memref<128x128xf32, #tpu.memory_space<vmem>>) offsets(%dma_start3A_224 : memref<128xi32, #tpu.memory_space<vmem>>) semaphore(%arg22 : memref<!tpu.dma_semaphore, #tpu.memory_space<semaphore_mem>>)
    %add3A_228 = arith.constant 384 : i32
    %add3A_229 = arith.addi %mul3A_2, %add3A_228 : i32
    %dma_start3A_230 = arith.constant 1 : i32
    %dma_start3A_231 = arith.constant 0 : i32
    %dma_start3A_232 = arith.constant 0 : i32
    %dma_start3A_233 = tpu.memref_slice %arg13[%dma_start3A_230, %dma_start3A_231, %dma_start3A_232] : memref<2x128x128xf32, #tpu.memory_space<vmem>> -> memref<1x128x128xf32, #tpu.memory_space<vmem>>
    %dma_start3A_234 = tpu.memref_squeeze %dma_start3A_233 : memref<1x128x128xf32, #tpu.memory_space<vmem>> -> memref<128x128xf32, #tpu.memory_space<vmem>>
    %dma_start3A_235 = arith.constant 0 : i32
    %dma_start3A_236 = tpu.memref_slice %arg4[%add3A_229, %dma_start3A_235] : memref<16384x128xf32, #tpu.memory_space<hbm>> -> memref<128x128xf32, #tpu.memory_space<hbm>>
    %dma_start3A_237 = arith.constant 0 : i32
    %dma_start3A_238 = arith.constant 0 : i32
    %dma_start3A_239 = tpu.memref_slice %arg13[%dma_start3A_230, %dma_start3A_237, %dma_start3A_238] : memref<2x128x128xf32, #tpu.memory_space<vmem>> -> memref<1x128x128xf32, #tpu.memory_space<vmem>>
    %dma_start3A_240 = tpu.memref_squeeze %dma_start3A_239 : memref<1x128x128xf32, #tpu.memory_space<vmem>> -> memref<128x128xf32, #tpu.memory_space<vmem>>
    %dma_start3A_241 = arith.constant 0 : i32
    %dma_start3A_242 = tpu.memref_slice %arg4[%add3A_229, %dma_start3A_241] : memref<16384x128xf32, #tpu.memory_space<hbm>> -> memref<128x128xf32, #tpu.memory_space<hbm>>
    tpu.enqueue_dma source(%dma_start3A_242 : memref<128x128xf32, #tpu.memory_space<hbm>>) target(%dma_start3A_240 : memref<128x128xf32, #tpu.memory_space<vmem>>) target_semaphore(%arg23 : memref<!tpu.dma_semaphore, #tpu.memory_space<semaphore_mem>>)
    %dma_wait3A_243 = arith.constant 0 : i32
    %dma_wait3A_244 = arith.constant 0 : i32
    %dma_wait3A_245 = arith.constant 0 : i32
    %dma_wait3A_246 = tpu.memref_slice %arg11[%dma_wait3A_243, %dma_wait3A_244, %dma_wait3A_245] : memref<2x128x128xf32, #tpu.memory_space<vmem>> -> memref<1x128x128xf32, #tpu.memory_space<vmem>>
    %dma_wait3A_247 = tpu.memref_squeeze %dma_wait3A_246 : memref<1x128x128xf32, #tpu.memory_space<vmem>> -> memref<128x128xf32, #tpu.memory_space<vmem>>
    %dma_wait3A_248 = arith.constant 256 : i32
    %dma_wait3A_249 = tpu.memref_slice %arg9[%dma_wait3A_248] : memref<512xi32, #tpu.memory_space<vmem>> -> memref<128xi32, #tpu.memory_space<vmem>>
    %dma_wait3A_250 = arith.constant 0 : i32
    %dma_wait3A_251 = arith.constant 0 : i32
    %dma_wait3A_252 = tpu.memref_slice %arg5[%dma_wait3A_250, %dma_wait3A_251] : memref<1000000x128xf32, #tpu.memory_space<hbm>> -> memref<1000000x128xf32, #tpu.memory_space<hbm>>
    tpu.wait_indirect_dma semaphore(%arg18 : memref<!tpu.dma_semaphore, #tpu.memory_space<semaphore_mem>>) src(%dma_wait3A_252 : memref<1000000x128xf32, #tpu.memory_space<hbm>>) dst(%dma_wait3A_247 : memref<128x128xf32, #tpu.memory_space<vmem>>)
    %dma_wait3A_253 = arith.constant 0 : i32
    %dma_wait3A_254 = arith.constant 0 : i32
    %dma_wait3A_255 = arith.constant 0 : i32
    %dma_wait3A_256 = tpu.memref_slice %arg12[%dma_wait3A_253, %dma_wait3A_254, %dma_wait3A_255] : memref<2x128x128xf32, #tpu.memory_space<vmem>> -> memref<1x128x128xf32, #tpu.memory_space<vmem>>
    %dma_wait3A_257 = tpu.memref_squeeze %dma_wait3A_256 : memref<1x128x128xf32, #tpu.memory_space<vmem>> -> memref<128x128xf32, #tpu.memory_space<vmem>>
    %dma_wait3A_258 = arith.constant 256 : i32
    %dma_wait3A_259 = tpu.memref_slice %arg10[%dma_wait3A_258] : memref<512xi32, #tpu.memory_space<vmem>> -> memref<128xi32, #tpu.memory_space<vmem>>
    %dma_wait3A_260 = arith.constant 0 : i32
    %dma_wait3A_261 = arith.constant 0 : i32
    %dma_wait3A_262 = tpu.memref_slice %arg6[%dma_wait3A_260, %dma_wait3A_261] : memref<100000x128xf32, #tpu.memory_space<hbm>> -> memref<100000x128xf32, #tpu.memory_space<hbm>>
    tpu.wait_indirect_dma semaphore(%arg19 : memref<!tpu.dma_semaphore, #tpu.memory_space<semaphore_mem>>) src(%dma_wait3A_262 : memref<100000x128xf32, #tpu.memory_space<hbm>>) dst(%dma_wait3A_257 : memref<128x128xf32, #tpu.memory_space<vmem>>)
    %dma_wait3A_263 = arith.constant 0 : i32
    %dma_wait3A_264 = arith.constant 0 : i32
    %dma_wait3A_265 = arith.constant 0 : i32
    %dma_wait3A_266 = tpu.memref_slice %arg13[%dma_wait3A_263, %dma_wait3A_264, %dma_wait3A_265] : memref<2x128x128xf32, #tpu.memory_space<vmem>> -> memref<1x128x128xf32, #tpu.memory_space<vmem>>
    %dma_wait3A_267 = tpu.memref_squeeze %dma_wait3A_266 : memref<1x128x128xf32, #tpu.memory_space<vmem>> -> memref<128x128xf32, #tpu.memory_space<vmem>>
    %dma_wait3A_268 = arith.constant 0 : i32
    %dma_wait3A_269 = tpu.memref_slice %arg4[%add3A_144, %dma_wait3A_268] : memref<16384x128xf32, #tpu.memory_space<hbm>> -> memref<128x128xf32, #tpu.memory_space<hbm>>
    %dma_wait3A_270 = arith.constant 0 : i32
    %dma_wait3A_271 = arith.constant 0 : i32
    %dma_wait3A_272 = tpu.memref_slice %arg13[%dma_wait3A_263, %dma_wait3A_270, %dma_wait3A_271] : memref<2x128x128xf32, #tpu.memory_space<vmem>> -> memref<1x128x128xf32, #tpu.memory_space<vmem>>
    %dma_wait3A_273 = tpu.memref_squeeze %dma_wait3A_272 : memref<1x128x128xf32, #tpu.memory_space<vmem>> -> memref<128x128xf32, #tpu.memory_space<vmem>>
    %dma_wait3A_274 = arith.constant 0 : i32
    %dma_wait3A_275 = tpu.memref_slice %arg4[%add3A_144, %dma_wait3A_274] : memref<16384x128xf32, #tpu.memory_space<hbm>> -> memref<128x128xf32, #tpu.memory_space<hbm>>
    tpu.wait_dma2 semaphore(%arg20 : memref<!tpu.dma_semaphore, #tpu.memory_space<semaphore_mem>>) src(%dma_wait3A_275 : memref<128x128xf32, #tpu.memory_space<hbm>>) dst(%dma_wait3A_273 : memref<128x128xf32, #tpu.memory_space<vmem>>)
    %broadcast_in_dim3A_276 = arith.constant 0.000000e+00 : f32
    %broadcast_in_dim3A_277 = vector.broadcast %broadcast_in_dim3A_276 : f32 to vector<16xf32>
    %scan3A_278 = arith.constant 0 : i32
    %scan3A_279 = arith.constant 0 : i32
    %scan3A_280 = arith.constant 0 : i32
    %scan3A_281 = arith.constant 0 : i32
    %scan3A_282 = arith.constant 128 : i32
    %scan3A_283 = arith.addi %scan3A_281, %scan3A_282 : i32
    %scan3A_284 = arith.constant 4 : i32
    %scan3A_285 = scf.for %scan3A_343 = %scan3A_281 to %scan3A_283 step %scan3A_284 iter_args(%scan3A_344 = %broadcast_in_dim3A_277) -> (vector<16xf32>)  : i32 {
      %broadcast_in_dim3A_345 = arith.constant 0.000000e+00 : f32
      %broadcast_in_dim3A_346 = vector.broadcast %broadcast_in_dim3A_345 : f32 to vector<16xf32>
      %get3A = arith.constant 0 : i32
      %get3A_347 = arith.constant 0 : i32
      %get3A_348 = tpu.memref_slice %arg11[%scan3A_278, %get3A, %get3A_347] : memref<2x128x128xf32, #tpu.memory_space<vmem>> -> memref<1x128x128xf32, #tpu.memory_space<vmem>>
      %get3A_349 = tpu.memref_squeeze %get3A_348 : memref<1x128x128xf32, #tpu.memory_space<vmem>> -> memref<128x128xf32, #tpu.memory_space<vmem>>
      %get3A_350 = arith.index_cast %scan3A_343 : i32 to index
      %get3A_351 = arith.constant 0 : index
      %get3A_352 = tpu.vector_load %get3A_349[%get3A_350, %get3A_351] {strides = array<i32>} : memref<128x128xf32, #tpu.memory_space<vmem>>, vector<16xf32>,
      %get3A_353 = arith.constant 0 : i32
      %get3A_354 = arith.constant 0 : i32
      %get3A_355 = tpu.memref_slice %arg12[%scan3A_279, %get3A_353, %get3A_354] : memref<2x128x128xf32, #tpu.memory_space<vmem>> -> memref<1x128x128xf32, #tpu.memory_space<vmem>>
      %get3A_356 = tpu.memref_squeeze %get3A_355 : memref<1x128x128xf32, #tpu.memory_space<vmem>> -> memref<128x128xf32, #tpu.memory_space<vmem>>
      %get3A_357 = arith.index_cast %scan3A_343 : i32 to index
      %get3A_358 = arith.constant 0 : index
      %get3A_359 = tpu.vector_load %get3A_356[%get3A_357, %get3A_358] {strides = array<i32>} : memref<128x128xf32, #tpu.memory_space<vmem>>, vector<16xf32>,
      %get3A_360 = arith.constant 0 : i32
      %get3A_361 = arith.constant 0 : i32
      %get3A_362 = tpu.memref_slice %arg13[%scan3A_280, %get3A_360, %get3A_361] : memref<2x128x128xf32, #tpu.memory_space<vmem>> -> memref<1x128x128xf32, #tpu.memory_space<vmem>>
      %get3A_363 = tpu.memref_squeeze %get3A_362 : memref<1x128x128xf32, #tpu.memory_space<vmem>> -> memref<128x128xf32, #tpu.memory_space<vmem>>
      %get3A_364 = arith.index_cast %scan3A_343 : i32 to index
      %get3A_365 = arith.constant 0 : index
      %get3A_366 = tpu.vector_load %get3A_363[%get3A_364, %get3A_365] {strides = array<i32>} : memref<128x128xf32, #tpu.memory_space<vmem>>, vector<16xf32>,
      %mul3A_367 = arith.mulf %get3A_352, %get3A_352 : vector<16xf32>
      %mul3A_368 = arith.mulf %get3A_359, %get3A_359 : vector<16xf32>
      %mul3A_369 = arith.constant 0.00208333321 : f32
      %mul3A_370 = vector.broadcast %mul3A_369 : f32 to vector<16xf32>
      %mul3A_371 = arith.mulf %mul3A_367, %mul3A_370 : vector<16xf32>
      %add3A_372 = arith.constant -0.0208333321 : f32
      %add3A_373 = vector.broadcast %add3A_372 : f32 to vector<16xf32>
      %add3A_374 = arith.addf %add3A_373, %mul3A_371 : vector<16xf32>
      %mul3A_375 = arith.mulf %mul3A_367, %add3A_374 : vector<16xf32>
      %add3A_376 = arith.constant 2.500000e-01 : f32
      %add3A_377 = vector.broadcast %add3A_376 : f32 to vector<16xf32>
      %add3A_378 = arith.addf %add3A_377, %mul3A_375 : vector<16xf32>
      %mul3A_379 = arith.mulf %get3A_352, %add3A_378 : vector<16xf32>
      %mul3A_380 = arith.constant 0.00208333321 : f32
      %mul3A_381 = vector.broadcast %mul3A_380 : f32 to vector<16xf32>
      %mul3A_382 = arith.mulf %mul3A_368, %mul3A_381 : vector<16xf32>
      %add3A_383 = arith.constant -0.0208333321 : f32
      %add3A_384 = vector.broadcast %add3A_383 : f32 to vector<16xf32>
      %add3A_385 = arith.addf %add3A_384, %mul3A_382 : vector<16xf32>
      %mul3A_386 = arith.mulf %mul3A_368, %add3A_385 : vector<16xf32>
      %add3A_387 = arith.constant 2.500000e-01 : f32
      %add3A_388 = vector.broadcast %add3A_387 : f32 to vector<16xf32>
      %add3A_389 = arith.addf %add3A_388, %mul3A_386 : vector<16xf32>
      %mul3A_390 = arith.mulf %get3A_359, %add3A_389 : vector<16xf32>
      %sub3A = arith.subf %mul3A_379, %mul3A_390 : vector<16xf32>
      %mul3A_391 = arith.mulf %get3A_366, %sub3A : vector<16xf32>
      %add3A_392 = arith.addf %broadcast_in_dim3A_346, %mul3A_391 : vector<16xf32>
      %and3A = arith.constant 15 : i32
      %and3A_393 = arith.andi %scan3A_343, %and3A : i32
      %eq3A = vector.broadcast %and3A_393 : i32 to vector<16xi32>
      %eq3A_394 = arith.cmpi eq, %iota3A, %eq3A : vector<16xi32>
      %reduce_sum3A = arith.constant true
      %reduce_sum3A_395 = vector.broadcast %reduce_sum3A : i1 to vector<16xi1>
      %reduce_sum3A_396 = tpu.scan <sum>, %add3A_392 masked %reduce_sum3A_395 : vector<16xf32>, vector<16xi1> -> vector<16xf32>
      %reduce_sum3A_397 = vector.extract %reduce_sum3A_396[15] : f32 from vector<16xf32>
      %broadcast_in_dim3A_398 = vector.broadcast %reduce_sum3A_397 : f32 to vector<16xf32>
      %select_n3A = arith.select %eq3A_394, %broadcast_in_dim3A_398, %scan3A_344 : vector<16xi1>, vector<16xf32>
      %eq3A_399 = arith.constant 15 : i32
      %eq3A_400 = arith.cmpi eq, %and3A_393, %eq3A_399 : i32
      %convert_element_type3A = arith.extui %eq3A_400 : i1 to i32
      %cond3A = arith.constant 0 : i32
      %cond3A_401 = arith.cmpi ne, %convert_element_type3A, %cond3A : i32
      scf.if %cond3A_401 {
        %add3A_603 = arith.constant 256 : i32
        %add3A_604 = arith.addi %add3A_603, %scan3A_343 : i32
        %sub3A_605 = arith.constant 15 : i32
        %sub3A_606 = arith.subi %add3A_604, %sub3A_605 : i32
        %swap3A = arith.index_cast %sub3A_606 : i32 to index
        %swap3A_607 = tpu.vector_load %arg16[%swap3A] {strides = array<i32>} : memref<512xf32, #tpu.memory_space<vmem>>, vector<16xf32>,
        tpu.vector_store %arg16[%swap3A], %select_n3A {strides = array<i32>} : memref<512xf32, #tpu.memory_space<vmem>>, vector<16xf32>,
      } else {
      }
      %scan3A_402 = arith.constant 1 : i32
      %scan3A_403 = arith.addi %scan3A_343, %scan3A_402 : i32
      %broadcast_in_dim3A_404 = arith.constant 0.000000e+00 : f32
      %broadcast_in_dim3A_405 = vector.broadcast %broadcast_in_dim3A_404 : f32 to vector<16xf32>
      %get3A_406 = arith.constant 0 : i32
      %get3A_407 = arith.constant 0 : i32
      %get3A_408 = tpu.memref_slice %arg11[%scan3A_278, %get3A_406, %get3A_407] : memref<2x128x128xf32, #tpu.memory_space<vmem>> -> memref<1x128x128xf32, #tpu.memory_space<vmem>>
      %get3A_409 = tpu.memref_squeeze %get3A_408 : memref<1x128x128xf32, #tpu.memory_space<vmem>> -> memref<128x128xf32, #tpu.memory_space<vmem>>
      %get3A_410 = arith.index_cast %scan3A_403 : i32 to index
      %get3A_411 = arith.constant 0 : index
      %get3A_412 = tpu.vector_load %get3A_409[%get3A_410, %get3A_411] {strides = array<i32>} : memref<128x128xf32, #tpu.memory_space<vmem>>, vector<16xf32>,
      %get3A_413 = arith.constant 0 : i32
      %get3A_414 = arith.constant 0 : i32
      %get3A_415 = tpu.memref_slice %arg12[%scan3A_279, %get3A_413, %get3A_414] : memref<2x128x128xf32, #tpu.memory_space<vmem>> -> memref<1x128x128xf32, #tpu.memory_space<vmem>>
      %get3A_416 = tpu.memref_squeeze %get3A_415 : memref<1x128x128xf32, #tpu.memory_space<vmem>> -> memref<128x128xf32, #tpu.memory_space<vmem>>
      %get3A_417 = arith.index_cast %scan3A_403 : i32 to index
      %get3A_418 = arith.constant 0 : index
      %get3A_419 = tpu.vector_load %get3A_416[%get3A_417, %get3A_418] {strides = array<i32>} : memref<128x128xf32, #tpu.memory_space<vmem>>, vector<16xf32>,
      %get3A_420 = arith.constant 0 : i32
      %get3A_421 = arith.constant 0 : i32
      %get3A_422 = tpu.memref_slice %arg13[%scan3A_280, %get3A_420, %get3A_421] : memref<2x128x128xf32, #tpu.memory_space<vmem>> -> memref<1x128x128xf32, #tpu.memory_space<vmem>>
      %get3A_423 = tpu.memref_squeeze %get3A_422 : memref<1x128x128xf32, #tpu.memory_space<vmem>> -> memref<128x128xf32, #tpu.memory_space<vmem>>
      %get3A_424 = arith.index_cast %scan3A_403 : i32 to index
      %get3A_425 = arith.constant 0 : index
      %get3A_426 = tpu.vector_load %get3A_423[%get3A_424, %get3A_425] {strides = array<i32>} : memref<128x128xf32, #tpu.memory_space<vmem>>, vector<16xf32>,
      %mul3A_427 = arith.mulf %get3A_412, %get3A_412 : vector<16xf32>
      %mul3A_428 = arith.mulf %get3A_419, %get3A_419 : vector<16xf32>
      %mul3A_429 = arith.constant 0.00208333321 : f32
      %mul3A_430 = vector.broadcast %mul3A_429 : f32 to vector<16xf32>
      %mul3A_431 = arith.mulf %mul3A_427, %mul3A_430 : vector<16xf32>
      %add3A_432 = arith.constant -0.0208333321 : f32
      %add3A_433 = vector.broadcast %add3A_432 : f32 to vector<16xf32>
      %add3A_434 = arith.addf %add3A_433, %mul3A_431 : vector<16xf32>
      %mul3A_435 = arith.mulf %mul3A_427, %add3A_434 : vector<16xf32>
      %add3A_436 = arith.constant 2.500000e-01 : f32
      %add3A_437 = vector.broadcast %add3A_436 : f32 to vector<16xf32>
      %add3A_438 = arith.addf %add3A_437, %mul3A_435 : vector<16xf32>
      %mul3A_439 = arith.mulf %get3A_412, %add3A_438 : vector<16xf32>
      %mul3A_440 = arith.constant 0.00208333321 : f32
      %mul3A_441 = vector.broadcast %mul3A_440 : f32 to vector<16xf32>
      %mul3A_442 = arith.mulf %mul3A_428, %mul3A_441 : vector<16xf32>
      %add3A_443 = arith.constant -0.0208333321 : f32
      %add3A_444 = vector.broadcast %add3A_443 : f32 to vector<16xf32>
      %add3A_445 = arith.addf %add3A_444, %mul3A_442 : vector<16xf32>
      %mul3A_446 = arith.mulf %mul3A_428, %add3A_445 : vector<16xf32>
      %add3A_447 = arith.constant 2.500000e-01 : f32
      %add3A_448 = vector.broadcast %add3A_447 : f32 to vector<16xf32>
      %add3A_449 = arith.addf %add3A_448, %mul3A_446 : vector<16xf32>
      %mul3A_450 = arith.mulf %get3A_419, %add3A_449 : vector<16xf32>
      %sub3A_451 = arith.subf %mul3A_439, %mul3A_450 : vector<16xf32>
      %mul3A_452 = arith.mulf %get3A_426, %sub3A_451 : vector<16xf32>
      %add3A_453 = arith.addf %broadcast_in_dim3A_405, %mul3A_452 : vector<16xf32>
      %and3A_454 = arith.constant 15 : i32
      %and3A_455 = arith.andi %scan3A_403, %and3A_454 : i32
      %eq3A_456 = vector.broadcast %and3A_455 : i32 to vector<16xi32>
      %eq3A_457 = arith.cmpi eq, %iota3A, %eq3A_456 : vector<16xi32>
      %reduce_sum3A_458 = arith.constant true
      %reduce_sum3A_459 = vector.broadcast %reduce_sum3A_458 : i1 to vector<16xi1>
      %reduce_sum3A_460 = tpu.scan <sum>, %add3A_453 masked %reduce_sum3A_459 : vector<16xf32>, vector<16xi1> -> vector<16xf32>
      %reduce_sum3A_461 = vector.extract %reduce_sum3A_460[15] : f32 from vector<16xf32>
      %broadcast_in_dim3A_462 = vector.broadcast %reduce_sum3A_461 : f32 to vector<16xf32>
      %select_n3A_463 = arith.select %eq3A_457, %broadcast_in_dim3A_462, %select_n3A : vector<16xi1>, vector<16xf32>
      %eq3A_464 = arith.constant 15 : i32
      %eq3A_465 = arith.cmpi eq, %and3A_455, %eq3A_464 : i32
      %convert_element_type3A_466 = arith.extui %eq3A_465 : i1 to i32
      %cond3A_467 = arith.constant 0 : i32
      %cond3A_468 = arith.cmpi ne, %convert_element_type3A_466, %cond3A_467 : i32
      scf.if %cond3A_468 {
        %add3A_603 = arith.constant 256 : i32
        %add3A_604 = arith.addi %add3A_603, %scan3A_403 : i32
        %sub3A_605 = arith.constant 15 : i32
        %sub3A_606 = arith.subi %add3A_604, %sub3A_605 : i32
        %swap3A = arith.index_cast %sub3A_606 : i32 to index
        %swap3A_607 = tpu.vector_load %arg16[%swap3A] {strides = array<i32>} : memref<512xf32, #tpu.memory_space<vmem>>, vector<16xf32>,
        tpu.vector_store %arg16[%swap3A], %select_n3A_463 {strides = array<i32>} : memref<512xf32, #tpu.memory_space<vmem>>, vector<16xf32>,
      } else {
      }
      %scan3A_469 = arith.constant 2 : i32
      %scan3A_470 = arith.addi %scan3A_343, %scan3A_469 : i32
      %broadcast_in_dim3A_471 = arith.constant 0.000000e+00 : f32
      %broadcast_in_dim3A_472 = vector.broadcast %broadcast_in_dim3A_471 : f32 to vector<16xf32>
      %get3A_473 = arith.constant 0 : i32
      %get3A_474 = arith.constant 0 : i32
      %get3A_475 = tpu.memref_slice %arg11[%scan3A_278, %get3A_473, %get3A_474] : memref<2x128x128xf32, #tpu.memory_space<vmem>> -> memref<1x128x128xf32, #tpu.memory_space<vmem>>
      %get3A_476 = tpu.memref_squeeze %get3A_475 : memref<1x128x128xf32, #tpu.memory_space<vmem>> -> memref<128x128xf32, #tpu.memory_space<vmem>>
      %get3A_477 = arith.index_cast %scan3A_470 : i32 to index
      %get3A_478 = arith.constant 0 : index
      %get3A_479 = tpu.vector_load %get3A_476[%get3A_477, %get3A_478] {strides = array<i32>} : memref<128x128xf32, #tpu.memory_space<vmem>>, vector<16xf32>,
      %get3A_480 = arith.constant 0 : i32
      %get3A_481 = arith.constant 0 : i32
      %get3A_482 = tpu.memref_slice %arg12[%scan3A_279, %get3A_480, %get3A_481] : memref<2x128x128xf32, #tpu.memory_space<vmem>> -> memref<1x128x128xf32, #tpu.memory_space<vmem>>
      %get3A_483 = tpu.memref_squeeze %get3A_482 : memref<1x128x128xf32, #tpu.memory_space<vmem>> -> memref<128x128xf32, #tpu.memory_space<vmem>>
      %get3A_484 = arith.index_cast %scan3A_470 : i32 to index
      %get3A_485 = arith.constant 0 : index
      %get3A_486 = tpu.vector_load %get3A_483[%get3A_484, %get3A_485] {strides = array<i32>} : memref<128x128xf32, #tpu.memory_space<vmem>>, vector<16xf32>,
      %get3A_487 = arith.constant 0 : i32
      %get3A_488 = arith.constant 0 : i32
      %get3A_489 = tpu.memref_slice %arg13[%scan3A_280, %get3A_487, %get3A_488] : memref<2x128x128xf32, #tpu.memory_space<vmem>> -> memref<1x128x128xf32, #tpu.memory_space<vmem>>
      %get3A_490 = tpu.memref_squeeze %get3A_489 : memref<1x128x128xf32, #tpu.memory_space<vmem>> -> memref<128x128xf32, #tpu.memory_space<vmem>>
      %get3A_491 = arith.index_cast %scan3A_470 : i32 to index
      %get3A_492 = arith.constant 0 : index
      %get3A_493 = tpu.vector_load %get3A_490[%get3A_491, %get3A_492] {strides = array<i32>} : memref<128x128xf32, #tpu.memory_space<vmem>>, vector<16xf32>,
      %mul3A_494 = arith.mulf %get3A_479, %get3A_479 : vector<16xf32>
      %mul3A_495 = arith.mulf %get3A_486, %get3A_486 : vector<16xf32>
      %mul3A_496 = arith.constant 0.00208333321 : f32
      %mul3A_497 = vector.broadcast %mul3A_496 : f32 to vector<16xf32>
      %mul3A_498 = arith.mulf %mul3A_494, %mul3A_497 : vector<16xf32>
      %add3A_499 = arith.constant -0.0208333321 : f32
      %add3A_500 = vector.broadcast %add3A_499 : f32 to vector<16xf32>
      %add3A_501 = arith.addf %add3A_500, %mul3A_498 : vector<16xf32>
      %mul3A_502 = arith.mulf %mul3A_494, %add3A_501 : vector<16xf32>
      %add3A_503 = arith.constant 2.500000e-01 : f32
      %add3A_504 = vector.broadcast %add3A_503 : f32 to vector<16xf32>
      %add3A_505 = arith.addf %add3A_504, %mul3A_502 : vector<16xf32>
      %mul3A_506 = arith.mulf %get3A_479, %add3A_505 : vector<16xf32>
      %mul3A_507 = arith.constant 0.00208333321 : f32
      %mul3A_508 = vector.broadcast %mul3A_507 : f32 to vector<16xf32>
      %mul3A_509 = arith.mulf %mul3A_495, %mul3A_508 : vector<16xf32>
      %add3A_510 = arith.constant -0.0208333321 : f32
      %add3A_511 = vector.broadcast %add3A_510 : f32 to vector<16xf32>
      %add3A_512 = arith.addf %add3A_511, %mul3A_509 : vector<16xf32>
      %mul3A_513 = arith.mulf %mul3A_495, %add3A_512 : vector<16xf32>
      %add3A_514 = arith.constant 2.500000e-01 : f32
      %add3A_515 = vector.broadcast %add3A_514 : f32 to vector<16xf32>
      %add3A_516 = arith.addf %add3A_515, %mul3A_513 : vector<16xf32>
      %mul3A_517 = arith.mulf %get3A_486, %add3A_516 : vector<16xf32>
      %sub3A_518 = arith.subf %mul3A_506, %mul3A_517 : vector<16xf32>
      %mul3A_519 = arith.mulf %get3A_493, %sub3A_518 : vector<16xf32>
      %add3A_520 = arith.addf %broadcast_in_dim3A_472, %mul3A_519 : vector<16xf32>
      %and3A_521 = arith.constant 15 : i32
      %and3A_522 = arith.andi %scan3A_470, %and3A_521 : i32
      %eq3A_523 = vector.broadcast %and3A_522 : i32 to vector<16xi32>
      %eq3A_524 = arith.cmpi eq, %iota3A, %eq3A_523 : vector<16xi32>
      %reduce_sum3A_525 = arith.constant true
      %reduce_sum3A_526 = vector.broadcast %reduce_sum3A_525 : i1 to vector<16xi1>
      %reduce_sum3A_527 = tpu.scan <sum>, %add3A_520 masked %reduce_sum3A_526 : vector<16xf32>, vector<16xi1> -> vector<16xf32>
      %reduce_sum3A_528 = vector.extract %reduce_sum3A_527[15] : f32 from vector<16xf32>
      %broadcast_in_dim3A_529 = vector.broadcast %reduce_sum3A_528 : f32 to vector<16xf32>
      %select_n3A_530 = arith.select %eq3A_524, %broadcast_in_dim3A_529, %select_n3A_463 : vector<16xi1>, vector<16xf32>
      %eq3A_531 = arith.constant 15 : i32
      %eq3A_532 = arith.cmpi eq, %and3A_522, %eq3A_531 : i32
      %convert_element_type3A_533 = arith.extui %eq3A_532 : i1 to i32
      %cond3A_534 = arith.constant 0 : i32
      %cond3A_535 = arith.cmpi ne, %convert_element_type3A_533, %cond3A_534 : i32
      scf.if %cond3A_535 {
        %add3A_603 = arith.constant 256 : i32
        %add3A_604 = arith.addi %add3A_603, %scan3A_470 : i32
        %sub3A_605 = arith.constant 15 : i32
        %sub3A_606 = arith.subi %add3A_604, %sub3A_605 : i32
        %swap3A = arith.index_cast %sub3A_606 : i32 to index
        %swap3A_607 = tpu.vector_load %arg16[%swap3A] {strides = array<i32>} : memref<512xf32, #tpu.memory_space<vmem>>, vector<16xf32>,
        tpu.vector_store %arg16[%swap3A], %select_n3A_530 {strides = array<i32>} : memref<512xf32, #tpu.memory_space<vmem>>, vector<16xf32>,
      } else {
      }
      %scan3A_536 = arith.constant 3 : i32
      %scan3A_537 = arith.addi %scan3A_343, %scan3A_536 : i32
      %broadcast_in_dim3A_538 = arith.constant 0.000000e+00 : f32
      %broadcast_in_dim3A_539 = vector.broadcast %broadcast_in_dim3A_538 : f32 to vector<16xf32>
      %get3A_540 = arith.constant 0 : i32
      %get3A_541 = arith.constant 0 : i32
      %get3A_542 = tpu.memref_slice %arg11[%scan3A_278, %get3A_540, %get3A_541] : memref<2x128x128xf32, #tpu.memory_space<vmem>> -> memref<1x128x128xf32, #tpu.memory_space<vmem>>
      %get3A_543 = tpu.memref_squeeze %get3A_542 : memref<1x128x128xf32, #tpu.memory_space<vmem>> -> memref<128x128xf32, #tpu.memory_space<vmem>>
      %get3A_544 = arith.index_cast %scan3A_537 : i32 to index
      %get3A_545 = arith.constant 0 : index
      %get3A_546 = tpu.vector_load %get3A_543[%get3A_544, %get3A_545] {strides = array<i32>} : memref<128x128xf32, #tpu.memory_space<vmem>>, vector<16xf32>,
      %get3A_547 = arith.constant 0 : i32
      %get3A_548 = arith.constant 0 : i32
      %get3A_549 = tpu.memref_slice %arg12[%scan3A_279, %get3A_547, %get3A_548] : memref<2x128x128xf32, #tpu.memory_space<vmem>> -> memref<1x128x128xf32, #tpu.memory_space<vmem>>
      %get3A_550 = tpu.memref_squeeze %get3A_549 : memref<1x128x128xf32, #tpu.memory_space<vmem>> -> memref<128x128xf32, #tpu.memory_space<vmem>>
      %get3A_551 = arith.index_cast %scan3A_537 : i32 to index
      %get3A_552 = arith.constant 0 : index
      %get3A_553 = tpu.vector_load %get3A_550[%get3A_551, %get3A_552] {strides = array<i32>} : memref<128x128xf32, #tpu.memory_space<vmem>>, vector<16xf32>,
      %get3A_554 = arith.constant 0 : i32
      %get3A_555 = arith.constant 0 : i32
      %get3A_556 = tpu.memref_slice %arg13[%scan3A_280, %get3A_554, %get3A_555] : memref<2x128x128xf32, #tpu.memory_space<vmem>> -> memref<1x128x128xf32, #tpu.memory_space<vmem>>
      %get3A_557 = tpu.memref_squeeze %get3A_556 : memref<1x128x128xf32, #tpu.memory_space<vmem>> -> memref<128x128xf32, #tpu.memory_space<vmem>>
      %get3A_558 = arith.index_cast %scan3A_537 : i32 to index
      %get3A_559 = arith.constant 0 : index
      %get3A_560 = tpu.vector_load %get3A_557[%get3A_558, %get3A_559] {strides = array<i32>} : memref<128x128xf32, #tpu.memory_space<vmem>>, vector<16xf32>,
      %mul3A_561 = arith.mulf %get3A_546, %get3A_546 : vector<16xf32>
      %mul3A_562 = arith.mulf %get3A_553, %get3A_553 : vector<16xf32>
      %mul3A_563 = arith.constant 0.00208333321 : f32
      %mul3A_564 = vector.broadcast %mul3A_563 : f32 to vector<16xf32>
      %mul3A_565 = arith.mulf %mul3A_561, %mul3A_564 : vector<16xf32>
      %add3A_566 = arith.constant -0.0208333321 : f32
      %add3A_567 = vector.broadcast %add3A_566 : f32 to vector<16xf32>
      %add3A_568 = arith.addf %add3A_567, %mul3A_565 : vector<16xf32>
      %mul3A_569 = arith.mulf %mul3A_561, %add3A_568 : vector<16xf32>
      %add3A_570 = arith.constant 2.500000e-01 : f32
      %add3A_571 = vector.broadcast %add3A_570 : f32 to vector<16xf32>
      %add3A_572 = arith.addf %add3A_571, %mul3A_569 : vector<16xf32>
      %mul3A_573 = arith.mulf %get3A_546, %add3A_572 : vector<16xf32>
      %mul3A_574 = arith.constant 0.00208333321 : f32
      %mul3A_575 = vector.broadcast %mul3A_574 : f32 to vector<16xf32>
      %mul3A_576 = arith.mulf %mul3A_562, %mul3A_575 : vector<16xf32>
      %add3A_577 = arith.constant -0.0208333321 : f32
      %add3A_578 = vector.broadcast %add3A_577 : f32 to vector<16xf32>
      %add3A_579 = arith.addf %add3A_578, %mul3A_576 : vector<16xf32>
      %mul3A_580 = arith.mulf %mul3A_562, %add3A_579 : vector<16xf32>
      %add3A_581 = arith.constant 2.500000e-01 : f32
      %add3A_582 = vector.broadcast %add3A_581 : f32 to vector<16xf32>
      %add3A_583 = arith.addf %add3A_582, %mul3A_580 : vector<16xf32>
      %mul3A_584 = arith.mulf %get3A_553, %add3A_583 : vector<16xf32>
      %sub3A_585 = arith.subf %mul3A_573, %mul3A_584 : vector<16xf32>
      %mul3A_586 = arith.mulf %get3A_560, %sub3A_585 : vector<16xf32>
      %add3A_587 = arith.addf %broadcast_in_dim3A_539, %mul3A_586 : vector<16xf32>
      %and3A_588 = arith.constant 15 : i32
      %and3A_589 = arith.andi %scan3A_537, %and3A_588 : i32
      %eq3A_590 = vector.broadcast %and3A_589 : i32 to vector<16xi32>
      %eq3A_591 = arith.cmpi eq, %iota3A, %eq3A_590 : vector<16xi32>
      %reduce_sum3A_592 = arith.constant true
      %reduce_sum3A_593 = vector.broadcast %reduce_sum3A_592 : i1 to vector<16xi1>
      %reduce_sum3A_594 = tpu.scan <sum>, %add3A_587 masked %reduce_sum3A_593 : vector<16xf32>, vector<16xi1> -> vector<16xf32>
      %reduce_sum3A_595 = vector.extract %reduce_sum3A_594[15] : f32 from vector<16xf32>
      %broadcast_in_dim3A_596 = vector.broadcast %reduce_sum3A_595 : f32 to vector<16xf32>
      %select_n3A_597 = arith.select %eq3A_591, %broadcast_in_dim3A_596, %select_n3A_530 : vector<16xi1>, vector<16xf32>
      %eq3A_598 = arith.constant 15 : i32
      %eq3A_599 = arith.cmpi eq, %and3A_589, %eq3A_598 : i32
      %convert_element_type3A_600 = arith.extui %eq3A_599 : i1 to i32
      %cond3A_601 = arith.constant 0 : i32
      %cond3A_602 = arith.cmpi ne, %convert_element_type3A_600, %cond3A_601 : i32
      scf.if %cond3A_602 {
        %add3A_603 = arith.constant 256 : i32
        %add3A_604 = arith.addi %add3A_603, %scan3A_537 : i32
        %sub3A_605 = arith.constant 15 : i32
        %sub3A_606 = arith.subi %add3A_604, %sub3A_605 : i32
        %swap3A = arith.index_cast %sub3A_606 : i32 to index
        %swap3A_607 = tpu.vector_load %arg16[%swap3A] {strides = array<i32>} : memref<512xf32, #tpu.memory_space<vmem>>, vector<16xf32>,
        tpu.vector_store %arg16[%swap3A], %select_n3A_597 {strides = array<i32>} : memref<512xf32, #tpu.memory_space<vmem>>, vector<16xf32>,
      } else {
      }
      scf.yield %select_n3A_597 : vector<16xf32>
    }
    %scan3A_286 = arith.constant 128 : i32
    %scan3A_287 = arith.constant 0 : i32
    %scan3A_288 = arith.constant 0 : i32
    %scan3A_289 = arith.constant 8 : i32
    %scan3A_290 = arith.addi %scan3A_288, %scan3A_289 : i32
    %scan3A_291 = arith.constant 1 : i32
    scf.for %scan3A_343 = %scan3A_288 to %scan3A_290 step %scan3A_291  : i32 {
      %mul3A_344 = arith.constant 16 : i32
      %mul3A_345 = arith.muli %scan3A_343, %mul3A_344 : i32
      %add3A_346 = arith.constant 256 : i32
      %add3A_347 = arith.addi %add3A_346, %mul3A_345 : i32
      %get3A = arith.index_cast %add3A_347 : i32 to index
      %get3A_348 = tpu.vector_load %arg14[%get3A] {strides = array<i32>} : memref<512xf32, #tpu.memory_space<vmem>>, vector<16xf32>,
      %mul3A_349 = arith.constant 16 : i32
      %mul3A_350 = arith.muli %scan3A_343, %mul3A_349 : i32
      %add3A_351 = arith.constant 256 : i32
      %add3A_352 = arith.addi %add3A_351, %mul3A_350 : i32
      %get3A_353 = arith.index_cast %add3A_352 : i32 to index
      %get3A_354 = tpu.vector_load %arg16[%get3A_353] {strides = array<i32>} : memref<512xf32, #tpu.memory_space<vmem>>, vector<16xf32>,
      %neg3A = arith.constant 0.000000e+00 : f32
      %neg3A_355 = vector.broadcast %neg3A : f32 to vector<16xf32>
      %neg3A_356 = arith.subf %neg3A_355, %get3A_348 : vector<16xf32>
      %exp3A = math.exp %neg3A_356 : vector<16xf32>
      %add3A_357 = arith.constant 1.000000e+00 : f32
      %add3A_358 = vector.broadcast %add3A_357 : f32 to vector<16xf32>
      %add3A_359 = arith.addf %add3A_358, %exp3A : vector<16xf32>
      %div3A = arith.constant 1.000000e+00 : f32
      %div3A_360 = vector.broadcast %div3A : f32 to vector<16xf32>
      %div3A_361 = arith.divf %div3A_360, %add3A_359 : vector<16xf32>
      %mul3A_362 = arith.constant 1.000000e+01 : f32
      %mul3A_363 = vector.broadcast %mul3A_362 : f32 to vector<16xf32>
      %mul3A_364 = arith.mulf %mul3A_363, %div3A_361 : vector<16xf32>
      %mul3A_365 = arith.mulf %mul3A_364, %get3A_354 : vector<16xf32>
      %neg3A_366 = arith.constant 0.000000e+00 : f32
      %neg3A_367 = vector.broadcast %neg3A_366 : f32 to vector<16xf32>
      %neg3A_368 = arith.subf %neg3A_367, %mul3A_365 : vector<16xf32>
      %exp3A_369 = math.exp %neg3A_368 : vector<16xf32>
      %add3A_370 = arith.constant 1.000000e+00 : f32
      %add3A_371 = vector.broadcast %add3A_370 : f32 to vector<16xf32>
      %add3A_372 = arith.addf %add3A_371, %exp3A_369 : vector<16xf32>
      %div3A_373 = arith.constant 1.000000e+00 : f32
      %div3A_374 = vector.broadcast %div3A_373 : f32 to vector<16xf32>
      %div3A_375 = arith.divf %div3A_374, %add3A_372 : vector<16xf32>
      %mul3A_376 = arith.constant 16 : i32
      %mul3A_377 = arith.muli %scan3A_343, %mul3A_376 : i32
      %add3A_378 = arith.constant 256 : i32
      %add3A_379 = arith.addi %add3A_378, %mul3A_377 : i32
      %swap3A = arith.index_cast %add3A_379 : i32 to index
      %swap3A_380 = tpu.vector_load %arg16[%swap3A] {strides = array<i32>} : memref<512xf32, #tpu.memory_space<vmem>>, vector<16xf32>,
      tpu.vector_store %arg16[%swap3A], %div3A_375 {strides = array<i32>} : memref<512xf32, #tpu.memory_space<vmem>>, vector<16xf32>,
    }
    %scan3A_292 = arith.constant 8 : i32
    %dma_wait3A_293 = arith.constant 1 : i32
    %dma_wait3A_294 = arith.constant 0 : i32
    %dma_wait3A_295 = arith.constant 0 : i32
    %dma_wait3A_296 = tpu.memref_slice %arg11[%dma_wait3A_293, %dma_wait3A_294, %dma_wait3A_295] : memref<2x128x128xf32, #tpu.memory_space<vmem>> -> memref<1x128x128xf32, #tpu.memory_space<vmem>>
    %dma_wait3A_297 = tpu.memref_squeeze %dma_wait3A_296 : memref<1x128x128xf32, #tpu.memory_space<vmem>> -> memref<128x128xf32, #tpu.memory_space<vmem>>
    %dma_wait3A_298 = arith.constant 384 : i32
    %dma_wait3A_299 = tpu.memref_slice %arg9[%dma_wait3A_298] : memref<512xi32, #tpu.memory_space<vmem>> -> memref<128xi32, #tpu.memory_space<vmem>>
    %dma_wait3A_300 = arith.constant 0 : i32
    %dma_wait3A_301 = arith.constant 0 : i32
    %dma_wait3A_302 = tpu.memref_slice %arg5[%dma_wait3A_300, %dma_wait3A_301] : memref<1000000x128xf32, #tpu.memory_space<hbm>> -> memref<1000000x128xf32, #tpu.memory_space<hbm>>
    tpu.wait_indirect_dma semaphore(%arg21 : memref<!tpu.dma_semaphore, #tpu.memory_space<semaphore_mem>>) src(%dma_wait3A_302 : memref<1000000x128xf32, #tpu.memory_space<hbm>>) dst(%dma_wait3A_297 : memref<128x128xf32, #tpu.memory_space<vmem>>)
    %dma_wait3A_303 = arith.constant 1 : i32
    %dma_wait3A_304 = arith.constant 0 : i32
    %dma_wait3A_305 = arith.constant 0 : i32
    %dma_wait3A_306 = tpu.memref_slice %arg12[%dma_wait3A_303, %dma_wait3A_304, %dma_wait3A_305] : memref<2x128x128xf32, #tpu.memory_space<vmem>> -> memref<1x128x128xf32, #tpu.memory_space<vmem>>
    %dma_wait3A_307 = tpu.memref_squeeze %dma_wait3A_306 : memref<1x128x128xf32, #tpu.memory_space<vmem>> -> memref<128x128xf32, #tpu.memory_space<vmem>>
    %dma_wait3A_308 = arith.constant 384 : i32
    %dma_wait3A_309 = tpu.memref_slice %arg10[%dma_wait3A_308] : memref<512xi32, #tpu.memory_space<vmem>> -> memref<128xi32, #tpu.memory_space<vmem>>
    %dma_wait3A_310 = arith.constant 0 : i32
    %dma_wait3A_311 = arith.constant 0 : i32
    %dma_wait3A_312 = tpu.memref_slice %arg6[%dma_wait3A_310, %dma_wait3A_311] : memref<100000x128xf32, #tpu.memory_space<hbm>> -> memref<100000x128xf32, #tpu.memory_space<hbm>>
    tpu.wait_indirect_dma semaphore(%arg22 : memref<!tpu.dma_semaphore, #tpu.memory_space<semaphore_mem>>) src(%dma_wait3A_312 : memref<100000x128xf32, #tpu.memory_space<hbm>>) dst(%dma_wait3A_307 : memref<128x128xf32, #tpu.memory_space<vmem>>)
    %dma_wait3A_313 = arith.constant 1 : i32
    %dma_wait3A_314 = arith.constant 0 : i32
    %dma_wait3A_315 = arith.constant 0 : i32
    %dma_wait3A_316 = tpu.memref_slice %arg13[%dma_wait3A_313, %dma_wait3A_314, %dma_wait3A_315] : memref<2x128x128xf32, #tpu.memory_space<vmem>> -> memref<1x128x128xf32, #tpu.memory_space<vmem>>
    %dma_wait3A_317 = tpu.memref_squeeze %dma_wait3A_316 : memref<1x128x128xf32, #tpu.memory_space<vmem>> -> memref<128x128xf32, #tpu.memory_space<vmem>>
    %dma_wait3A_318 = arith.constant 0 : i32
    %dma_wait3A_319 = tpu.memref_slice %arg4[%add3A_229, %dma_wait3A_318] : memref<16384x128xf32, #tpu.memory_space<hbm>> -> memref<128x128xf32, #tpu.memory_space<hbm>>
    %dma_wait3A_320 = arith.constant 0 : i32
    %dma_wait3A_321 = arith.constant 0 : i32
    %dma_wait3A_322 = tpu.memref_slice %arg13[%dma_wait3A_313, %dma_wait3A_320, %dma_wait3A_321] : memref<2x128x128xf32, #tpu.memory_space<vmem>> -> memref<1x128x128xf32, #tpu.memory_space<vmem>>
    %dma_wait3A_323 = tpu.memref_squeeze %dma_wait3A_322 : memref<1x128x128xf32, #tpu.memory_space<vmem>> -> memref<128x128xf32, #tpu.memory_space<vmem>>
    %dma_wait3A_324 = arith.constant 0 : i32
    %dma_wait3A_325 = tpu.memref_slice %arg4[%add3A_229, %dma_wait3A_324] : memref<16384x128xf32, #tpu.memory_space<hbm>> -> memref<128x128xf32, #tpu.memory_space<hbm>>
    tpu.wait_dma2 semaphore(%arg23 : memref<!tpu.dma_semaphore, #tpu.memory_space<semaphore_mem>>) src(%dma_wait3A_325 : memref<128x128xf32, #tpu.memory_space<hbm>>) dst(%dma_wait3A_323 : memref<128x128xf32, #tpu.memory_space<vmem>>)
    %broadcast_in_dim3A_326 = arith.constant 0.000000e+00 : f32
    %broadcast_in_dim3A_327 = vector.broadcast %broadcast_in_dim3A_326 : f32 to vector<16xf32>
    %scan3A_328 = arith.constant 1 : i32
    %scan3A_329 = arith.constant 1 : i32
    %scan3A_330 = arith.constant 1 : i32
    %scan3A_331 = arith.constant 0 : i32
    %scan3A_332 = arith.constant 128 : i32
    %scan3A_333 = arith.addi %scan3A_331, %scan3A_332 : i32
    %scan3A_334 = arith.constant 4 : i32
    %scan3A_335 = scf.for %scan3A_343 = %scan3A_331 to %scan3A_333 step %scan3A_334 iter_args(%scan3A_344 = %broadcast_in_dim3A_327) -> (vector<16xf32>)  : i32 {
      %broadcast_in_dim3A_345 = arith.constant 0.000000e+00 : f32
      %broadcast_in_dim3A_346 = vector.broadcast %broadcast_in_dim3A_345 : f32 to vector<16xf32>
      %get3A = arith.constant 0 : i32
      %get3A_347 = arith.constant 0 : i32
      %get3A_348 = tpu.memref_slice %arg11[%scan3A_328, %get3A, %get3A_347] : memref<2x128x128xf32, #tpu.memory_space<vmem>> -> memref<1x128x128xf32, #tpu.memory_space<vmem>>
      %get3A_349 = tpu.memref_squeeze %get3A_348 : memref<1x128x128xf32, #tpu.memory_space<vmem>> -> memref<128x128xf32, #tpu.memory_space<vmem>>
      %get3A_350 = arith.index_cast %scan3A_343 : i32 to index
      %get3A_351 = arith.constant 0 : index
      %get3A_352 = tpu.vector_load %get3A_349[%get3A_350, %get3A_351] {strides = array<i32>} : memref<128x128xf32, #tpu.memory_space<vmem>>, vector<16xf32>,
      %get3A_353 = arith.constant 0 : i32
      %get3A_354 = arith.constant 0 : i32
      %get3A_355 = tpu.memref_slice %arg12[%scan3A_329, %get3A_353, %get3A_354] : memref<2x128x128xf32, #tpu.memory_space<vmem>> -> memref<1x128x128xf32, #tpu.memory_space<vmem>>
      %get3A_356 = tpu.memref_squeeze %get3A_355 : memref<1x128x128xf32, #tpu.memory_space<vmem>> -> memref<128x128xf32, #tpu.memory_space<vmem>>
      %get3A_357 = arith.index_cast %scan3A_343 : i32 to index
      %get3A_358 = arith.constant 0 : index
      %get3A_359 = tpu.vector_load %get3A_356[%get3A_357, %get3A_358] {strides = array<i32>} : memref<128x128xf32, #tpu.memory_space<vmem>>, vector<16xf32>,
      %get3A_360 = arith.constant 0 : i32
      %get3A_361 = arith.constant 0 : i32
      %get3A_362 = tpu.memref_slice %arg13[%scan3A_330, %get3A_360, %get3A_361] : memref<2x128x128xf32, #tpu.memory_space<vmem>> -> memref<1x128x128xf32, #tpu.memory_space<vmem>>
      %get3A_363 = tpu.memref_squeeze %get3A_362 : memref<1x128x128xf32, #tpu.memory_space<vmem>> -> memref<128x128xf32, #tpu.memory_space<vmem>>
      %get3A_364 = arith.index_cast %scan3A_343 : i32 to index
      %get3A_365 = arith.constant 0 : index
      %get3A_366 = tpu.vector_load %get3A_363[%get3A_364, %get3A_365] {strides = array<i32>} : memref<128x128xf32, #tpu.memory_space<vmem>>, vector<16xf32>,
      %mul3A_367 = arith.mulf %get3A_352, %get3A_352 : vector<16xf32>
      %mul3A_368 = arith.mulf %get3A_359, %get3A_359 : vector<16xf32>
      %mul3A_369 = arith.constant 0.00208333321 : f32
      %mul3A_370 = vector.broadcast %mul3A_369 : f32 to vector<16xf32>
      %mul3A_371 = arith.mulf %mul3A_367, %mul3A_370 : vector<16xf32>
      %add3A_372 = arith.constant -0.0208333321 : f32
      %add3A_373 = vector.broadcast %add3A_372 : f32 to vector<16xf32>
      %add3A_374 = arith.addf %add3A_373, %mul3A_371 : vector<16xf32>
      %mul3A_375 = arith.mulf %mul3A_367, %add3A_374 : vector<16xf32>
      %add3A_376 = arith.constant 2.500000e-01 : f32
      %add3A_377 = vector.broadcast %add3A_376 : f32 to vector<16xf32>
      %add3A_378 = arith.addf %add3A_377, %mul3A_375 : vector<16xf32>
      %mul3A_379 = arith.mulf %get3A_352, %add3A_378 : vector<16xf32>
      %mul3A_380 = arith.constant 0.00208333321 : f32
      %mul3A_381 = vector.broadcast %mul3A_380 : f32 to vector<16xf32>
      %mul3A_382 = arith.mulf %mul3A_368, %mul3A_381 : vector<16xf32>
      %add3A_383 = arith.constant -0.0208333321 : f32
      %add3A_384 = vector.broadcast %add3A_383 : f32 to vector<16xf32>
      %add3A_385 = arith.addf %add3A_384, %mul3A_382 : vector<16xf32>
      %mul3A_386 = arith.mulf %mul3A_368, %add3A_385 : vector<16xf32>
      %add3A_387 = arith.constant 2.500000e-01 : f32
      %add3A_388 = vector.broadcast %add3A_387 : f32 to vector<16xf32>
      %add3A_389 = arith.addf %add3A_388, %mul3A_386 : vector<16xf32>
      %mul3A_390 = arith.mulf %get3A_359, %add3A_389 : vector<16xf32>
      %sub3A = arith.subf %mul3A_379, %mul3A_390 : vector<16xf32>
      %mul3A_391 = arith.mulf %get3A_366, %sub3A : vector<16xf32>
      %add3A_392 = arith.addf %broadcast_in_dim3A_346, %mul3A_391 : vector<16xf32>
      %and3A = arith.constant 15 : i32
      %and3A_393 = arith.andi %scan3A_343, %and3A : i32
      %eq3A = vector.broadcast %and3A_393 : i32 to vector<16xi32>
      %eq3A_394 = arith.cmpi eq, %iota3A, %eq3A : vector<16xi32>
      %reduce_sum3A = arith.constant true
      %reduce_sum3A_395 = vector.broadcast %reduce_sum3A : i1 to vector<16xi1>
      %reduce_sum3A_396 = tpu.scan <sum>, %add3A_392 masked %reduce_sum3A_395 : vector<16xf32>, vector<16xi1> -> vector<16xf32>
      %reduce_sum3A_397 = vector.extract %reduce_sum3A_396[15] : f32 from vector<16xf32>
      %broadcast_in_dim3A_398 = vector.broadcast %reduce_sum3A_397 : f32 to vector<16xf32>
      %select_n3A = arith.select %eq3A_394, %broadcast_in_dim3A_398, %scan3A_344 : vector<16xi1>, vector<16xf32>
      %eq3A_399 = arith.constant 15 : i32
      %eq3A_400 = arith.cmpi eq, %and3A_393, %eq3A_399 : i32
      %convert_element_type3A = arith.extui %eq3A_400 : i1 to i32
      %cond3A = arith.constant 0 : i32
      %cond3A_401 = arith.cmpi ne, %convert_element_type3A, %cond3A : i32
      scf.if %cond3A_401 {
        %add3A_603 = arith.constant 384 : i32
        %add3A_604 = arith.addi %add3A_603, %scan3A_343 : i32
        %sub3A_605 = arith.constant 15 : i32
        %sub3A_606 = arith.subi %add3A_604, %sub3A_605 : i32
        %swap3A = arith.index_cast %sub3A_606 : i32 to index
        %swap3A_607 = tpu.vector_load %arg16[%swap3A] {strides = array<i32>} : memref<512xf32, #tpu.memory_space<vmem>>, vector<16xf32>,
        tpu.vector_store %arg16[%swap3A], %select_n3A {strides = array<i32>} : memref<512xf32, #tpu.memory_space<vmem>>, vector<16xf32>,
      } else {
      }
      %scan3A_402 = arith.constant 1 : i32
      %scan3A_403 = arith.addi %scan3A_343, %scan3A_402 : i32
      %broadcast_in_dim3A_404 = arith.constant 0.000000e+00 : f32
      %broadcast_in_dim3A_405 = vector.broadcast %broadcast_in_dim3A_404 : f32 to vector<16xf32>
      %get3A_406 = arith.constant 0 : i32
      %get3A_407 = arith.constant 0 : i32
      %get3A_408 = tpu.memref_slice %arg11[%scan3A_328, %get3A_406, %get3A_407] : memref<2x128x128xf32, #tpu.memory_space<vmem>> -> memref<1x128x128xf32, #tpu.memory_space<vmem>>
      %get3A_409 = tpu.memref_squeeze %get3A_408 : memref<1x128x128xf32, #tpu.memory_space<vmem>> -> memref<128x128xf32, #tpu.memory_space<vmem>>
      %get3A_410 = arith.index_cast %scan3A_403 : i32 to index
      %get3A_411 = arith.constant 0 : index
      %get3A_412 = tpu.vector_load %get3A_409[%get3A_410, %get3A_411] {strides = array<i32>} : memref<128x128xf32, #tpu.memory_space<vmem>>, vector<16xf32>,
      %get3A_413 = arith.constant 0 : i32
      %get3A_414 = arith.constant 0 : i32
      %get3A_415 = tpu.memref_slice %arg12[%scan3A_329, %get3A_413, %get3A_414] : memref<2x128x128xf32, #tpu.memory_space<vmem>> -> memref<1x128x128xf32, #tpu.memory_space<vmem>>
      %get3A_416 = tpu.memref_squeeze %get3A_415 : memref<1x128x128xf32, #tpu.memory_space<vmem>> -> memref<128x128xf32, #tpu.memory_space<vmem>>
      %get3A_417 = arith.index_cast %scan3A_403 : i32 to index
      %get3A_418 = arith.constant 0 : index
      %get3A_419 = tpu.vector_load %get3A_416[%get3A_417, %get3A_418] {strides = array<i32>} : memref<128x128xf32, #tpu.memory_space<vmem>>, vector<16xf32>,
      %get3A_420 = arith.constant 0 : i32
      %get3A_421 = arith.constant 0 : i32
      %get3A_422 = tpu.memref_slice %arg13[%scan3A_330, %get3A_420, %get3A_421] : memref<2x128x128xf32, #tpu.memory_space<vmem>> -> memref<1x128x128xf32, #tpu.memory_space<vmem>>
      %get3A_423 = tpu.memref_squeeze %get3A_422 : memref<1x128x128xf32, #tpu.memory_space<vmem>> -> memref<128x128xf32, #tpu.memory_space<vmem>>
      %get3A_424 = arith.index_cast %scan3A_403 : i32 to index
      %get3A_425 = arith.constant 0 : index
      %get3A_426 = tpu.vector_load %get3A_423[%get3A_424, %get3A_425] {strides = array<i32>} : memref<128x128xf32, #tpu.memory_space<vmem>>, vector<16xf32>,
      %mul3A_427 = arith.mulf %get3A_412, %get3A_412 : vector<16xf32>
      %mul3A_428 = arith.mulf %get3A_419, %get3A_419 : vector<16xf32>
      %mul3A_429 = arith.constant 0.00208333321 : f32
      %mul3A_430 = vector.broadcast %mul3A_429 : f32 to vector<16xf32>
      %mul3A_431 = arith.mulf %mul3A_427, %mul3A_430 : vector<16xf32>
      %add3A_432 = arith.constant -0.0208333321 : f32
      %add3A_433 = vector.broadcast %add3A_432 : f32 to vector<16xf32>
      %add3A_434 = arith.addf %add3A_433, %mul3A_431 : vector<16xf32>
      %mul3A_435 = arith.mulf %mul3A_427, %add3A_434 : vector<16xf32>
      %add3A_436 = arith.constant 2.500000e-01 : f32
      %add3A_437 = vector.broadcast %add3A_436 : f32 to vector<16xf32>
      %add3A_438 = arith.addf %add3A_437, %mul3A_435 : vector<16xf32>
      %mul3A_439 = arith.mulf %get3A_412, %add3A_438 : vector<16xf32>
      %mul3A_440 = arith.constant 0.00208333321 : f32
      %mul3A_441 = vector.broadcast %mul3A_440 : f32 to vector<16xf32>
      %mul3A_442 = arith.mulf %mul3A_428, %mul3A_441 : vector<16xf32>
      %add3A_443 = arith.constant -0.0208333321 : f32
      %add3A_444 = vector.broadcast %add3A_443 : f32 to vector<16xf32>
      %add3A_445 = arith.addf %add3A_444, %mul3A_442 : vector<16xf32>
      %mul3A_446 = arith.mulf %mul3A_428, %add3A_445 : vector<16xf32>
      %add3A_447 = arith.constant 2.500000e-01 : f32
      %add3A_448 = vector.broadcast %add3A_447 : f32 to vector<16xf32>
      %add3A_449 = arith.addf %add3A_448, %mul3A_446 : vector<16xf32>
      %mul3A_450 = arith.mulf %get3A_419, %add3A_449 : vector<16xf32>
      %sub3A_451 = arith.subf %mul3A_439, %mul3A_450 : vector<16xf32>
      %mul3A_452 = arith.mulf %get3A_426, %sub3A_451 : vector<16xf32>
      %add3A_453 = arith.addf %broadcast_in_dim3A_405, %mul3A_452 : vector<16xf32>
      %and3A_454 = arith.constant 15 : i32
      %and3A_455 = arith.andi %scan3A_403, %and3A_454 : i32
      %eq3A_456 = vector.broadcast %and3A_455 : i32 to vector<16xi32>
      %eq3A_457 = arith.cmpi eq, %iota3A, %eq3A_456 : vector<16xi32>
      %reduce_sum3A_458 = arith.constant true
      %reduce_sum3A_459 = vector.broadcast %reduce_sum3A_458 : i1 to vector<16xi1>
      %reduce_sum3A_460 = tpu.scan <sum>, %add3A_453 masked %reduce_sum3A_459 : vector<16xf32>, vector<16xi1> -> vector<16xf32>
      %reduce_sum3A_461 = vector.extract %reduce_sum3A_460[15] : f32 from vector<16xf32>
      %broadcast_in_dim3A_462 = vector.broadcast %reduce_sum3A_461 : f32 to vector<16xf32>
      %select_n3A_463 = arith.select %eq3A_457, %broadcast_in_dim3A_462, %select_n3A : vector<16xi1>, vector<16xf32>
      %eq3A_464 = arith.constant 15 : i32
      %eq3A_465 = arith.cmpi eq, %and3A_455, %eq3A_464 : i32
      %convert_element_type3A_466 = arith.extui %eq3A_465 : i1 to i32
      %cond3A_467 = arith.constant 0 : i32
      %cond3A_468 = arith.cmpi ne, %convert_element_type3A_466, %cond3A_467 : i32
      scf.if %cond3A_468 {
        %add3A_603 = arith.constant 384 : i32
        %add3A_604 = arith.addi %add3A_603, %scan3A_403 : i32
        %sub3A_605 = arith.constant 15 : i32
        %sub3A_606 = arith.subi %add3A_604, %sub3A_605 : i32
        %swap3A = arith.index_cast %sub3A_606 : i32 to index
        %swap3A_607 = tpu.vector_load %arg16[%swap3A] {strides = array<i32>} : memref<512xf32, #tpu.memory_space<vmem>>, vector<16xf32>,
        tpu.vector_store %arg16[%swap3A], %select_n3A_463 {strides = array<i32>} : memref<512xf32, #tpu.memory_space<vmem>>, vector<16xf32>,
      } else {
      }
      %scan3A_469 = arith.constant 2 : i32
      %scan3A_470 = arith.addi %scan3A_343, %scan3A_469 : i32
      %broadcast_in_dim3A_471 = arith.constant 0.000000e+00 : f32
      %broadcast_in_dim3A_472 = vector.broadcast %broadcast_in_dim3A_471 : f32 to vector<16xf32>
      %get3A_473 = arith.constant 0 : i32
      %get3A_474 = arith.constant 0 : i32
      %get3A_475 = tpu.memref_slice %arg11[%scan3A_328, %get3A_473, %get3A_474] : memref<2x128x128xf32, #tpu.memory_space<vmem>> -> memref<1x128x128xf32, #tpu.memory_space<vmem>>
      %get3A_476 = tpu.memref_squeeze %get3A_475 : memref<1x128x128xf32, #tpu.memory_space<vmem>> -> memref<128x128xf32, #tpu.memory_space<vmem>>
      %get3A_477 = arith.index_cast %scan3A_470 : i32 to index
      %get3A_478 = arith.constant 0 : index
      %get3A_479 = tpu.vector_load %get3A_476[%get3A_477, %get3A_478] {strides = array<i32>} : memref<128x128xf32, #tpu.memory_space<vmem>>, vector<16xf32>,
      %get3A_480 = arith.constant 0 : i32
      %get3A_481 = arith.constant 0 : i32
      %get3A_482 = tpu.memref_slice %arg12[%scan3A_329, %get3A_480, %get3A_481] : memref<2x128x128xf32, #tpu.memory_space<vmem>> -> memref<1x128x128xf32, #tpu.memory_space<vmem>>
      %get3A_483 = tpu.memref_squeeze %get3A_482 : memref<1x128x128xf32, #tpu.memory_space<vmem>> -> memref<128x128xf32, #tpu.memory_space<vmem>>
      %get3A_484 = arith.index_cast %scan3A_470 : i32 to index
      %get3A_485 = arith.constant 0 : index
      %get3A_486 = tpu.vector_load %get3A_483[%get3A_484, %get3A_485] {strides = array<i32>} : memref<128x128xf32, #tpu.memory_space<vmem>>, vector<16xf32>,
      %get3A_487 = arith.constant 0 : i32
      %get3A_488 = arith.constant 0 : i32
      %get3A_489 = tpu.memref_slice %arg13[%scan3A_330, %get3A_487, %get3A_488] : memref<2x128x128xf32, #tpu.memory_space<vmem>> -> memref<1x128x128xf32, #tpu.memory_space<vmem>>
      %get3A_490 = tpu.memref_squeeze %get3A_489 : memref<1x128x128xf32, #tpu.memory_space<vmem>> -> memref<128x128xf32, #tpu.memory_space<vmem>>
      %get3A_491 = arith.index_cast %scan3A_470 : i32 to index
      %get3A_492 = arith.constant 0 : index
      %get3A_493 = tpu.vector_load %get3A_490[%get3A_491, %get3A_492] {strides = array<i32>} : memref<128x128xf32, #tpu.memory_space<vmem>>, vector<16xf32>,
      %mul3A_494 = arith.mulf %get3A_479, %get3A_479 : vector<16xf32>
      %mul3A_495 = arith.mulf %get3A_486, %get3A_486 : vector<16xf32>
      %mul3A_496 = arith.constant 0.00208333321 : f32
      %mul3A_497 = vector.broadcast %mul3A_496 : f32 to vector<16xf32>
      %mul3A_498 = arith.mulf %mul3A_494, %mul3A_497 : vector<16xf32>
      %add3A_499 = arith.constant -0.0208333321 : f32
      %add3A_500 = vector.broadcast %add3A_499 : f32 to vector<16xf32>
      %add3A_501 = arith.addf %add3A_500, %mul3A_498 : vector<16xf32>
      %mul3A_502 = arith.mulf %mul3A_494, %add3A_501 : vector<16xf32>
      %add3A_503 = arith.constant 2.500000e-01 : f32
      %add3A_504 = vector.broadcast %add3A_503 : f32 to vector<16xf32>
      %add3A_505 = arith.addf %add3A_504, %mul3A_502 : vector<16xf32>
      %mul3A_506 = arith.mulf %get3A_479, %add3A_505 : vector<16xf32>
      %mul3A_507 = arith.constant 0.00208333321 : f32
      %mul3A_508 = vector.broadcast %mul3A_507 : f32 to vector<16xf32>
      %mul3A_509 = arith.mulf %mul3A_495, %mul3A_508 : vector<16xf32>
      %add3A_510 = arith.constant -0.0208333321 : f32
      %add3A_511 = vector.broadcast %add3A_510 : f32 to vector<16xf32>
      %add3A_512 = arith.addf %add3A_511, %mul3A_509 : vector<16xf32>
      %mul3A_513 = arith.mulf %mul3A_495, %add3A_512 : vector<16xf32>
      %add3A_514 = arith.constant 2.500000e-01 : f32
      %add3A_515 = vector.broadcast %add3A_514 : f32 to vector<16xf32>
      %add3A_516 = arith.addf %add3A_515, %mul3A_513 : vector<16xf32>
      %mul3A_517 = arith.mulf %get3A_486, %add3A_516 : vector<16xf32>
      %sub3A_518 = arith.subf %mul3A_506, %mul3A_517 : vector<16xf32>
      %mul3A_519 = arith.mulf %get3A_493, %sub3A_518 : vector<16xf32>
      %add3A_520 = arith.addf %broadcast_in_dim3A_472, %mul3A_519 : vector<16xf32>
      %and3A_521 = arith.constant 15 : i32
      %and3A_522 = arith.andi %scan3A_470, %and3A_521 : i32
      %eq3A_523 = vector.broadcast %and3A_522 : i32 to vector<16xi32>
      %eq3A_524 = arith.cmpi eq, %iota3A, %eq3A_523 : vector<16xi32>
      %reduce_sum3A_525 = arith.constant true
      %reduce_sum3A_526 = vector.broadcast %reduce_sum3A_525 : i1 to vector<16xi1>
      %reduce_sum3A_527 = tpu.scan <sum>, %add3A_520 masked %reduce_sum3A_526 : vector<16xf32>, vector<16xi1> -> vector<16xf32>
      %reduce_sum3A_528 = vector.extract %reduce_sum3A_527[15] : f32 from vector<16xf32>
      %broadcast_in_dim3A_529 = vector.broadcast %reduce_sum3A_528 : f32 to vector<16xf32>
      %select_n3A_530 = arith.select %eq3A_524, %broadcast_in_dim3A_529, %select_n3A_463 : vector<16xi1>, vector<16xf32>
      %eq3A_531 = arith.constant 15 : i32
      %eq3A_532 = arith.cmpi eq, %and3A_522, %eq3A_531 : i32
      %convert_element_type3A_533 = arith.extui %eq3A_532 : i1 to i32
      %cond3A_534 = arith.constant 0 : i32
      %cond3A_535 = arith.cmpi ne, %convert_element_type3A_533, %cond3A_534 : i32
      scf.if %cond3A_535 {
        %add3A_603 = arith.constant 384 : i32
        %add3A_604 = arith.addi %add3A_603, %scan3A_470 : i32
        %sub3A_605 = arith.constant 15 : i32
        %sub3A_606 = arith.subi %add3A_604, %sub3A_605 : i32
        %swap3A = arith.index_cast %sub3A_606 : i32 to index
        %swap3A_607 = tpu.vector_load %arg16[%swap3A] {strides = array<i32>} : memref<512xf32, #tpu.memory_space<vmem>>, vector<16xf32>,
        tpu.vector_store %arg16[%swap3A], %select_n3A_530 {strides = array<i32>} : memref<512xf32, #tpu.memory_space<vmem>>, vector<16xf32>,
      } else {
      }
      %scan3A_536 = arith.constant 3 : i32
      %scan3A_537 = arith.addi %scan3A_343, %scan3A_536 : i32
      %broadcast_in_dim3A_538 = arith.constant 0.000000e+00 : f32
      %broadcast_in_dim3A_539 = vector.broadcast %broadcast_in_dim3A_538 : f32 to vector<16xf32>
      %get3A_540 = arith.constant 0 : i32
      %get3A_541 = arith.constant 0 : i32
      %get3A_542 = tpu.memref_slice %arg11[%scan3A_328, %get3A_540, %get3A_541] : memref<2x128x128xf32, #tpu.memory_space<vmem>> -> memref<1x128x128xf32, #tpu.memory_space<vmem>>
      %get3A_543 = tpu.memref_squeeze %get3A_542 : memref<1x128x128xf32, #tpu.memory_space<vmem>> -> memref<128x128xf32, #tpu.memory_space<vmem>>
      %get3A_544 = arith.index_cast %scan3A_537 : i32 to index
      %get3A_545 = arith.constant 0 : index
      %get3A_546 = tpu.vector_load %get3A_543[%get3A_544, %get3A_545] {strides = array<i32>} : memref<128x128xf32, #tpu.memory_space<vmem>>, vector<16xf32>,
      %get3A_547 = arith.constant 0 : i32
      %get3A_548 = arith.constant 0 : i32
      %get3A_549 = tpu.memref_slice %arg12[%scan3A_329, %get3A_547, %get3A_548] : memref<2x128x128xf32, #tpu.memory_space<vmem>> -> memref<1x128x128xf32, #tpu.memory_space<vmem>>
      %get3A_550 = tpu.memref_squeeze %get3A_549 : memref<1x128x128xf32, #tpu.memory_space<vmem>> -> memref<128x128xf32, #tpu.memory_space<vmem>>
      %get3A_551 = arith.index_cast %scan3A_537 : i32 to index
      %get3A_552 = arith.constant 0 : index
      %get3A_553 = tpu.vector_load %get3A_550[%get3A_551, %get3A_552] {strides = array<i32>} : memref<128x128xf32, #tpu.memory_space<vmem>>, vector<16xf32>,
      %get3A_554 = arith.constant 0 : i32
      %get3A_555 = arith.constant 0 : i32
      %get3A_556 = tpu.memref_slice %arg13[%scan3A_330, %get3A_554, %get3A_555] : memref<2x128x128xf32, #tpu.memory_space<vmem>> -> memref<1x128x128xf32, #tpu.memory_space<vmem>>
      %get3A_557 = tpu.memref_squeeze %get3A_556 : memref<1x128x128xf32, #tpu.memory_space<vmem>> -> memref<128x128xf32, #tpu.memory_space<vmem>>
      %get3A_558 = arith.index_cast %scan3A_537 : i32 to index
      %get3A_559 = arith.constant 0 : index
      %get3A_560 = tpu.vector_load %get3A_557[%get3A_558, %get3A_559] {strides = array<i32>} : memref<128x128xf32, #tpu.memory_space<vmem>>, vector<16xf32>,
      %mul3A_561 = arith.mulf %get3A_546, %get3A_546 : vector<16xf32>
      %mul3A_562 = arith.mulf %get3A_553, %get3A_553 : vector<16xf32>
      %mul3A_563 = arith.constant 0.00208333321 : f32
      %mul3A_564 = vector.broadcast %mul3A_563 : f32 to vector<16xf32>
      %mul3A_565 = arith.mulf %mul3A_561, %mul3A_564 : vector<16xf32>
      %add3A_566 = arith.constant -0.0208333321 : f32
      %add3A_567 = vector.broadcast %add3A_566 : f32 to vector<16xf32>
      %add3A_568 = arith.addf %add3A_567, %mul3A_565 : vector<16xf32>
      %mul3A_569 = arith.mulf %mul3A_561, %add3A_568 : vector<16xf32>
      %add3A_570 = arith.constant 2.500000e-01 : f32
      %add3A_571 = vector.broadcast %add3A_570 : f32 to vector<16xf32>
      %add3A_572 = arith.addf %add3A_571, %mul3A_569 : vector<16xf32>
      %mul3A_573 = arith.mulf %get3A_546, %add3A_572 : vector<16xf32>
      %mul3A_574 = arith.constant 0.00208333321 : f32
      %mul3A_575 = vector.broadcast %mul3A_574 : f32 to vector<16xf32>
      %mul3A_576 = arith.mulf %mul3A_562, %mul3A_575 : vector<16xf32>
      %add3A_577 = arith.constant -0.0208333321 : f32
      %add3A_578 = vector.broadcast %add3A_577 : f32 to vector<16xf32>
      %add3A_579 = arith.addf %add3A_578, %mul3A_576 : vector<16xf32>
      %mul3A_580 = arith.mulf %mul3A_562, %add3A_579 : vector<16xf32>
      %add3A_581 = arith.constant 2.500000e-01 : f32
      %add3A_582 = vector.broadcast %add3A_581 : f32 to vector<16xf32>
      %add3A_583 = arith.addf %add3A_582, %mul3A_580 : vector<16xf32>
      %mul3A_584 = arith.mulf %get3A_553, %add3A_583 : vector<16xf32>
      %sub3A_585 = arith.subf %mul3A_573, %mul3A_584 : vector<16xf32>
      %mul3A_586 = arith.mulf %get3A_560, %sub3A_585 : vector<16xf32>
      %add3A_587 = arith.addf %broadcast_in_dim3A_539, %mul3A_586 : vector<16xf32>
      %and3A_588 = arith.constant 15 : i32
      %and3A_589 = arith.andi %scan3A_537, %and3A_588 : i32
      %eq3A_590 = vector.broadcast %and3A_589 : i32 to vector<16xi32>
      %eq3A_591 = arith.cmpi eq, %iota3A, %eq3A_590 : vector<16xi32>
      %reduce_sum3A_592 = arith.constant true
      %reduce_sum3A_593 = vector.broadcast %reduce_sum3A_592 : i1 to vector<16xi1>
      %reduce_sum3A_594 = tpu.scan <sum>, %add3A_587 masked %reduce_sum3A_593 : vector<16xf32>, vector<16xi1> -> vector<16xf32>
      %reduce_sum3A_595 = vector.extract %reduce_sum3A_594[15] : f32 from vector<16xf32>
      %broadcast_in_dim3A_596 = vector.broadcast %reduce_sum3A_595 : f32 to vector<16xf32>
      %select_n3A_597 = arith.select %eq3A_591, %broadcast_in_dim3A_596, %select_n3A_530 : vector<16xi1>, vector<16xf32>
      %eq3A_598 = arith.constant 15 : i32
      %eq3A_599 = arith.cmpi eq, %and3A_589, %eq3A_598 : i32
      %convert_element_type3A_600 = arith.extui %eq3A_599 : i1 to i32
      %cond3A_601 = arith.constant 0 : i32
      %cond3A_602 = arith.cmpi ne, %convert_element_type3A_600, %cond3A_601 : i32
      scf.if %cond3A_602 {
        %add3A_603 = arith.constant 384 : i32
        %add3A_604 = arith.addi %add3A_603, %scan3A_537 : i32
        %sub3A_605 = arith.constant 15 : i32
        %sub3A_606 = arith.subi %add3A_604, %sub3A_605 : i32
        %swap3A = arith.index_cast %sub3A_606 : i32 to index
        %swap3A_607 = tpu.vector_load %arg16[%swap3A] {strides = array<i32>} : memref<512xf32, #tpu.memory_space<vmem>>, vector<16xf32>,
        tpu.vector_store %arg16[%swap3A], %select_n3A_597 {strides = array<i32>} : memref<512xf32, #tpu.memory_space<vmem>>, vector<16xf32>,
      } else {
      }
      scf.yield %select_n3A_597 : vector<16xf32>
    }
    %scan3A_336 = arith.constant 128 : i32
    %scan3A_337 = arith.constant 0 : i32
    %scan3A_338 = arith.constant 0 : i32
    %scan3A_339 = arith.constant 8 : i32
    %scan3A_340 = arith.addi %scan3A_338, %scan3A_339 : i32
    %scan3A_341 = arith.constant 1 : i32
    scf.for %scan3A_343 = %scan3A_338 to %scan3A_340 step %scan3A_341  : i32 {
      %mul3A_344 = arith.constant 16 : i32
      %mul3A_345 = arith.muli %scan3A_343, %mul3A_344 : i32
      %add3A_346 = arith.constant 384 : i32
      %add3A_347 = arith.addi %add3A_346, %mul3A_345 : i32
      %get3A = arith.index_cast %add3A_347 : i32 to index
      %get3A_348 = tpu.vector_load %arg14[%get3A] {strides = array<i32>} : memref<512xf32, #tpu.memory_space<vmem>>, vector<16xf32>,
      %mul3A_349 = arith.constant 16 : i32
      %mul3A_350 = arith.muli %scan3A_343, %mul3A_349 : i32
      %add3A_351 = arith.constant 384 : i32
      %add3A_352 = arith.addi %add3A_351, %mul3A_350 : i32
      %get3A_353 = arith.index_cast %add3A_352 : i32 to index
      %get3A_354 = tpu.vector_load %arg16[%get3A_353] {strides = array<i32>} : memref<512xf32, #tpu.memory_space<vmem>>, vector<16xf32>,
      %neg3A = arith.constant 0.000000e+00 : f32
      %neg3A_355 = vector.broadcast %neg3A : f32 to vector<16xf32>
      %neg3A_356 = arith.subf %neg3A_355, %get3A_348 : vector<16xf32>
      %exp3A = math.exp %neg3A_356 : vector<16xf32>
      %add3A_357 = arith.constant 1.000000e+00 : f32
      %add3A_358 = vector.broadcast %add3A_357 : f32 to vector<16xf32>
      %add3A_359 = arith.addf %add3A_358, %exp3A : vector<16xf32>
      %div3A = arith.constant 1.000000e+00 : f32
      %div3A_360 = vector.broadcast %div3A : f32 to vector<16xf32>
      %div3A_361 = arith.divf %div3A_360, %add3A_359 : vector<16xf32>
      %mul3A_362 = arith.constant 1.000000e+01 : f32
      %mul3A_363 = vector.broadcast %mul3A_362 : f32 to vector<16xf32>
      %mul3A_364 = arith.mulf %mul3A_363, %div3A_361 : vector<16xf32>
      %mul3A_365 = arith.mulf %mul3A_364, %get3A_354 : vector<16xf32>
      %neg3A_366 = arith.constant 0.000000e+00 : f32
      %neg3A_367 = vector.broadcast %neg3A_366 : f32 to vector<16xf32>
      %neg3A_368 = arith.subf %neg3A_367, %mul3A_365 : vector<16xf32>
      %exp3A_369 = math.exp %neg3A_368 : vector<16xf32>
      %add3A_370 = arith.constant 1.000000e+00 : f32
      %add3A_371 = vector.broadcast %add3A_370 : f32 to vector<16xf32>
      %add3A_372 = arith.addf %add3A_371, %exp3A_369 : vector<16xf32>
      %div3A_373 = arith.constant 1.000000e+00 : f32
      %div3A_374 = vector.broadcast %div3A_373 : f32 to vector<16xf32>
      %div3A_375 = arith.divf %div3A_374, %add3A_372 : vector<16xf32>
      %mul3A_376 = arith.constant 16 : i32
      %mul3A_377 = arith.muli %scan3A_343, %mul3A_376 : i32
      %add3A_378 = arith.constant 384 : i32
      %add3A_379 = arith.addi %add3A_378, %mul3A_377 : i32
      %swap3A = arith.index_cast %add3A_379 : i32 to index
      %swap3A_380 = tpu.vector_load %arg16[%swap3A] {strides = array<i32>} : memref<512xf32, #tpu.memory_space<vmem>>, vector<16xf32>,
      tpu.vector_store %arg16[%swap3A], %div3A_375 {strides = array<i32>} : memref<512xf32, #tpu.memory_space<vmem>>, vector<16xf32>,
    }
    %scan3A_342 = arith.constant 8 : i32
    "tpu.region"() ({
      %run_scoped3A = tpu.sem_alloc : memref<!tpu.dma_semaphore, #tpu.memory_space<semaphore_mem>>
      %dma_start3A_343 = tpu.memref_slice %arg8[%mul3A_2] : memref<16384xf32, #tpu.memory_space<hbm>> -> memref<512xf32, #tpu.memory_space<hbm>>
      %dma_start3A_344 = tpu.memref_slice %arg8[%mul3A_2] : memref<16384xf32, #tpu.memory_space<hbm>> -> memref<512xf32, #tpu.memory_space<hbm>>
      tpu.enqueue_dma source(%arg16 : memref<512xf32, #tpu.memory_space<vmem>>) target(%dma_start3A_344 : memref<512xf32, #tpu.memory_space<hbm>>) target_semaphore(%run_scoped3A : memref<!tpu.dma_semaphore, #tpu.memory_space<semaphore_mem>>)
      %dma_wait3A_345 = tpu.memref_slice %arg8[%mul3A_2] : memref<16384xf32, #tpu.memory_space<hbm>> -> memref<512xf32, #tpu.memory_space<hbm>>
      %dma_wait3A_346 = tpu.memref_slice %arg8[%mul3A_2] : memref<16384xf32, #tpu.memory_space<hbm>> -> memref<512xf32, #tpu.memory_space<hbm>>
      tpu.wait_dma2 semaphore(%run_scoped3A : memref<!tpu.dma_semaphore, #tpu.memory_space<semaphore_mem>>) src(%arg16 : memref<512xf32, #tpu.memory_space<vmem>>) dst(%dma_wait3A_346 : memref<512xf32, #tpu.memory_space<hbm>>)
      tpu.yield
    }) : () -> ()
    return
  }
}

</mosaic_0001>

<sc_bundles>
// kernel: _ncd_sc.3.cloned.1.call-start
scs
__scs_entry_jumppad:
0x0: {  	(pc) =	sbr.rel $0x88, $3  }
0x1: {  	(tag) =	ssettag $0x0;
	lr =	simm.s32 $0x1  }
0x2: {  	[smem:$0x3F9B] =	sst lr;
	_ =	strace $0xD0000000  }
0x3: {  	_ = 	snop  }
0x4: {  	_ = 	snop  }
0x5: {  	_ = 	snop  }
0x6: {  	_ = 	snop  }
0x7: {  	_ = 	snop  }
__scs_overlays_trampoline_lowered:
0x8: {  	[smem:$0x3FAA] =	sst s0  }
0x9: {  	[smem:$0x3FAB] =	sst s1  }
0xa: {  	[smem:$0x3FAC] =	sst s2  }
0xb: {  	[smem:$0x3FAD] =	sst s3  }
0xc: {  	[smem:$0x3FAE] =	sst s4  }
0xd: {  	[smem:$0x3FAF] =	sst s5  }
0xe: {  	[smem:$0x3FB0] =	sst s6  }
0xf: {  	[smem:$0x3FB1] =	sst s7  }
0x10: {  	[smem:$0x3FB2] =	sst s8  }
0x11: {  	[smem:$0x3FB3] =	sst s9;
	s0 =	simm.s32 @!p0 $0x0  }
0x12: {  	s1 =	sld [smem:$0x3F99];
	s0 =	simm.s32 @p0 $0x1  }
0x13: {  	[smem:$0x3FB4] =	sst s0;
	s0 =	simm.s32 @!p1 $0x0  }
0x14: {  	s2 =	sld [smem:$0x3F98];
	s0 =	simm.s32 @p1 $0x1  }
0x15: {  	[smem:$0x3FB5] =	sst s0;
	s0 =	simm.s32 @!p2 $0x0  }
0x16: {  	s3 =	sld [smem:$0x3FDB];
	s0 =	simm.s32 @p2 $0x1  }
0x17: {  	s4 =	simm.s32 $0x1BF5;
	[smem:$0x3FB7] =	sst s0  }
0x18: {  	s0 =	sld [smem:$0x3F9A];
	_ =	swait.ge [sflag:s4], $0x0  }
0x19: {  	s7 =	sld [smem:$0x3F9B]  }
0x1a: {  	s8 =	sadd.s32 $0xFFFFE003, lr  }
0x1b: {  	s9 =	sadd.s32 $0xFFFFFEF7, lr;
	s5 =	simm.s32 $0xFFFFFFFF;
	p2 =	slt.u32 s8, $0xFFFFF086  }
0x1c: {  	p1 =	slt.u32 s9, $0xF7A;
	s5 =	simm.s32 @!p2 $0x0  }
0x1d: {  	s5 =	simm.s32 @p1 $0x1;
	p0 =	seq.s32 s7, s2  }
0x1e: {  	s7 =	smul.u32 @!p0 $0xF7A, s2;
	p2 =	seq.s32 @!p0 s5, $0x0  }
0x1f: {  	s9 =	smul.u32 $0xF7A, s1;
	s8 =	simm.s32 @!p0 $0x1BF5;
	p2 =	por !p2, p0  }
0x20: {  	[sflag:s8] =	ssyncset.s32 @!p0 $0xFFFFF086;
	s6 =	sadd.s32 @!p0 s3, s7;
	s7 =	simm.s32 @!p0 $0x108  }
0x21: {  	s3 =	sadd.s32 s3, s9;
	s6 =	sadd.s32 @!p0 $0x88, s6;
	s7 =	simm.s32 @p2 $0x1082  }
0x22: {  	[simem:s7], [sflag:s8] =	dma.local @!p0 [hbm:s6], $0xF7A  }
0x23: {  	s9 =	sor.u32 $0xD0000000, s2;
	s6 =	simm.s32 $0x108;
	_ =	swait.ge @!p0 [sflag:s8], $0x0  }
0x24: {  	s3 =	sadd.s32 $0x88, s3;
	s6 =	simm.s32 @!p1 $0x1082;
	[sflag:s4] =	ssyncset.s32 $0xFFFFF086  }
0x25: {  	[simem:s6], [sflag:s4] =	dma.local [hbm:s3], $0xF7A  }
0x26: {  	[smem:$0x3F9B] =	sst s1;
	(tag) =	ssettag s2;
	_ =	strace s9  }
0x27: {  	s1 =	sld [smem:$0x3FAB]  }
0x28: {  	s2 =	sld [smem:$0x3FAC]  }
0x29: {  	s4 =	sld [smem:$0x3FAE]  }
0x2a: {  	p0 =	seq.s32 s5, $0x0;
	s5 =	sld [smem:$0x3FAF]  }
0x2b: {  	s6 =	sld [smem:$0x3FB0]  }
0x2c: {  	s7 =	sld [smem:$0x3FB1]  }
0x2d: {  	s3 =	simm.s32 $0x108;
	s8 =	sld [smem:$0x3FB2]  }
0x2e: {  	s3 =	simm.s32 @!p0 $0x1082;
	s9 =	sld [smem:$0x3FB3]  }
0x2f: {  	lr =	sadd.s32 s0, s3;
	s0 =	sld [smem:$0x3FAA]  }
0x30: {  	s3 =	sld [smem:$0x3FAD]  }
0x31: {  	[smem:$0x3FB6] =	sst s10  }
0x32: {  	s10 =	sld [smem:$0x3FB4];
	_ =	sdelay $0x3  }
0x33: {  	p0 =	seq.s32 s10, $0x1;
	s10 =	sld [smem:$0x3FB6];
	_ =	sdelay $0x3  }
0x34: {  	[smem:$0x3FB6] =	sst s10  }
0x35: {  	s10 =	sld [smem:$0x3FB5];
	_ =	sdelay $0x3  }
0x36: {  	p1 =	seq.s32 s10, $0x1;
	s10 =	sld [smem:$0x3FB6];
	_ =	sdelay $0x3  }
0x37: {  	[smem:$0x3FB6] =	sst s10  }
0x38: {  	s10 =	sld [smem:$0x3FB7]  }
0x39: {  	_ = 	snop;
	(pc) =	sbr.ind lr, $3  }
0x3a: {  	_ = 	snop  }
0x3b: {  	_ = 	snop  }
0x3c: {  	p2 =	seq.s32 s10, $0x1;
	s10 =	sld [smem:$0x3FB6]  }
0x3d: {  	_ =	shalt  }
0x3e: {  	_ =	shalt  }
0x3f: {  	_ =	shalt  }
0x40: {  	_ =	shalt  }
0x41: {  	_ =	shalt  }
0x42: {  	_ =	shalt  }
0x43: {  	_ =	shalt  }
0x44: {  	_ =	shalt  }
0x45: {  	_ =	shalt  }
0x46: {  	_ =	shalt  }
0x47: {  	_ =	shalt  }
0x48: {  	_ =	shalt  }
0x49: {  	_ =	shalt  }
0x4a: {  	_ =	shalt  }
0x4b: {  	_ =	shalt  }
0x4c: {  	_ =	shalt  }
0x4d: {  	_ =	shalt  }
0x4e: {  	_ =	shalt  }
0x4f: {  	_ =	shalt  }
0x50: {  	_ =	shalt  }
0x51: {  	_ =	shalt  }
0x52: {  	_ =	shalt  }
0x53: {  	_ =	shalt  }
0x54: {  	_ =	shalt  }
0x55: {  	_ =	shalt  }
0x56: {  	_ =	shalt  }
0x57: {  	_ =	shalt  }
0x58: {  	_ =	shalt  }
0x59: {  	_ =	shalt  }
0x5a: {  	_ =	shalt  }
0x5b: {  	_ =	shalt  }
0x5c: {  	_ =	shalt  }
0x5d: {  	_ =	shalt  }
0x5e: {  	_ =	shalt  }
0x5f: {  	_ =	shalt  }
0x60: {  	_ =	shalt  }
0x61: {  	_ =	shalt  }
0x62: {  	_ =	shalt  }
0x63: {  	_ =	shalt  }
0x64: {  	_ =	shalt  }
0x65: {  	_ =	shalt  }
0x66: {  	_ =	shalt  }
0x67: {  	_ =	shalt  }
0x68: {  	_ =	shalt  }
0x69: {  	_ =	shalt  }
0x6a: {  	_ =	shalt  }
0x6b: {  	_ =	shalt  }
0x6c: {  	_ =	shalt  }
0x6d: {  	_ =	shalt  }
0x6e: {  	_ =	shalt  }
0x6f: {  	_ =	shalt  }
0x70: {  	_ =	shalt  }
0x71: {  	_ =	shalt  }
0x72: {  	_ =	shalt  }
0x73: {  	_ =	shalt  }
0x74: {  	_ =	shalt  }
0x75: {  	_ =	shalt  }
0x76: {  	_ =	shalt  }
0x77: {  	_ =	shalt  }
0x78: {  	_ =	shalt  }
0x79: {  	_ =	shalt  }
0x7a: {  	_ =	shalt  }
0x7b: {  	_ =	shalt  }
0x7c: {  	_ =	shalt  }
0x7d: {  	_ =	shalt  }
0x7e: {  	_ =	shalt  }
0x7f: {  	_ =	shalt  }
0x80: {  	_ =	shalt  }
0x81: {  	_ =	shalt  }
0x82: {  	_ =	shalt  }
0x83: {  	_ =	shalt  }
0x84: {  	_ =	shalt  }
0x85: {  	_ =	shalt  }
0x86: {  	_ =	shalt  }
0x87: {  	_ =	shalt  }
.Lfunc_end0:
.L_simem_size_0:
called_computation_lowered:
.L_overlay_start_0:
0x88: {  	s2 =	sld [smem:$0x3FD9]  }
0x89: {  	s3 =	sld [smem:$0x3FFE];
	_ =	sdelay $0x1  }
0x8a: {  	s1 =	srdreg.scid  }
0x8b: {  	s0 =	sand.u32 $0x1, s1  }
0x8c: {  	s18 =	sshll.u32 s0, $0xA;
	s2 =	sadd.s32 s3, s2  }
0x8d: {  	s2 =	sadd.s32 s2, s18  }
0x8e: {  	[smem:$0x3FC2] =	sst s2  }
0x8f: {  	_ = 	snop  }
0x90: {  	s2 =	sld [smem:$0x3FC9]  }
0x91: {  	s19 =	sld [smem:$0x3FC8]  }
0x92: {  	s4 =	sld [smem:$0x3FC7]  }
0x93: {  	s5 =	sld [smem:$0x3FC6]  }
0x94: {  	s6 =	sld [smem:$0x3FC5]  }
0x95: {  	s7 =	sld [smem:$0x3FC4]  }
0x96: {  	s8 =	sld [smem:$0x3FD0];
	(tm) =	ssettm $0x1  }
0x97: {  	s9 =	sld [smem:$0x3FFB];
	_ =	sdelay $0x3  }
0x98: {  	_ =	strace s9  }
0x99: {  	s9 =	sld [smem:$0x3FFC];
	_ =	sdelay $0x3  }
0x9a: {  	_ =	strace s9  }
0x9b: {  	s9 =	sld [smem:$0x3FFD];
	_ =	sdelay $0x3  }
0x9c: {  	_ =	strace s9  }
0x9d: {  	_ =	strace $0x8FFFFFFF  }
0x9e: {  	s20 =	sld [smem:$0x3FDB];
	_ =	sdelay $0x1  }
0x9f: {  	s10 =	simm.s32 $_scs_section_size  }
0xa0: {  	s11 =	simm.s32 $_size__tile_overlayer_lowered;
	s12 =	simm.s32 $_tile_overlayer_lowered  }
0xa1: {  	s23 =	simm.s32 $0x1BFF;
	s22 =	sshll.u32 s12, $0x1;
	s9 =	sadd.s32 s10, s20  }
0xa2: {  	s13 =	simm.s32 $0x0;
	s21 =	sshll.u32 s11, $0x1;
	s11 =	sadd.s32 s22, s9  }
0xa3: {  	[timem:s13], [sflag:s23] =	dma.local [hbm:s11], s21  }
0xa4: {  	_ =	swait.ge [sflag:s23], s21  }
0xa5: {  	s10 =	ssub.s32 $0x0, s21;
	[sflag:s23] =	ssyncset.done $0x0  }
0xa6: {  	[sflag:s23] =	ssyncadd.s32 s10;
	_ =	sdelay $0x1  }
0xa7: {  	s24 =	simm.s32 $0x1B8B  }
0xa8: {  	_ =	swait.ge [sflag:s24], $0x1  }
0xa9: {  	[sflag:s24] =	ssyncset.done $0x0  }
0xaa: {  	s25 =	simm.s32 $0x1B8E;
	[sflag:s24] =	ssyncadd.s32 $0xFFFFFFFF  }
0xab: {  	s26 =	simm.s32 $execute0_lowered;
	[smem:$0x3FD2] =	sst s25  }
0xac: {  	s10 =	sshll.u32 s26, $0x1;
	_ =	strace $0x80000046;
	[dreg:$0x1] =	wrdreg $0xFFFFFFFF  }
0xad: {  	s28 =	simm.s32 $_size_execute0_lowered;
	s9 =	sadd.s32 s9, s10;
	[dreg:$0x0] =	wrdreg $0x0  }
0xae: {  	s10 =	sshll.u32 s28, $0x1;
	[dreg:$0x2] =	wrdreg s9  }
0xaf: {  	[dreg:$0x3] =	wrdreg s10  }
0xb0: {  	[dreg:$0x4] =	wrdreg $0xC0  }
0xb1: {  	_ =	task [dreg:s13], $0x5FFFF  }
0xb2: {  	[dreg:$0x1] =	wrdreg $0xFFFFFFFF  }
0xb3: {  	[dreg:$0x0] =	wrdreg $0x60  }
0xb4: {  	[dreg:$0x2] =	wrdreg s2  }
0xb5: {  	[dreg:$0x3] =	wrdreg s19  }
0xb6: {  	[dreg:$0x4] =	wrdreg s4  }
0xb7: {  	[dreg:$0x5] =	wrdreg s5  }
0xb8: {  	[dreg:$0x6] =	wrdreg s6  }
0xb9: {  	[dreg:$0x7] =	wrdreg s7  }
0xba: {  	[dreg:$0x8] =	wrdreg s8  }
0xbb: {  	[dreg:$0x9] =	wrdreg $0x9  }
0xbc: {  	_ =	task.clear_ibuf [dreg:s13], $0xAFFFF;
	_ =	strace $0x90000046  }
0xbd: {  	s29 =	simm.s32 $0x9;
	_ =	strace $0x80000048  }
0xbe: {  	_ =	swait.ge [sflag:s29], $0x1  }
0xbf: {  	[sflag:s29] =	ssyncadd.s32 $0xFFFFFFFF  }
0xc0: {  	_ =	strace $0x90000048  }
0xc1: {  	_ =	sfence  }
0xc2: {  	s30 =	sld [smem:$0x0];
	_ =	sdelay $0x2  }
0xc3: {  	s31 =	sshll.u32 s1, $0xD;
	s1 =	sshrl.u32 s1, $0x2  }
0xc4: {  	s3 =	sand.u32 $0x4000, s31;
	s1 =	sadd.s32 s1, s30  }
0xc5: {  	s0 =	sor.u32 s3, s0;
	s1 =	sshll.u32 s1, $0x11  }
0xc6: {  	s0 =	sor.u32 s1, s0  }
0xc7: {  	s0 =	sadd.s32 $0x8F2B, s0  }
0xc8: {  	[sflag:s0] =	ssyncadd.remote.s32 $0x1  }
0xc9: {  	_ =	sfence.sel $0xFFFF  }
0xca: {  	[dreg:$0x0] =	wrdreg $0xFFFFFFFF;
	(pc) =	sbr.abs _section_cstart, $3  }
0xcb: {  	[dreg:$0x1] =	wrdreg $0xFFFFFFFF  }
0xcc: {  	_ =	task.clear_ibuf [dreg:s13], $0x2FFFF;
	_ =	strace $0x9FFFFFFF  }
0xcd: {  	(tm) =	ssettm $0x7FFFFFFF  }
tec
execute0_lowered:
.L_overlay_start_1:
0x0: {  	(tag) =	ssettag $0x1  }
0x1: {  	s0 =	rddreg [dreg:$0x0]  }
0x2: {  	s3 =	rddreg [dreg:$0x1]  }
0x3: {  	s4 =	rddreg [dreg:$0x2]  }
0x4: {  	s1 =	rddreg [dreg:$0x3]  }
0x5: {  	s2 =	rddreg [dreg:$0x4]  }
0x6: {  	s12 =	rddreg [dreg:$0x6];
	s6 =	srdreg.scid  }
0x7: {  	s5 =	simm.s32 $0x0;
	s7 =	stileid.u32;
	s15 =	simm.s32 $0x200  }
0x8: {  	s17 =	simm.s32 $0x80;
	s25 =	simm.s32 $0x1;
	s26 =	simm.s32 $0x2  }
0x9: {  	s28 =	simm.s32 $0x3;
	s29 =	simm.s32 $0x4;
	s6 =	sand.u32 $0x1, s6  }
0xa: {  	s31 =	simm.s32 $0x0;
	s7 =	sshll.u32 s7, $0xA;
	s8 =	sshll.u32 s6, $0x9  }
0xb: {  	[smem:$0x7FF] =	sst s5;
	s6 =	ssub.s32 $0x2, s6;
	s7 =	sor.u32 s8, s7  }
0xc: {  	_ =	strace $0x80000047;
	s30 =	sshrl.u32 s6, $0x1;
	s13 =	sshrl.u32 s7, $0x3  }
0xd: {  	s7 =	sshll.u32 s7, $0x4;
	s14 =	ssub.s32 s6, s30;
	s0 =	sadd.s32 s0, s13  }
0xe: {  	s7 =	sadd.s32 s4, s7;
	s8 =	sadd.s32 s3, s13;
	s12 =	sadd.s32 s12, s13  }
0xf: {  	s13 =	smax.u32 s14, $0x1;
	s14 =	simm.s32 $0x8;
	s4 =	simm.s32 $0x6  }
0x10: {  	s3 =	simm.s32 $0x7;
	[dreg:$0x8] =	wrdreg s0;
	s9 =	sadd.s32 $0x800, s7  }
0x11: {  	v0 =	vlaneseq.u32;
	s10 =	sadd.s32 $0x1000, s7;
	s11 =	sadd.s32 $0x1800, s7;
	s0 =	simm.s32 $0x5  }
.LBB2_1:
0x12: {  	s6 =	rddreg [dreg:$0x8]  }
0x13: {  	[tilespmem:s5], [sflag:$0x8] =	stream.linear.gather [hbm4b:s6+s5], $0x200, $0x38;
	[tilespmem:$0x18800] =	vst v63  }
0x14: {  	_ =	swait.ge [sflag:s14], $0x200  }
0x15: {  	[sflag:s14] =	ssyncset.done $0x0  }
0x16: {  	[sflag:s14] =	ssyncadd.s32 $0xFFFFFE00  }
0x17: {  	[tilespmem:s15], [sflag:$0x8] =	stream.linear.gather [hbm4b:s8+s5], $0x200, $0x38;
	[tilespmem:$0x18800] =	vst v63  }
0x18: {  	_ =	swait.ge [sflag:s14], $0x200  }
0x19: {  	[sflag:s14] =	ssyncset.done $0x0  }
0x1a: {  	[sflag:s14] =	ssyncadd.s32 $0xFFFFFE00  }
0x1b: {  	s16 =	simm.s32 $0x18400;
	s22 =	rddreg [dreg:$0x5]  }
0x1c: {  	[tilespmem:s16], [sflag:$0x1] =	stream.indirect.gather [hbm4b:s22+s15], $0x1, s15, s15, $0xb8;
	[tilespmem:$0x18800] =	vst v63  }
0x1d: {  	s23 =	simm.s32 $0x400  }
0x1e: {  	[tilespmem:s23], [sflag:$0x2] =	stream.indirect.gather [hbm4b:s1+s17], $0x80, s5, s17, $0xb8;
	[tilespmem:$0x18800] =	vst v63  }
0x1f: {  	s24 =	simm.s32 $0x8400  }
0x20: {  	[tilespmem:s24], [sflag:$0x3] =	stream.indirect.gather [hbm4b:s2+s17], $0x80, s15, s17, $0xb8;
	[tilespmem:$0x18800] =	vst v63  }
0x21: {  	s16 =	simm.s32 $0x10400  }
0x22: {  	[tilespmem:s16], [sflag:$0x4] =	stream.linear.gather [hbm4b:s7+s5], $0x4000, $0x38;
	[tilespmem:$0x18800] =	vst v63  }
0x23: {  	s18 =	simm.s32 $0x4400  }
0x24: {  	[tilespmem:s18], [sflag:$0x5] =	stream.indirect.gather [hbm4b:s1+s17], $0x80, s17, s17, $0xb8;
	[tilespmem:$0x18800] =	vst v63  }
0x25: {  	s19 =	simm.s32 $0x280;
	s20 =	simm.s32 $0xC400  }
0x26: {  	[tilespmem:s20], [sflag:$0x6] =	stream.indirect.gather [hbm4b:s2+s17], $0x80, s19, s17, $0xb8;
	[tilespmem:$0x18800] =	vst v63  }
0x27: {  	s21 =	simm.s32 $0x14400  }
0x28: {  	[tilespmem:s21], [sflag:$0x7] =	stream.linear.gather [hbm4b:s9+s5], $0x4000, $0x38;
	[tilespmem:$0x18800] =	vst v63  }
0x29: {  	_ =	swait.ge [sflag:s25], $0x200  }
0x2a: {  	[sflag:s25] =	ssyncset.done $0x0  }
0x2b: {  	[sflag:s25] =	ssyncadd.s32 $0xFFFFFE00  }
0x2c: {  	_ =	swait.ge [sflag:s26], $0x4000  }
0x2d: {  	[sflag:s26] =	ssyncset.done $0x0  }
0x2e: {  	[sflag:s26] =	ssyncadd.s32 $0xFFFFC000  }
0x2f: {  	_ =	swait.ge [sflag:s28], $0x4000  }
0x30: {  	[sflag:s28] =	ssyncset.done $0x0  }
0x31: {  	[sflag:s28] =	ssyncadd.s32 $0xFFFFC000  }
0x32: {  	_ =	swait.ge [sflag:s29], $0x4000  }
0x33: {  	[sflag:s29] =	ssyncset.done $0x0  }
0x34: {  	s18 =	simm.s32 $0x8500;
	[sflag:s29] =	ssyncadd.s32 $0xFFFFC000  }
0x35: {  	v1 =	vld [tilespmem:s18+$0xFFFFFF80]  }
0x36: {  	s16 =	simm.s32 $0x500;
	v2 =	vld [tilespmem:s18+$0xFFFFFF00]  }
0x37: {  	v3 =	vld [tilespmem:s16+$0xFFFFFF00]  }
0x38: {  	v4 =	vld [tilespmem:s16+$0xFFFFFF80]  }
0x39: {  	v5 =	vld [tilespmem:s18+$0x0]  }
0x3a: {  	v7 =	vld [tilespmem:s16+$0x0];
	_ =	sdelay $0x2  }
0x3b: {  	v6 =	vmul.f32 v1, v1;
	v8 =	vmul.f32 v2, v2  }
0x3c: {  	v10 =	vmul.f32 v3, v3;
	v11 =	vmul.f32 v4, v4  }
0x3d: {  	v13 =	vmul.f32 v5, v5;
	v17 =	vmul.f32 v7, v7  }
0x3e: {  	v12 =	vmul.f32 $2.083333210e-03, v8;
	v14 =	vmul.f32 $2.083333210e-03, v10  }
0x3f: {  	v9 =	vmul.f32 $2.083333210e-03, v6;
	v16 =	vmul.f32 $2.083333210e-03, v11  }
0x40: {  	v18 =	vmul.f32 $2.083333210e-03, v13;
	v12 =	vadd.f32 $-2.083333210e-02, v12;
	v14 =	vadd.f32 $-2.083333210e-02, v14  }
0x41: {  	v52 =	vmul.f32 $2.083333210e-03, v17;
	v9 =	vadd.f32 $-2.083333210e-02, v9;
	v51 =	vadd.f32 $-2.083333210e-02, v16  }
0x42: {  	v53 =	vadd.f32 $-2.083333210e-02, v18;
	v8 =	vmul.f32 v12, v8;
	v10 =	vmul.f32 v14, v10  }
0x43: {  	v15 =	vld [tilespmem:s18+$0x80];
	v6 =	vmul.f32 v9, v6;
	v9 =	vmul.f32 v51, v11;
	v12 =	vadd.f32 $-2.083333210e-02, v52  }
0x44: {  	s22 =	simm.s32 $0x10500;
	v54 =	vld [tilespmem:s16+$0x80];
	v13 =	vmul.f32 v53, v13;
	v8 =	vadd.f32 $2.500000000e-01, v8;
	v10 =	vadd.f32 $2.500000000e-01, v10  }
0x45: {  	v56 =	vld [tilespmem:s22+$0xFFFFFF00];
	v6 =	vadd.f32 $2.500000000e-01, v6;
	v9 =	vadd.f32 $2.500000000e-01, v9;
	v58 =	vmul.f32 v12, v17  }
0x46: {  	v2 =	vmul.f32 v8, v2;
	v3 =	vmul.f32 v10, v3  }
0x47: {  	v57 =	vld [tilespmem:s22+$0xFFFFFF80];
	v59 =	vadd.f32 $2.500000000e-01, v13;
	v1 =	vmul.f32 v6, v1;
	v4 =	vmul.f32 v9, v4  }
0x48: {  	v55 =	vmul.f32 v15, v15;
	v2 =	vsub.f32 v3, v2;
	v3 =	vadd.f32 $2.500000000e-01, v58  }
0x49: {  	v60 =	vmul.f32 v54, v54;
	v5 =	vmul.f32 v59, v5;
	v1 =	vsub.f32 v4, v1;
	v4 =	vld [tilespmem:s22+$0x0]  }
0x4a: {  	v2 =	vmul.f32 v2, v56;
	v3 =	vmul.f32 v3, v7  }
0x4b: {  	v61 =	vmul.f32 $2.083333210e-03, v55;
	v62 =	vmul.f32 $2.083333210e-03, v60  }
0x4c: {  	v1 =	vmul.f32 v1, v57;
	v2 =	vadd.f32 $0.0e+00, v2;
	v3 =	vsub.f32 v3, v5  }
0x4d: {  	v63 =	vadd.f32 $-2.083333210e-02, v61;
	v5 =	vadd.f32 $-2.083333210e-02, v62  }
0x4e: {  	v1 =	vadd.f32 $0.0e+00, v1;
	(xrf2) =	vadd.scan.msk.f32 $0xffff, v2;
	v2 =	vmul.f32 v3, v4  }
0x4f: {  	v3 =	vmul.f32 v63, v55;
	v4 =	vmul.f32 v5, v60  }
0x50: {  	(xrf2) =	vadd.scan.msk.f32 $0xffff, v1;
	v1 =	vadd.f32 $0.0e+00, v2  }
0x51: {  	v2 =	vadd.f32 $2.500000000e-01, v3;
	v3 =	vadd.f32 $2.500000000e-01, v4  }
0x52: {  	v4 =	vld [tilespmem:s22+$0x80]  }
0x53: {  	(xrf2) =	vadd.scan.msk.f32 $0xffff, v1;
	v1 =	vmul.f32 v2, v15;
	v2 =	vmul.f32 v3, v54;
	_ =	sdelay $0x1  }
0x54: {  	v1 =	vsub.f32 v2, v1;
	_ =	sdelay $0x1  }
0x55: {  	v1 =	vmul.f32 v1, v4;
	_ =	sdelay $0x1  }
0x56: {  	v1 =	vadd.f32 $0.0e+00, v1;
	_ =	sdelay $0x1  }
0x57: {  	s22 =	simm.s32 $0x0;
	v3, _, _ =	vpop (xrf2);
	(xrf2) =	vadd.scan.msk.f32 $0xffff, v1  }
0x58: {  	s19 =	simm.s32 $0x1;
	s23 =	sand.u32 $0xC, s22;
	v3 =	vbroadcast v3, $0xF  }
0x59: {  	s24 =	sand.u32 $0xD, s19;
	v2 =	vimm.f32 $0.0e+00;
	v4 =	vmov s23;
	v5, _, _ =	vpop (xrf2)  }
0x5a: {  	vm0 =	veq.s32 v4, v0;
	v4 =	vmov s24;
	v5 =	vbroadcast v5, $0xF  }
0x5b: {  	s30 =	simm.s32 $0x185F4;
	s20 =	simm.s32 $0x8700;
	vm15 =	veq.s32 v4, v0;
	v2 =	vsel vm0, v3, v2  }
0x5c: {  	s19 =	simm.s32 $0x185F4;
	s21 =	simm.s32 $0x10700;
	s18 =	simm.s32 $0xFFFFFFFC;
	v2 =	vsel vm15, v5, v2;
	v3, _, _ =	vpop (xrf2)  }
.LBB2_2:
0x5d: {  	s19 =	sadd.s32 $0x4, s19  }
0x5e: {  	s16 =	sadd.s32 $0x200, s16;
	s23 =	smov.u32 s22;
	s22 =	sadd.s32 $0x4, s22  }
0x5f: {  	s6 =	sadd.s32 $0x6, s18;
	s24 =	sand.u32 $0xC, s22;
	p0 =	slt.u32 s22, $0x7C  }
0x60: {  	s6 =	sand.u32 $0xE, s6;
	v1 =	vmov s24;
	s24 =	sadd.s32 $0x7, s18;
	s18 =	smov.u32 s23  }
0x61: {  	v3 =	vbroadcast v3, $0xF;
	v4 =	vmov s6;
	s6 =	sand.u32 $0xF, s24;
	v5, _, _ =	vpop (xrf2)  }
0x62: {  	vm0 =	veq.s32 v4, v0;
	v4 =	vmov s6;
	v5 =	vbroadcast v5, $0xF  }
0x63: {  	v2 =	vsel vm0, v3, v2;
	vm0 =	veq.s32 v4, v0  }
0x64: {  	p1 =	sne.s32 s6, $0xF;
	v2 =	vsel vm0, v5, v2  }
0x65: {  	[tilespmem:s30+$0x0] =	vst @!p1 v2;
	s30 =	smov.u32 s19  }
0x66: {  	v3 =	vld [tilespmem:s20+$0xFFFFFF80]  }
0x67: {  	v4 =	vld [tilespmem:s20+$0xFFFFFF00]  }
0x68: {  	v5 =	vld [tilespmem:s16+$0xFFFFFF00]  }
0x69: {  	v6 =	vld [tilespmem:s16+$0xFFFFFF80]  }
0x6a: {  	v7 =	vld [tilespmem:s20+$0x0]  }
0x6b: {  	v8 =	vld [tilespmem:s16+$0x0];
	v9 =	vmul.f32 v3, v3  }
0x6c: {  	v10 =	vmul.f32 v4, v4  }
0x6d: {  	v11 =	vmul.f32 $2.083333210e-03, v9;
	v12 =	vmul.f32 v5, v5  }
0x6e: {  	v13 =	vmul.f32 v6, v6;
	v14 =	vmul.f32 $2.083333210e-03, v10;
	v15 =	vld [tilespmem:s20+$0x80]  }
0x6f: {  	v16 =	vmul.f32 v7, v7;
	v11 =	vadd.f32 $-2.083333210e-02, v11;
	v17 =	vmul.f32 $2.083333210e-03, v12;
	v18 =	vld [tilespmem:s16+$0x80]  }
0x70: {  	v19 =	vmul.f32 v8, v8;
	v20 =	vmul.f32 $2.083333210e-03, v13;
	v14 =	vadd.f32 $-2.083333210e-02, v14  }
0x71: {  	v21 =	vmul.f32 $2.083333210e-03, v16;
	v9 =	vmul.f32 v11, v9;
	v11 =	vadd.f32 $-2.083333210e-02, v17  }
0x72: {  	v17 =	vmul.f32 $2.083333210e-03, v19;
	v20 =	vadd.f32 $-2.083333210e-02, v20;
	v10 =	vmul.f32 v14, v10  }
0x73: {  	v14 =	vadd.f32 $-2.083333210e-02, v21;
	v9 =	vadd.f32 $2.500000000e-01, v9;
	v11 =	vmul.f32 v11, v12  }
0x74: {  	v12 =	vmul.f32 v20, v13;
	v10 =	vadd.f32 $2.500000000e-01, v10;
	v13 =	vmul.f32 v15, v15  }
0x75: {  	v17 =	vadd.f32 $-2.083333210e-02, v17;
	v3 =	vmul.f32 v9, v3;
	v9 =	vadd.f32 $2.500000000e-01, v11  }
0x76: {  	v11 =	vmul.f32 v14, v16;
	v12 =	vadd.f32 $2.500000000e-01, v12;
	v14 =	vld [tilespmem:s21+$0xFFFFFF00];
	v4 =	vmul.f32 v10, v4  }
0x77: {  	v10 =	vld [tilespmem:s21+$0xFFFFFF80];
	v5 =	vmul.f32 v9, v5;
	v9 =	vmul.f32 v18, v18  }
0x78: {  	v11 =	vadd.f32 $2.500000000e-01, v11;
	v6 =	vmul.f32 v12, v6;
	v12 =	vmul.f32 $2.083333210e-03, v13  }
0x79: {  	v16 =	vmul.f32 v17, v19;
	v4 =	vsub.f32 v5, v4;
	v5 =	vmul.f32 $2.083333210e-03, v9  }
0x7a: {  	v7 =	vmul.f32 v11, v7;
	v3 =	vsub.f32 v6, v3;
	v6 =	vadd.f32 $-2.083333210e-02, v12  }
0x7b: {  	v11 =	vadd.f32 $2.500000000e-01, v16;
	v4 =	vmul.f32 v4, v14;
	v5 =	vadd.f32 $-2.083333210e-02, v5  }
0x7c: {  	v12 =	vld [tilespmem:s21+$0x0];
	v3 =	vmul.f32 v3, v10;
	v6 =	vmul.f32 v6, v13  }
0x7d: {  	v8 =	vmul.f32 v11, v8;
	v4 =	vadd.f32 $0.0e+00, v4;
	v5 =	vmul.f32 v5, v9  }
0x7e: {  	v3 =	vadd.f32 $0.0e+00, v3;
	v6 =	vadd.f32 $2.500000000e-01, v6  }
0x7f: {  	v7 =	vsub.f32 v8, v7;
	v5 =	vadd.f32 $2.500000000e-01, v5;
	(xrf2) =	vadd.scan.msk.f32 $0xffff, v4  }
0x80: {  	v4 =	vld [tilespmem:s21+$0x80];
	v6 =	vmul.f32 v6, v15  }
0x81: {  	v7 =	vmul.f32 v7, v12;
	v5 =	vmul.f32 v5, v18  }
0x82: {  	(xrf2) =	vadd.scan.msk.f32 $0xffff, v3  }
0x83: {  	v3 =	vadd.f32 $0.0e+00, v7;
	v5 =	vsub.f32 v5, v6;
	_ =	sdelay $0x1  }
0x84: {  	v4 =	vmul.f32 v5, v4;
	(xrf2) =	vadd.scan.msk.f32 $0xffff, v3;
	_ =	sdelay $0x1  }
0x85: {  	v3 =	vadd.f32 $0.0e+00, v4;
	_ =	sdelay $0x1  }
0x86: {  	v4, _, _ =	vpop (xrf2);
	(xrf2) =	vadd.scan.msk.f32 $0xffff, v3  }
0x87: {  	v3 =	vbroadcast v4, $0xF  }
.Ltmp0:
0x88: {  	s6 =	sadd.s32 $0x5, s18;
	vm0 =	veq.s32 v1, v0;
	(pc) =	sbr.rel @p0 .LBB2_2-.Ltmp0, $4  }
0x89: {  	s6 =	sand.u32 $0xD, s6;
	v1 =	vsel vm0, v3, v2;
	v2, _, _ =	vpop (xrf2)  }
0x8a: {  	v4 =	vmov s6;
	v2 =	vbroadcast v2, $0xF  }
0x8b: {  	vm0 =	veq.s32 v4, v0  }
0x8c: {  	s20 =	sadd.s32 $0x200, s20;
	s21 =	sadd.s32 $0x200, s21;
	v2 =	vsel vm0, v2, v1;
	v3, _, _ =	vpop (xrf2)  }
0x8d: {  	_ = 	snop  }
0x8e: {  	s6 =	sadd.s32 $0x6, s18  }
0x8f: {  	s16 =	sadd.s32 $0x7, s18;
	s6 =	sand.u32 $0xE, s6  }
0x90: {  	v3 =	vbroadcast v3, $0xF;
	s23 =	sand.u32 $0xF, s16;
	v1 =	vmov s6;
	v4, _, _ =	vpop (xrf2)  }
0x91: {  	vm0 =	veq.s32 v1, v0;
	v1 =	vmov s23;
	v4 =	vbroadcast v4, $0xF  }
0x92: {  	v2 =	vsel vm0, v3, v2;
	vm12 =	veq.s32 v1, v0  }
0x93: {  	p0 =	sne.s32 s23, $0xF;
	v1 =	vsel vm12, v4, v2  }
0x94: {  	[tilespmem:s30+$0x0] =	vst @!p0 v1  }
0x95: {  	v1 =	vld [tilespmem:$0x18400];
	_ =	sdelay $0x4  }
0x96: {  	v1 =	vsub.f32 $0.0e+00, v1;
	_ =	sdelay $0x1  }
0x97: {  	v1 =	vmul.f32 $1.442695020e+00, v1;
	_ =	sdelay $0x1  }
0x98: {  	(erf) = vpow2.f32 v1;
	_ =	sdelay $0x8  }
0x99: {  	v1 =	vpop (erf)  }
0x9a: {  	v1 =	vadd.f32 $1.000000000e+00, v1;
	_ =	sdelay $0x1  }
0x9b: {  	(erf) = vrcp.f32 v1;
	_ =	sdelay $0x6  }
0x9c: {  	v1 =	vld [tilespmem:$0x18600];
	_ =	sdelay $0x1  }
0x9d: {  	v2 =	vpop (erf)  }
0x9e: {  	v2 =	vmul.f32 $1.000000000e+01, v2;
	_ =	sdelay $0x1  }
0x9f: {  	v1 =	vmul.f32 v2, v1;
	_ =	sdelay $0x1  }
0xa0: {  	v1 =	vsub.f32 $0.0e+00, v1;
	_ =	sdelay $0x1  }
0xa1: {  	v1 =	vmul.f32 $1.442695020e+00, v1;
	_ =	sdelay $0x1  }
0xa2: {  	(erf) = vpow2.f32 v1;
	_ =	sdelay $0x3  }
0xa3: {  	v1 =	vld [tilespmem:$0x18410];
	_ =	sdelay $0x4  }
0xa4: {  	v1 =	vsub.f32 $0.0e+00, v1;
	v2 =	vpop (erf)  }
0xa5: {  	v2 =	vadd.f32 $1.000000000e+00, v2  }
0xa6: {  	v1 =	vmul.f32 $1.442695020e+00, v1  }
0xa7: {  	(erf) = vrcp.f32 v2  }
0xa8: {  	(erf) = vpow2.f32 v1;
	_ =	sdelay $0x7  }
0xa9: {  	v1 =	vpop (erf)  }
0xaa: {  	v2 =	vpop (erf)  }
0xab: {  	v2 =	vadd.f32 $1.000000000e+00, v2;
	_ =	sdelay $0x1  }
0xac: {  	(erf) = vrcp.f32 v2;
	_ =	sdelay $0x6  }
0xad: {  	v2 =	vld [tilespmem:$0x18610];
	_ =	sdelay $0x1  }
0xae: {  	v3 =	vpop (erf)  }
0xaf: {  	v3 =	vmul.f32 $1.000000000e+01, v3;
	_ =	sdelay $0x1  }
0xb0: {  	v2 =	vmul.f32 v3, v2;
	_ =	sdelay $0x1  }
0xb1: {  	v2 =	vsub.f32 $0.0e+00, v2;
	_ =	sdelay $0x1  }
0xb2: {  	v2 =	vmul.f32 $1.442695020e+00, v2;
	_ =	sdelay $0x1  }
0xb3: {  	(erf) = vpow2.f32 v2;
	_ =	sdelay $0x3  }
0xb4: {  	v2 =	vld [tilespmem:$0x18420];
	_ =	sdelay $0x4  }
0xb5: {  	v2 =	vsub.f32 $0.0e+00, v2;
	v3 =	vpop (erf)  }
0xb6: {  	v3 =	vadd.f32 $1.000000000e+00, v3  }
0xb7: {  	v2 =	vmul.f32 $1.442695020e+00, v2  }
0xb8: {  	(erf) = vrcp.f32 v3  }
0xb9: {  	(erf) = vpow2.f32 v2;
	_ =	sdelay $0x7  }
0xba: {  	v2 =	vpop (erf)  }
0xbb: {  	v3 =	vpop (erf)  }
0xbc: {  	v3 =	vadd.f32 $1.000000000e+00, v3;
	_ =	sdelay $0x1  }
0xbd: {  	(erf) = vrcp.f32 v3;
	_ =	sdelay $0x6  }
0xbe: {  	v3 =	vld [tilespmem:$0x18620];
	_ =	sdelay $0x1  }
0xbf: {  	v9 =	vpop (erf)  }
0xc0: {  	v4 =	vmul.f32 $1.000000000e+01, v9;
	_ =	sdelay $0x1  }
0xc1: {  	v3 =	vmul.f32 v4, v3;
	_ =	sdelay $0x1  }
0xc2: {  	v3 =	vsub.f32 $0.0e+00, v3;
	_ =	sdelay $0x1  }
0xc3: {  	v3 =	vmul.f32 $1.442695020e+00, v3;
	_ =	sdelay $0x1  }
0xc4: {  	(erf) = vpow2.f32 v3;
	_ =	sdelay $0x3  }
0xc5: {  	v3 =	vld [tilespmem:$0x18430];
	_ =	sdelay $0x4  }
0xc6: {  	v3 =	vsub.f32 $0.0e+00, v3;
	v10 =	vpop (erf)  }
0xc7: {  	v4 =	vadd.f32 $1.000000000e+00, v10  }
0xc8: {  	v3 =	vmul.f32 $1.442695020e+00, v3  }
0xc9: {  	(erf) = vrcp.f32 v4  }
0xca: {  	(erf) = vpow2.f32 v3;
	_ =	sdelay $0x7  }
0xcb: {  	v3 =	vpop (erf)  }
0xcc: {  	v11 =	vpop (erf)  }
0xcd: {  	v4 =	vadd.f32 $1.000000000e+00, v11;
	_ =	sdelay $0x1  }
0xce: {  	(erf) = vrcp.f32 v4;
	_ =	sdelay $0x6  }
0xcf: {  	v12 =	vld [tilespmem:$0x18630];
	_ =	sdelay $0x1  }
0xd0: {  	v5 =	vpop (erf)  }
0xd1: {  	v5 =	vmul.f32 $1.000000000e+01, v5;
	_ =	sdelay $0x1  }
0xd2: {  	v4 =	vmul.f32 v5, v12;
	_ =	sdelay $0x1  }
0xd3: {  	v4 =	vsub.f32 $0.0e+00, v4;
	_ =	sdelay $0x1  }
0xd4: {  	v4 =	vmul.f32 $1.442695020e+00, v4;
	_ =	sdelay $0x1  }
0xd5: {  	(erf) = vpow2.f32 v4;
	_ =	sdelay $0x3  }
0xd6: {  	v13 =	vld [tilespmem:$0x18440];
	_ =	sdelay $0x4  }
0xd7: {  	v4 =	vsub.f32 $0.0e+00, v13;
	v14 =	vpop (erf)  }
0xd8: {  	v5 =	vadd.f32 $1.000000000e+00, v14  }
0xd9: {  	v4 =	vmul.f32 $1.442695020e+00, v4  }
0xda: {  	(erf) = vrcp.f32 v5  }
0xdb: {  	(erf) = vpow2.f32 v4;
	_ =	sdelay $0x7  }
0xdc: {  	v15 =	vpop (erf)  }
0xdd: {  	v16 =	vpop (erf)  }
0xde: {  	v5 =	vadd.f32 $1.000000000e+00, v16;
	_ =	sdelay $0x1  }
0xdf: {  	(erf) = vrcp.f32 v5;
	_ =	sdelay $0x6  }
0xe0: {  	v17 =	vld [tilespmem:$0x18640];
	_ =	sdelay $0x1  }
0xe1: {  	v6 =	vpop (erf)  }
0xe2: {  	v6 =	vmul.f32 $1.000000000e+01, v6;
	_ =	sdelay $0x1  }
0xe3: {  	v5 =	vmul.f32 v6, v17;
	_ =	sdelay $0x1  }
0xe4: {  	v5 =	vsub.f32 $0.0e+00, v5;
	_ =	sdelay $0x1  }
0xe5: {  	v5 =	vmul.f32 $1.442695020e+00, v5;
	_ =	sdelay $0x1  }
0xe6: {  	(erf) = vpow2.f32 v5;
	_ =	sdelay $0x3  }
0xe7: {  	v18 =	vld [tilespmem:$0x18450];
	_ =	sdelay $0x4  }
0xe8: {  	v5 =	vsub.f32 $0.0e+00, v18;
	v19 =	vpop (erf)  }
0xe9: {  	v6 =	vadd.f32 $1.000000000e+00, v19  }
0xea: {  	v5 =	vmul.f32 $1.442695020e+00, v5  }
0xeb: {  	(erf) = vrcp.f32 v6  }
0xec: {  	(erf) = vpow2.f32 v5;
	_ =	sdelay $0x7  }
0xed: {  	v20 =	vpop (erf)  }
0xee: {  	v21 =	vpop (erf)  }
0xef: {  	v6 =	vadd.f32 $1.000000000e+00, v21;
	_ =	sdelay $0x1  }
0xf0: {  	(erf) = vrcp.f32 v6;
	_ =	sdelay $0x6  }
0xf1: {  	v22 =	vld [tilespmem:$0x18650];
	_ =	sdelay $0x1  }
0xf2: {  	v7 =	vpop (erf)  }
0xf3: {  	v7 =	vmul.f32 $1.000000000e+01, v7;
	_ =	sdelay $0x1  }
0xf4: {  	v6 =	vmul.f32 v7, v22;
	_ =	sdelay $0x1  }
0xf5: {  	v6 =	vsub.f32 $0.0e+00, v6;
	_ =	sdelay $0x1  }
0xf6: {  	v6 =	vmul.f32 $1.442695020e+00, v6;
	_ =	sdelay $0x1  }
0xf7: {  	(erf) = vpow2.f32 v6;
	_ =	sdelay $0x3  }
0xf8: {  	v23 =	vld [tilespmem:$0x18460];
	_ =	sdelay $0x4  }
0xf9: {  	v6 =	vsub.f32 $0.0e+00, v23;
	v24 =	vpop (erf)  }
0xfa: {  	v7 =	vadd.f32 $1.000000000e+00, v24  }
0xfb: {  	v6 =	vmul.f32 $1.442695020e+00, v6  }
0xfc: {  	(erf) = vrcp.f32 v7  }
0xfd: {  	(erf) = vpow2.f32 v6;
	_ =	sdelay $0x7  }
0xfe: {  	v25 =	vpop (erf)  }
0xff: {  	v26 =	vpop (erf)  }
0x100: {  	v7 =	vadd.f32 $1.000000000e+00, v26;
	_ =	sdelay $0x1  }
0x101: {  	(erf) = vrcp.f32 v7;
	_ =	sdelay $0x6  }
0x102: {  	v27 =	vld [tilespmem:$0x18660];
	_ =	sdelay $0x1  }
0x103: {  	v8 =	vpop (erf)  }
0x104: {  	v8 =	vmul.f32 $1.000000000e+01, v8;
	_ =	sdelay $0x1  }
0x105: {  	v7 =	vmul.f32 v8, v27;
	_ =	sdelay $0x1  }
0x106: {  	v7 =	vsub.f32 $0.0e+00, v7;
	_ =	sdelay $0x1  }
0x107: {  	v7 =	vmul.f32 $1.442695020e+00, v7;
	_ =	sdelay $0x1  }
0x108: {  	(erf) = vpow2.f32 v7;
	_ =	sdelay $0x3  }
0x109: {  	v28 =	vld [tilespmem:$0x18470];
	_ =	sdelay $0x4  }
0x10a: {  	v7 =	vsub.f32 $0.0e+00, v28;
	v29 =	vpop (erf)  }
0x10b: {  	v8 =	vadd.f32 $1.000000000e+00, v29  }
0x10c: {  	v7 =	vmul.f32 $1.442695020e+00, v7  }
0x10d: {  	(erf) = vrcp.f32 v8  }
0x10e: {  	(erf) = vpow2.f32 v7;
	_ =	sdelay $0x7  }
0x10f: {  	v30 =	vpop (erf)  }
0x110: {  	v31 =	vpop (erf)  }
0x111: {  	v8 =	vadd.f32 $1.000000000e+00, v31;
	_ =	sdelay $0x1  }
0x112: {  	(erf) = vrcp.f32 v8;
	_ =	sdelay $0x6  }
0x113: {  	v32 =	vld [tilespmem:$0x18670];
	_ =	sdelay $0x1  }
0x114: {  	v9 =	vpop (erf)  }
0x115: {  	v9 =	vmul.f32 $1.000000000e+01, v9;
	_ =	sdelay $0x1  }
0x116: {  	v8 =	vmul.f32 v9, v32;
	_ =	sdelay $0x1  }
0x117: {  	v8 =	vsub.f32 $0.0e+00, v8;
	_ =	sdelay $0x1  }
0x118: {  	v8 =	vmul.f32 $1.442695020e+00, v8;
	_ =	sdelay $0x1  }
0x119: {  	(erf) = vpow2.f32 v8;
	_ =	sdelay $0x8  }
0x11a: {  	v8 =	vpop (erf)  }
0x11b: {  	v8 =	vadd.f32 $1.000000000e+00, v8;
	_ =	sdelay $0x1  }
0x11c: {  	(erf) = vrcp.f32 v8;
	_ =	sdelay $0x2  }
0x11d: {  	[tilespmem:$0x18600] =	vst v1  }
0x11e: {  	[tilespmem:$0x18610] =	vst v2  }
0x11f: {  	[tilespmem:$0x18620] =	vst v3  }
0x120: {  	[tilespmem:$0x18630] =	vst v15  }
0x121: {  	[tilespmem:$0x18640] =	vst v20  }
0x122: {  	[tilespmem:$0x18650] =	vst v25  }
0x123: {  	[tilespmem:$0x18660] =	vst v30;
	v1 =	vpop (erf)  }
0x124: {  	s24 =	simm.s32 $0x400;
	s30 =	simm.s32 $0x100;
	[tilespmem:$0x18670] =	vst v1  }
0x125: {  	[tilespmem:s24], [sflag:$0x2] =	stream.indirect.gather [hbm4b:s1+s17], $0x80, s30, s17, $0xb8;
	[tilespmem:$0x18800] =	vst v63  }
0x126: {  	s18 =	simm.s32 $0x8400;
	s19 =	simm.s32 $0x300  }
0x127: {  	[tilespmem:s18], [sflag:$0x3] =	stream.indirect.gather [hbm4b:s2+s17], $0x80, s19, s17, $0xb8;
	[tilespmem:$0x18800] =	vst v63  }
0x128: {  	s20 =	simm.s32 $0x0;
	s21 =	simm.s32 $0x10400  }
0x129: {  	[tilespmem:s21], [sflag:$0x4] =	stream.linear.gather [hbm4b:s10+s20], $0x4000, $0x38;
	[tilespmem:$0x18800] =	vst v63  }
0x12a: {  	_ =	swait.ge [sflag:s0], $0x4000  }
0x12b: {  	[sflag:s0] =	ssyncset.done $0x0  }
0x12c: {  	[sflag:s0] =	ssyncadd.s32 $0xFFFFC000  }
0x12d: {  	_ =	swait.ge [sflag:s4], $0x4000  }
0x12e: {  	[sflag:s4] =	ssyncset.done $0x0  }
0x12f: {  	[sflag:s4] =	ssyncadd.s32 $0xFFFFC000  }
0x130: {  	_ =	swait.ge [sflag:s3], $0x4000  }
0x131: {  	[sflag:s3] =	ssyncset.done $0x0  }
0x132: {  	s22 =	simm.s32 $0x0;
	[sflag:s3] =	ssyncadd.s32 $0xFFFFC000  }
0x133: {  	v1 =	vld [tilespmem:s22+$0x4500]  }
0x134: {  	v2 =	vld [tilespmem:s22+$0xC500]  }
0x135: {  	v3 =	vld [tilespmem:s22+$0x4580]  }
0x136: {  	v34 =	vld [tilespmem:s22+$0x4480]  }
0x137: {  	v37 =	vld [tilespmem:s22+$0xC480]  }
0x138: {  	v10 =	vld [tilespmem:s22+$0x4400]  }
0x139: {  	v11 =	vld [tilespmem:s22+$0xC400]  }
0x13a: {  	v12 =	vld [tilespmem:s22+$0xC580]  }
0x13b: {  	v33 =	vmul.f32 v1, v1  }
0x13c: {  	v36 =	vmul.f32 v2, v2;
	v13 =	vmul.f32 v3, v3  }
0x13d: {  	v40 =	vmul.f32 v34, v34;
	v14 =	vmul.f32 v37, v37  }
0x13e: {  	v17 =	vmul.f32 v10, v10;
	v18 =	vmul.f32 v11, v11  }
0x13f: {  	v19 =	vmul.f32 v12, v12;
	v35 =	vmul.f32 $2.083333210e-03, v33  }
0x140: {  	v38 =	vmul.f32 $2.083333210e-03, v36;
	v41 =	vmul.f32 $2.083333210e-03, v40  }
0x141: {  	v16 =	vmul.f32 $2.083333210e-03, v14;
	v20 =	vmul.f32 $2.083333210e-03, v17  }
0x142: {  	v21 =	vmul.f32 $2.083333210e-03, v18;
	v6 =	vadd.f32 $-2.083333210e-02, v35;
	v39 =	vadd.f32 $-2.083333210e-02, v38  }
0x143: {  	v15 =	vmul.f32 $2.083333210e-03, v13;
	v7 =	vadd.f32 $-2.083333210e-02, v41;
	v16 =	vadd.f32 $-2.083333210e-02, v16  }
0x144: {  	v47 =	vmul.f32 $2.083333210e-03, v19;
	v45 =	vadd.f32 $-2.083333210e-02, v20;
	v46 =	vadd.f32 $-2.083333210e-02, v21  }
0x145: {  	v15 =	vadd.f32 $-2.083333210e-02, v15;
	v4 =	vmul.f32 v6, v33;
	v6 =	vmul.f32 v39, v36  }
0x146: {  	v50 =	vadd.f32 $-2.083333210e-02, v47;
	v43 =	vmul.f32 v7, v40;
	v44 =	vmul.f32 v16, v14  }
0x147: {  	v9 =	vmul.f32 v45, v17;
	v4 =	vadd.f32 $2.500000000e-01, v4;
	v42 =	vadd.f32 $2.500000000e-01, v6  }
0x148: {  	v14 =	vmul.f32 v46, v18;
	v13 =	vmul.f32 v15, v13;
	v6 =	vadd.f32 $2.500000000e-01, v43  }
0x149: {  	v48 =	vld [tilespmem:s22+$0x14500];
	v7 =	vadd.f32 $2.500000000e-01, v44;
	v1 =	vmul.f32 v4, v1;
	v2 =	vmul.f32 v42, v2  }
0x14a: {  	v49 =	vld [tilespmem:s22+$0x14480];
	v51 =	vadd.f32 $2.500000000e-01, v9;
	v52 =	vadd.f32 $2.500000000e-01, v14;
	v5 =	vmul.f32 v6, v34  }
0x14b: {  	v7 =	vmul.f32 v7, v37;
	v6 =	vmul.f32 v50, v19;
	v1 =	vsub.f32 v1, v2;
	v2 =	vld [tilespmem:s22+$0x14400]  }
0x14c: {  	v55 =	vadd.f32 $2.500000000e-01, v13;
	v53 =	vmul.f32 v51, v10;
	v54 =	vmul.f32 v52, v11  }
0x14d: {  	v5 =	vsub.f32 v5, v7;
	v6 =	vadd.f32 $2.500000000e-01, v6  }
0x14e: {  	v57 =	vld [tilespmem:s22+$0x14580];
	v3 =	vmul.f32 v55, v3;
	v56 =	vsub.f32 v53, v54;
	v1 =	vmul.f32 v1, v48  }
0x14f: {  	v4 =	vmul.f32 v5, v49;
	v6 =	vmul.f32 v6, v12  }
0x150: {  	v1 =	vadd.f32 $0.0e+00, v1;
	v2 =	vmul.f32 v56, v2  }
0x151: {  	v4 =	vadd.f32 $0.0e+00, v4;
	v3 =	vsub.f32 v3, v6  }
0x152: {  	(xrf2) =	vadd.scan.msk.f32 $0xffff, v1;
	v1 =	vadd.f32 $0.0e+00, v2  }
0x153: {  	(xrf2) =	vadd.scan.msk.f32 $0xffff, v4;
	v2 =	vmul.f32 v3, v57  }
0x154: {  	(xrf2) =	vadd.scan.msk.f32 $0xffff, v1  }
0x155: {  	v1 =	vadd.f32 $0.0e+00, v2;
	_ =	sdelay $0x1  }
0x156: {  	(xrf2) =	vadd.scan.msk.f32 $0xffff, v1;
	_ =	sdelay $0x4  }
0x157: {  	s16 =	simm.s32 $0x0;
	s23 =	simm.s32 $0x3;
	s24 =	simm.s32 $0x2;
	v1, _, _ =	vpop (xrf2)  }
0x158: {  	s6 =	sand.u32 $0xF, s23;
	s18 =	sand.u32 $0xE, s24;
	s19 =	simm.s32 $0x1;
	v2, _, _ =	vpop (xrf2)  }
0x159: {  	v58 =	vmov s6;
	v60 =	vmov s18;
	s30 =	sand.u32 $0xD, s19;
	s20 =	sand.u32 $0xC, s16;
	v59, _, _ =	vpop (xrf2)  }
0x15a: {  	v62 =	vmov s30;
	v61 =	vmov s20;
	v5 =	vbroadcast v59, $0xF  }
0x15b: {  	vm13 =	veq.s32 v61, v0;
	v3 =	vimm.f32 $0.0e+00;
	v2 =	vbroadcast v2, $0xF  }
0x15c: {  	vm1 =	veq.s32 v62, v0;
	v1 =	vbroadcast v1, $0xF;
	v63, _, _ =	vpop (xrf2);
	v3 =	vsel vm13, v5, v3  }
0x15d: {  	vm14 =	veq.s32 v60, v0;
	v2 =	vsel vm1, v2, v3;
	v3 =	vbroadcast v63, $0xF  }
0x15e: {  	vm15 =	veq.s32 v58, v0;
	v1 =	vsel vm14, v1, v2  }
0x15f: {  	p1 =	sne.s32 s6, $0xF;
	s18 =	simm.s32 $0x18674;
	s19 =	simm.s32 $0x800;
	v1 =	vsel vm15, v3, v1  }
.LBB2_4:
0x160: {  	s21 =	sshra.s32 s19, $0x2;
	[tilespmem:s18+$0x0] =	vst @!p1 v1;
	s20 =	smov.u32 s16  }
0x161: {  	v2 =	vld [tilespmem:s21+$0x4500];
	_ =	sdelay $0x1  }
0x162: {  	v3 =	vld [tilespmem:s21+$0xC500];
	_ =	sdelay $0x1  }
0x163: {  	v4 =	vld [tilespmem:s21+$0x4580]  }
0x164: {  	v5 =	vmul.f32 v2, v2  }
0x165: {  	v6 =	vld [tilespmem:s21+$0x4480]  }
0x166: {  	v7 =	vmul.f32 $2.083333210e-03, v5;
	v8 =	vmul.f32 v3, v3;
	v9 =	vld [tilespmem:s21+$0xC480]  }
0x167: {  	v10 =	vld [tilespmem:s21+$0xC580]  }
0x168: {  	v7 =	vadd.f32 $-2.083333210e-02, v7;
	v11 =	vmul.f32 $2.083333210e-03, v8;
	v12 =	vld [tilespmem:s21+$0x4400];
	v13 =	vmul.f32 v4, v4  }
0x169: {  	v14 =	vld [tilespmem:s21+$0xC400]  }
0x16a: {  	v5 =	vmul.f32 v7, v5;
	v7 =	vadd.f32 $-2.083333210e-02, v11;
	v11 =	vmul.f32 $2.083333210e-03, v13  }
0x16b: {  	v15 =	vmul.f32 v6, v6;
	v16 =	vmul.f32 v9, v9  }
0x16c: {  	v7 =	vmul.f32 v7, v8;
	v8 =	vmul.f32 v10, v10  }
0x16d: {  	v5 =	vadd.f32 $2.500000000e-01, v5;
	v17 =	vmul.f32 $2.083333210e-03, v15;
	v18 =	vmul.f32 $2.083333210e-03, v16  }
0x16e: {  	v19 =	vmul.f32 v12, v12;
	v20 =	vmul.f32 v14, v14  }
0x16f: {  	v2 =	vmul.f32 v5, v2;
	v5 =	vadd.f32 $-2.083333210e-02, v17;
	v17 =	vadd.f32 $-2.083333210e-02, v18  }
0x170: {  	v7 =	vadd.f32 $2.500000000e-01, v7;
	v18 =	vmul.f32 $2.083333210e-03, v19;
	v21 =	vmul.f32 $2.083333210e-03, v20  }
0x171: {  	v11 =	vadd.f32 $-2.083333210e-02, v11;
	v5 =	vmul.f32 v5, v15;
	v22 =	vld [tilespmem:s21+$0x14500];
	v15 =	vmul.f32 v17, v16  }
0x172: {  	v3 =	vmul.f32 v7, v3;
	v7 =	vadd.f32 $-2.083333210e-02, v18;
	v16 =	vadd.f32 $-2.083333210e-02, v21  }
0x173: {  	v17 =	vmul.f32 $2.083333210e-03, v8;
	v5 =	vadd.f32 $2.500000000e-01, v5;
	v15 =	vadd.f32 $2.500000000e-01, v15  }
0x174: {  	v2 =	vsub.f32 v2, v3;
	v7 =	vmul.f32 v7, v19;
	v3 =	vld [tilespmem:s21+$0x14480];
	v16 =	vmul.f32 v16, v20  }
0x175: {  	v5 =	vmul.f32 v5, v6;
	v6 =	vmul.f32 v15, v9;
	v9 =	vadd.f32 $-2.083333210e-02, v17  }
0x176: {  	v7 =	vadd.f32 $2.500000000e-01, v7;
	v2 =	vmul.f32 v2, v22;
	v15 =	vadd.f32 $2.500000000e-01, v16  }
0x177: {  	v11 =	vmul.f32 v11, v13;
	v5 =	vsub.f32 v5, v6;
	v6 =	vld [tilespmem:s21+$0x14400];
	v8 =	vmul.f32 v9, v8  }
0x178: {  	v7 =	vmul.f32 v7, v12;
	v2 =	vadd.f32 $0.0e+00, v2;
	v9 =	vmul.f32 v15, v14  }
0x179: {  	v3 =	vmul.f32 v5, v3;
	v5 =	vadd.f32 $2.500000000e-01, v11;
	v8 =	vadd.f32 $2.500000000e-01, v8  }
0x17a: {  	v7 =	vsub.f32 v7, v9;
	v9 =	vld [tilespmem:s21+$0x14580];
	(xrf2) =	vadd.scan.msk.f32 $0xffff, v2  }
0x17b: {  	v2 =	vadd.f32 $0.0e+00, v3;
	v3 =	vmul.f32 v5, v4;
	v4 =	vmul.f32 v8, v10  }
0x17c: {  	v5 =	vmul.f32 v7, v6  }
0x17d: {  	v3 =	vsub.f32 v3, v4;
	(xrf2) =	vadd.scan.msk.f32 $0xffff, v2  }
0x17e: {  	v2 =	vadd.f32 $0.0e+00, v5  }
0x17f: {  	v3 =	vmul.f32 v3, v9  }
0x180: {  	(xrf2) =	vadd.scan.msk.f32 $0xffff, v2  }
0x181: {  	v3 =	vadd.f32 $0.0e+00, v3;
	_ =	sdelay $0x1  }
0x182: {  	(xrf2) =	vadd.scan.msk.f32 $0xffff, v3  }
0x183: {  	v2, _, _ =	vpop (xrf2);
	_ =	sdelay $0x2  }
0x184: {  	v3, _, _ =	vpop (xrf2)  }
0x185: {  	s6 =	sadd.s32 $0x7, s16  }
0x186: {  	s16 =	sadd.s32 $0x4, s16;
	s6 =	sand.u32 $0xF, s6;
	s21 =	sadd.s32 $0x6, s20  }
0x187: {  	s22 =	sand.u32 $0xC, s16;
	s20 =	sadd.s32 $0x5, s20;
	s21 =	sand.u32 $0xE, s21;
	v4 =	vmov s6;
	v5, _, _ =	vpop (xrf2)  }
0x188: {  	p0 =	slt.u32 s16, $0x7C;
	s20 =	sand.u32 $0xD, s20;
	v6 =	vmov s21;
	v7 =	vmov s22;
	v9 =	vbroadcast v5, $0xF  }
.Ltmp1:
0x189: {  	v8 =	vmov s20;
	vm0 =	veq.s32 v7, v0;
	v3 =	vbroadcast v3, $0xF;
	(pc) =	sbr.rel @p0 .LBB2_4-.Ltmp1, $4  }
0x18a: {  	vm1 =	veq.s32 v8, v0;
	v2 =	vbroadcast v2, $0xF;
	v1 =	vsel vm0, v9, v1;
	v5, _, _ =	vpop (xrf2)  }
0x18b: {  	vm0 =	veq.s32 v6, v0;
	v1 =	vsel vm1, v3, v1;
	v3 =	vbroadcast v5, $0xF  }
0x18c: {  	v1 =	vsel vm0, v2, v1;
	vm0 =	veq.s32 v4, v0  }
0x18d: {  	s19 =	sadd.s32 $0x800, s19;
	s18 =	sadd.s32 $0x4, s18;
	p1 =	sne.s32 s6, $0xF;
	v1 =	vsel vm0, v3, v1  }
0x18e: {  	[tilespmem:s18+$0x0] =	vst @!p1 v1  }
0x18f: {  	v1 =	vld [tilespmem:$0x18480];
	_ =	sdelay $0x4  }
0x190: {  	v1 =	vsub.f32 $0.0e+00, v1;
	_ =	sdelay $0x1  }
0x191: {  	v1 =	vmul.f32 $1.442695020e+00, v1;
	_ =	sdelay $0x1  }
0x192: {  	(erf) = vpow2.f32 v1;
	_ =	sdelay $0x8  }
0x193: {  	v1 =	vpop (erf)  }
0x194: {  	v1 =	vadd.f32 $1.000000000e+00, v1;
	_ =	sdelay $0x1  }
0x195: {  	(erf) = vrcp.f32 v1;
	_ =	sdelay $0x6  }
0x196: {  	v1 =	vld [tilespmem:$0x18680];
	_ =	sdelay $0x1  }
0x197: {  	v2 =	vpop (erf)  }
0x198: {  	v2 =	vmul.f32 $1.000000000e+01, v2;
	_ =	sdelay $0x1  }
0x199: {  	v1 =	vmul.f32 v2, v1;
	_ =	sdelay $0x1  }
0x19a: {  	v1 =	vsub.f32 $0.0e+00, v1;
	_ =	sdelay $0x1  }
0x19b: {  	v1 =	vmul.f32 $1.442695020e+00, v1;
	_ =	sdelay $0x1  }
0x19c: {  	(erf) = vpow2.f32 v1;
	_ =	sdelay $0x3  }
0x19d: {  	v1 =	vld [tilespmem:$0x18490];
	_ =	sdelay $0x4  }
0x19e: {  	v1 =	vsub.f32 $0.0e+00, v1;
	v2 =	vpop (erf)  }
0x19f: {  	v2 =	vadd.f32 $1.000000000e+00, v2  }
0x1a0: {  	v1 =	vmul.f32 $1.442695020e+00, v1  }
0x1a1: {  	(erf) = vrcp.f32 v2  }
0x1a2: {  	(erf) = vpow2.f32 v1;
	_ =	sdelay $0x7  }
0x1a3: {  	v1 =	vpop (erf)  }
0x1a4: {  	v2 =	vpop (erf)  }
0x1a5: {  	v2 =	vadd.f32 $1.000000000e+00, v2;
	_ =	sdelay $0x1  }
0x1a6: {  	(erf) = vrcp.f32 v2;
	_ =	sdelay $0x6  }
0x1a7: {  	v2 =	vld [tilespmem:$0x18690];
	_ =	sdelay $0x1  }
0x1a8: {  	v3 =	vpop (erf)  }
0x1a9: {  	v3 =	vmul.f32 $1.000000000e+01, v3;
	_ =	sdelay $0x1  }
0x1aa: {  	v2 =	vmul.f32 v3, v2;
	_ =	sdelay $0x1  }
0x1ab: {  	v2 =	vsub.f32 $0.0e+00, v2;
	_ =	sdelay $0x1  }
0x1ac: {  	v2 =	vmul.f32 $1.442695020e+00, v2;
	_ =	sdelay $0x1  }
0x1ad: {  	(erf) = vpow2.f32 v2;
	_ =	sdelay $0x3  }
0x1ae: {  	v2 =	vld [tilespmem:$0x184A0];
	_ =	sdelay $0x4  }
0x1af: {  	v2 =	vsub.f32 $0.0e+00, v2;
	v3 =	vpop (erf)  }
0x1b0: {  	v3 =	vadd.f32 $1.000000000e+00, v3  }
0x1b1: {  	v2 =	vmul.f32 $1.442695020e+00, v2  }
0x1b2: {  	(erf) = vrcp.f32 v3  }
0x1b3: {  	(erf) = vpow2.f32 v2;
	_ =	sdelay $0x7  }
0x1b4: {  	v2 =	vpop (erf)  }
0x1b5: {  	v3 =	vpop (erf)  }
0x1b6: {  	v3 =	vadd.f32 $1.000000000e+00, v3;
	_ =	sdelay $0x1  }
0x1b7: {  	(erf) = vrcp.f32 v3;
	_ =	sdelay $0x6  }
0x1b8: {  	v3 =	vld [tilespmem:$0x186A0];
	_ =	sdelay $0x1  }
0x1b9: {  	v4 =	vpop (erf)  }
0x1ba: {  	v4 =	vmul.f32 $1.000000000e+01, v4;
	_ =	sdelay $0x1  }
0x1bb: {  	v3 =	vmul.f32 v4, v3;
	_ =	sdelay $0x1  }
0x1bc: {  	v3 =	vsub.f32 $0.0e+00, v3;
	_ =	sdelay $0x1  }
0x1bd: {  	v3 =	vmul.f32 $1.442695020e+00, v3;
	_ =	sdelay $0x1  }
0x1be: {  	(erf) = vpow2.f32 v3;
	_ =	sdelay $0x3  }
0x1bf: {  	v3 =	vld [tilespmem:$0x184B0];
	_ =	sdelay $0x4  }
0x1c0: {  	v3 =	vsub.f32 $0.0e+00, v3;
	v4 =	vpop (erf)  }
0x1c1: {  	v4 =	vadd.f32 $1.000000000e+00, v4  }
0x1c2: {  	v3 =	vmul.f32 $1.442695020e+00, v3  }
0x1c3: {  	(erf) = vrcp.f32 v4  }
0x1c4: {  	(erf) = vpow2.f32 v3;
	_ =	sdelay $0x7  }
0x1c5: {  	v3 =	vpop (erf)  }
0x1c6: {  	v4 =	vpop (erf)  }
0x1c7: {  	v4 =	vadd.f32 $1.000000000e+00, v4;
	_ =	sdelay $0x1  }
0x1c8: {  	(erf) = vrcp.f32 v4;
	_ =	sdelay $0x6  }
0x1c9: {  	v4 =	vld [tilespmem:$0x186B0];
	_ =	sdelay $0x1  }
0x1ca: {  	v5 =	vpop (erf)  }
0x1cb: {  	v5 =	vmul.f32 $1.000000000e+01, v5;
	_ =	sdelay $0x1  }
0x1cc: {  	v4 =	vmul.f32 v5, v4;
	_ =	sdelay $0x1  }
0x1cd: {  	v4 =	vsub.f32 $0.0e+00, v4;
	_ =	sdelay $0x1  }
0x1ce: {  	v4 =	vmul.f32 $1.442695020e+00, v4;
	_ =	sdelay $0x1  }
0x1cf: {  	(erf) = vpow2.f32 v4;
	_ =	sdelay $0x3  }
0x1d0: {  	v4 =	vld [tilespmem:$0x184C0];
	_ =	sdelay $0x4  }
0x1d1: {  	v4 =	vsub.f32 $0.0e+00, v4;
	v5 =	vpop (erf)  }
0x1d2: {  	v5 =	vadd.f32 $1.000000000e+00, v5  }
0x1d3: {  	v4 =	vmul.f32 $1.442695020e+00, v4  }
0x1d4: {  	(erf) = vrcp.f32 v5  }
0x1d5: {  	(erf) = vpow2.f32 v4;
	_ =	sdelay $0x7  }
0x1d6: {  	v4 =	vpop (erf)  }
0x1d7: {  	v5 =	vpop (erf)  }
0x1d8: {  	v5 =	vadd.f32 $1.000000000e+00, v5;
	_ =	sdelay $0x1  }
0x1d9: {  	(erf) = vrcp.f32 v5;
	_ =	sdelay $0x6  }
0x1da: {  	v5 =	vld [tilespmem:$0x186C0];
	_ =	sdelay $0x1  }
0x1db: {  	v6 =	vpop (erf)  }
0x1dc: {  	v6 =	vmul.f32 $1.000000000e+01, v6;
	_ =	sdelay $0x1  }
0x1dd: {  	v5 =	vmul.f32 v6, v5;
	_ =	sdelay $0x1  }
0x1de: {  	v5 =	vsub.f32 $0.0e+00, v5;
	_ =	sdelay $0x1  }
0x1df: {  	v5 =	vmul.f32 $1.442695020e+00, v5;
	_ =	sdelay $0x1  }
0x1e0: {  	(erf) = vpow2.f32 v5;
	_ =	sdelay $0x3  }
0x1e1: {  	v5 =	vld [tilespmem:$0x184D0];
	_ =	sdelay $0x4  }
0x1e2: {  	v5 =	vsub.f32 $0.0e+00, v5;
	v34 =	vpop (erf)  }
0x1e3: {  	v6 =	vadd.f32 $1.000000000e+00, v34  }
0x1e4: {  	v5 =	vmul.f32 $1.442695020e+00, v5  }
0x1e5: {  	(erf) = vrcp.f32 v6  }
0x1e6: {  	(erf) = vpow2.f32 v5;
	_ =	sdelay $0x7  }
0x1e7: {  	v5 =	vpop (erf)  }
0x1e8: {  	v35 =	vpop (erf)  }
0x1e9: {  	v6 =	vadd.f32 $1.000000000e+00, v35;
	_ =	sdelay $0x1  }
0x1ea: {  	(erf) = vrcp.f32 v6;
	_ =	sdelay $0x6  }
0x1eb: {  	v36 =	vld [tilespmem:$0x186D0];
	_ =	sdelay $0x1  }
0x1ec: {  	v7 =	vpop (erf)  }
0x1ed: {  	v7 =	vmul.f32 $1.000000000e+01, v7;
	_ =	sdelay $0x1  }
0x1ee: {  	v6 =	vmul.f32 v7, v36;
	_ =	sdelay $0x1  }
0x1ef: {  	v6 =	vsub.f32 $0.0e+00, v6;
	_ =	sdelay $0x1  }
0x1f0: {  	v6 =	vmul.f32 $1.442695020e+00, v6;
	_ =	sdelay $0x1  }
0x1f1: {  	(erf) = vpow2.f32 v6;
	_ =	sdelay $0x3  }
0x1f2: {  	v37 =	vld [tilespmem:$0x184E0];
	_ =	sdelay $0x4  }
0x1f3: {  	v6 =	vsub.f32 $0.0e+00, v37;
	v38 =	vpop (erf)  }
0x1f4: {  	v7 =	vadd.f32 $1.000000000e+00, v38  }
0x1f5: {  	v6 =	vmul.f32 $1.442695020e+00, v6  }
0x1f6: {  	(erf) = vrcp.f32 v7  }
0x1f7: {  	(erf) = vpow2.f32 v6;
	_ =	sdelay $0x7  }
0x1f8: {  	v39 =	vpop (erf)  }
0x1f9: {  	v40 =	vpop (erf)  }
0x1fa: {  	v7 =	vadd.f32 $1.000000000e+00, v40;
	_ =	sdelay $0x1  }
0x1fb: {  	(erf) = vrcp.f32 v7;
	_ =	sdelay $0x6  }
0x1fc: {  	v41 =	vld [tilespmem:$0x186E0];
	_ =	sdelay $0x1  }
0x1fd: {  	v8 =	vpop (erf)  }
0x1fe: {  	v8 =	vmul.f32 $1.000000000e+01, v8;
	_ =	sdelay $0x1  }
0x1ff: {  	v7 =	vmul.f32 v8, v41;
	_ =	sdelay $0x1  }
0x200: {  	v7 =	vsub.f32 $0.0e+00, v7;
	_ =	sdelay $0x1  }
0x201: {  	v7 =	vmul.f32 $1.442695020e+00, v7;
	_ =	sdelay $0x1  }
0x202: {  	(erf) = vpow2.f32 v7;
	_ =	sdelay $0x3  }
0x203: {  	v42 =	vld [tilespmem:$0x184F0];
	_ =	sdelay $0x4  }
0x204: {  	v7 =	vsub.f32 $0.0e+00, v42;
	v43 =	vpop (erf)  }
0x205: {  	v8 =	vadd.f32 $1.000000000e+00, v43  }
0x206: {  	v7 =	vmul.f32 $1.442695020e+00, v7  }
0x207: {  	(erf) = vrcp.f32 v8  }
0x208: {  	(erf) = vpow2.f32 v7;
	_ =	sdelay $0x7  }
0x209: {  	v44 =	vpop (erf)  }
0x20a: {  	v45 =	vpop (erf)  }
0x20b: {  	v8 =	vadd.f32 $1.000000000e+00, v45;
	_ =	sdelay $0x1  }
0x20c: {  	(erf) = vrcp.f32 v8;
	_ =	sdelay $0x6  }
0x20d: {  	v46 =	vld [tilespmem:$0x186F0];
	_ =	sdelay $0x1  }
0x20e: {  	v9 =	vpop (erf)  }
0x20f: {  	v9 =	vmul.f32 $1.000000000e+01, v9;
	_ =	sdelay $0x1  }
0x210: {  	v8 =	vmul.f32 v9, v46;
	_ =	sdelay $0x1  }
0x211: {  	v8 =	vsub.f32 $0.0e+00, v8;
	_ =	sdelay $0x1  }
0x212: {  	v8 =	vmul.f32 $1.442695020e+00, v8;
	_ =	sdelay $0x1  }
0x213: {  	(erf) = vpow2.f32 v8;
	_ =	sdelay $0x8  }
0x214: {  	v8 =	vpop (erf)  }
0x215: {  	v8 =	vadd.f32 $1.000000000e+00, v8;
	_ =	sdelay $0x1  }
0x216: {  	(erf) = vrcp.f32 v8;
	_ =	sdelay $0x2  }
0x217: {  	[tilespmem:$0x18680] =	vst v1  }
0x218: {  	[tilespmem:$0x18690] =	vst v2  }
0x219: {  	[tilespmem:$0x186A0] =	vst v3  }
0x21a: {  	[tilespmem:$0x186B0] =	vst v4  }
0x21b: {  	[tilespmem:$0x186C0] =	vst v5  }
0x21c: {  	[tilespmem:$0x186D0] =	vst v39  }
0x21d: {  	[tilespmem:$0x186E0] =	vst v44;
	v1 =	vpop (erf)  }
0x21e: {  	s6 =	simm.s32 $0x4400;
	s16 =	simm.s32 $0x180;
	[tilespmem:$0x186F0] =	vst v1  }
0x21f: {  	[tilespmem:s6], [sflag:$0x5] =	stream.indirect.gather [hbm4b:s1+s17], $0x80, s16, s17, $0xb8;
	[tilespmem:$0x18800] =	vst v63  }
0x220: {  	s23 =	simm.s32 $0xC400;
	s24 =	simm.s32 $0x380  }
0x221: {  	[tilespmem:s23], [sflag:$0x6] =	stream.indirect.gather [hbm4b:s2+s17], $0x80, s24, s17, $0xb8;
	[tilespmem:$0x18800] =	vst v63  }
0x222: {  	s18 =	simm.s32 $0x14400  }
0x223: {  	[tilespmem:s18], [sflag:$0x7] =	stream.linear.gather [hbm4b:s11+s5], $0x4000, $0x38;
	[tilespmem:$0x18800] =	vst v63  }
0x224: {  	_ =	swait.ge [sflag:s26], $0x4000  }
0x225: {  	[sflag:s26] =	ssyncset.done $0x0  }
0x226: {  	[sflag:s26] =	ssyncadd.s32 $0xFFFFC000  }
0x227: {  	_ =	swait.ge [sflag:s28], $0x4000  }
0x228: {  	[sflag:s28] =	ssyncset.done $0x0  }
0x229: {  	[sflag:s28] =	ssyncadd.s32 $0xFFFFC000  }
0x22a: {  	_ =	swait.ge [sflag:s29], $0x4000  }
0x22b: {  	[sflag:s29] =	ssyncset.done $0x0  }
0x22c: {  	s19 =	simm.s32 $0x8500;
	[sflag:s29] =	ssyncadd.s32 $0xFFFFC000  }
0x22d: {  	v1 =	vld [tilespmem:s19+$0xFFFFFF80]  }
0x22e: {  	s16 =	simm.s32 $0x500;
	v2 =	vld [tilespmem:s19+$0xFFFFFF00]  }
0x22f: {  	v3 =	vld [tilespmem:s16+$0xFFFFFF00]  }
0x230: {  	v4 =	vld [tilespmem:s16+$0xFFFFFF80]  }
0x231: {  	v5 =	vld [tilespmem:s19+$0x0]  }
0x232: {  	v48 =	vld [tilespmem:s16+$0x0];
	_ =	sdelay $0x2  }
0x233: {  	v47 =	vmul.f32 v1, v1;
	v49 =	vmul.f32 v2, v2  }
0x234: {  	v10 =	vmul.f32 v3, v3;
	v11 =	vmul.f32 v4, v4  }
0x235: {  	v13 =	vmul.f32 v5, v5;
	v17 =	vmul.f32 v48, v48  }
0x236: {  	v12 =	vmul.f32 $2.083333210e-03, v49;
	v14 =	vmul.f32 $2.083333210e-03, v10  }
0x237: {  	v50 =	vmul.f32 $2.083333210e-03, v47;
	v16 =	vmul.f32 $2.083333210e-03, v11  }
0x238: {  	v18 =	vmul.f32 $2.083333210e-03, v13;
	v12 =	vadd.f32 $-2.083333210e-02, v12;
	v14 =	vadd.f32 $-2.083333210e-02, v14  }
0x239: {  	v52 =	vmul.f32 $2.083333210e-03, v17;
	v9 =	vadd.f32 $-2.083333210e-02, v50;
	v51 =	vadd.f32 $-2.083333210e-02, v16  }
0x23a: {  	v53 =	vadd.f32 $-2.083333210e-02, v18;
	v8 =	vmul.f32 v12, v49;
	v10 =	vmul.f32 v14, v10  }
0x23b: {  	v15 =	vld [tilespmem:s19+$0x80];
	v6 =	vmul.f32 v9, v47;
	v9 =	vmul.f32 v51, v11;
	v12 =	vadd.f32 $-2.083333210e-02, v52  }
0x23c: {  	s20 =	simm.s32 $0x10500;
	v54 =	vld [tilespmem:s16+$0x80];
	v13 =	vmul.f32 v53, v13;
	v8 =	vadd.f32 $2.500000000e-01, v8;
	v10 =	vadd.f32 $2.500000000e-01, v10  }
0x23d: {  	v56 =	vld [tilespmem:s20+$0xFFFFFF00];
	v6 =	vadd.f32 $2.500000000e-01, v6;
	v9 =	vadd.f32 $2.500000000e-01, v9;
	v58 =	vmul.f32 v12, v17  }
0x23e: {  	v2 =	vmul.f32 v8, v2;
	v3 =	vmul.f32 v10, v3  }
0x23f: {  	v57 =	vld [tilespmem:s20+$0xFFFFFF80];
	v59 =	vadd.f32 $2.500000000e-01, v13;
	v1 =	vmul.f32 v6, v1;
	v4 =	vmul.f32 v9, v4  }
0x240: {  	v55 =	vmul.f32 v15, v15;
	v2 =	vsub.f32 v3, v2;
	v3 =	vadd.f32 $2.500000000e-01, v58  }
0x241: {  	v60 =	vmul.f32 v54, v54;
	v5 =	vmul.f32 v59, v5;
	v1 =	vsub.f32 v4, v1;
	v4 =	vld [tilespmem:s20+$0x0]  }
0x242: {  	v2 =	vmul.f32 v2, v56;
	v3 =	vmul.f32 v3, v48  }
0x243: {  	v61 =	vmul.f32 $2.083333210e-03, v55;
	v62 =	vmul.f32 $2.083333210e-03, v60  }
0x244: {  	v1 =	vmul.f32 v1, v57;
	v2 =	vadd.f32 $0.0e+00, v2;
	v3 =	vsub.f32 v3, v5  }
0x245: {  	v63 =	vadd.f32 $-2.083333210e-02, v61;
	v5 =	vadd.f32 $-2.083333210e-02, v62  }
0x246: {  	v1 =	vadd.f32 $0.0e+00, v1;
	(xrf2) =	vadd.scan.msk.f32 $0xffff, v2;
	v2 =	vmul.f32 v3, v4  }
0x247: {  	v3 =	vmul.f32 v63, v55;
	v4 =	vmul.f32 v5, v60  }
0x248: {  	(xrf2) =	vadd.scan.msk.f32 $0xffff, v1;
	v1 =	vadd.f32 $0.0e+00, v2  }
0x249: {  	v2 =	vadd.f32 $2.500000000e-01, v3;
	v3 =	vadd.f32 $2.500000000e-01, v4  }
0x24a: {  	v4 =	vld [tilespmem:s20+$0x80]  }
0x24b: {  	(xrf2) =	vadd.scan.msk.f32 $0xffff, v1;
	v1 =	vmul.f32 v2, v15;
	v2 =	vmul.f32 v3, v54;
	_ =	sdelay $0x1  }
0x24c: {  	v1 =	vsub.f32 v2, v1;
	_ =	sdelay $0x1  }
0x24d: {  	v1 =	vmul.f32 v1, v4;
	_ =	sdelay $0x1  }
0x24e: {  	v1 =	vadd.f32 $0.0e+00, v1;
	_ =	sdelay $0x1  }
0x24f: {  	s22 =	simm.s32 $0x0;
	v3, _, _ =	vpop (xrf2);
	(xrf2) =	vadd.scan.msk.f32 $0xffff, v1  }
0x250: {  	s21 =	sand.u32 $0xC, s22;
	s23 =	simm.s32 $0x1;
	v3 =	vbroadcast v3, $0xF  }
0x251: {  	s24 =	sand.u32 $0xD, s23;
	v2 =	vimm.f32 $0.0e+00;
	v4 =	vmov s21;
	v5, _, _ =	vpop (xrf2)  }
0x252: {  	vm0 =	veq.s32 v4, v0;
	v4 =	vmov s24;
	v5 =	vbroadcast v5, $0xF  }
0x253: {  	s30 =	simm.s32 $0x186F4;
	s18 =	simm.s32 $0xFFFFFFFC;
	vm15 =	veq.s32 v4, v0;
	v2 =	vsel vm0, v3, v2  }
0x254: {  	s19 =	simm.s32 $0x186F4;
	s20 =	simm.s32 $0x8700;
	s21 =	simm.s32 $0x10700;
	v2 =	vsel vm15, v5, v2;
	v3, _, _ =	vpop (xrf2)  }
.LBB2_6:
0x255: {  	s19 =	sadd.s32 $0x4, s19  }
0x256: {  	s16 =	sadd.s32 $0x200, s16;
	s6 =	smov.u32 s22;
	s22 =	sadd.s32 $0x4, s22  }
0x257: {  	s24 =	sadd.s32 $0x6, s18;
	s23 =	sand.u32 $0xC, s22;
	p0 =	slt.u32 s22, $0x7C  }
0x258: {  	v1 =	vmov s23;
	s23 =	sand.u32 $0xE, s24;
	s24 =	sadd.s32 $0x7, s18;
	s18 =	smov.u32 s6  }
0x259: {  	v3 =	vbroadcast v3, $0xF;
	v4 =	vmov s23;
	s6 =	sand.u32 $0xF, s24;
	v5, _, _ =	vpop (xrf2)  }
0x25a: {  	vm0 =	veq.s32 v4, v0;
	v4 =	vmov s6;
	v5 =	vbroadcast v5, $0xF  }
0x25b: {  	v2 =	vsel vm0, v3, v2;
	vm0 =	veq.s32 v4, v0  }
0x25c: {  	p1 =	sne.s32 s6, $0xF;
	v2 =	vsel vm0, v5, v2  }
0x25d: {  	[tilespmem:s30+$0x0] =	vst @!p1 v2;
	s30 =	smov.u32 s19  }
0x25e: {  	v3 =	vld [tilespmem:s20+$0xFFFFFF80]  }
0x25f: {  	v4 =	vld [tilespmem:s20+$0xFFFFFF00]  }
0x260: {  	v5 =	vld [tilespmem:s16+$0xFFFFFF00]  }
0x261: {  	v6 =	vld [tilespmem:s16+$0xFFFFFF80]  }
0x262: {  	v7 =	vld [tilespmem:s20+$0x0]  }
0x263: {  	v8 =	vld [tilespmem:s16+$0x0];
	v9 =	vmul.f32 v3, v3  }
0x264: {  	v10 =	vmul.f32 v4, v4  }
0x265: {  	v11 =	vmul.f32 $2.083333210e-03, v9;
	v12 =	vmul.f32 v5, v5  }
0x266: {  	v13 =	vmul.f32 v6, v6;
	v14 =	vmul.f32 $2.083333210e-03, v10;
	v15 =	vld [tilespmem:s20+$0x80]  }
0x267: {  	v16 =	vmul.f32 v7, v7;
	v11 =	vadd.f32 $-2.083333210e-02, v11;
	v17 =	vmul.f32 $2.083333210e-03, v12;
	v18 =	vld [tilespmem:s16+$0x80]  }
0x268: {  	v19 =	vmul.f32 v8, v8;
	v20 =	vmul.f32 $2.083333210e-03, v13;
	v14 =	vadd.f32 $-2.083333210e-02, v14  }
0x269: {  	v21 =	vmul.f32 $2.083333210e-03, v16;
	v9 =	vmul.f32 v11, v9;
	v11 =	vadd.f32 $-2.083333210e-02, v17  }
0x26a: {  	v17 =	vmul.f32 $2.083333210e-03, v19;
	v20 =	vadd.f32 $-2.083333210e-02, v20;
	v10 =	vmul.f32 v14, v10  }
0x26b: {  	v14 =	vadd.f32 $-2.083333210e-02, v21;
	v9 =	vadd.f32 $2.500000000e-01, v9;
	v11 =	vmul.f32 v11, v12  }
0x26c: {  	v12 =	vmul.f32 v20, v13;
	v10 =	vadd.f32 $2.500000000e-01, v10;
	v13 =	vmul.f32 v15, v15  }
0x26d: {  	v17 =	vadd.f32 $-2.083333210e-02, v17;
	v3 =	vmul.f32 v9, v3;
	v9 =	vadd.f32 $2.500000000e-01, v11  }
0x26e: {  	v11 =	vmul.f32 v14, v16;
	v12 =	vadd.f32 $2.500000000e-01, v12;
	v14 =	vld [tilespmem:s21+$0xFFFFFF00];
	v4 =	vmul.f32 v10, v4  }
0x26f: {  	v10 =	vld [tilespmem:s21+$0xFFFFFF80];
	v5 =	vmul.f32 v9, v5;
	v9 =	vmul.f32 v18, v18  }
0x270: {  	v11 =	vadd.f32 $2.500000000e-01, v11;
	v6 =	vmul.f32 v12, v6;
	v12 =	vmul.f32 $2.083333210e-03, v13  }
0x271: {  	v16 =	vmul.f32 v17, v19;
	v4 =	vsub.f32 v5, v4;
	v5 =	vmul.f32 $2.083333210e-03, v9  }
0x272: {  	v7 =	vmul.f32 v11, v7;
	v3 =	vsub.f32 v6, v3;
	v6 =	vadd.f32 $-2.083333210e-02, v12  }
0x273: {  	v11 =	vadd.f32 $2.500000000e-01, v16;
	v4 =	vmul.f32 v4, v14;
	v5 =	vadd.f32 $-2.083333210e-02, v5  }
0x274: {  	v12 =	vld [tilespmem:s21+$0x0];
	v3 =	vmul.f32 v3, v10;
	v6 =	vmul.f32 v6, v13  }
0x275: {  	v8 =	vmul.f32 v11, v8;
	v4 =	vadd.f32 $0.0e+00, v4;
	v5 =	vmul.f32 v5, v9  }
0x276: {  	v3 =	vadd.f32 $0.0e+00, v3;
	v6 =	vadd.f32 $2.500000000e-01, v6  }
0x277: {  	v7 =	vsub.f32 v8, v7;
	v5 =	vadd.f32 $2.500000000e-01, v5;
	(xrf2) =	vadd.scan.msk.f32 $0xffff, v4  }
0x278: {  	v4 =	vld [tilespmem:s21+$0x80];
	v6 =	vmul.f32 v6, v15  }
0x279: {  	v7 =	vmul.f32 v7, v12;
	v5 =	vmul.f32 v5, v18  }
0x27a: {  	(xrf2) =	vadd.scan.msk.f32 $0xffff, v3  }
0x27b: {  	v3 =	vadd.f32 $0.0e+00, v7;
	v5 =	vsub.f32 v5, v6;
	_ =	sdelay $0x1  }
0x27c: {  	v4 =	vmul.f32 v5, v4;
	(xrf2) =	vadd.scan.msk.f32 $0xffff, v3;
	_ =	sdelay $0x1  }
0x27d: {  	v3 =	vadd.f32 $0.0e+00, v4;
	_ =	sdelay $0x1  }
0x27e: {  	v4, _, _ =	vpop (xrf2);
	(xrf2) =	vadd.scan.msk.f32 $0xffff, v3  }
0x27f: {  	v3 =	vbroadcast v4, $0xF  }
.Ltmp2:
0x280: {  	s6 =	sadd.s32 $0x5, s18;
	vm0 =	veq.s32 v1, v0;
	(pc) =	sbr.rel @p0 .LBB2_6-.Ltmp2, $4  }
0x281: {  	s6 =	sand.u32 $0xD, s6;
	v1 =	vsel vm0, v3, v2;
	v2, _, _ =	vpop (xrf2)  }
0x282: {  	v4 =	vmov s6;
	v2 =	vbroadcast v2, $0xF  }
0x283: {  	vm0 =	veq.s32 v4, v0  }
0x284: {  	s20 =	sadd.s32 $0x200, s20;
	s21 =	sadd.s32 $0x200, s21;
	v2 =	vsel vm0, v2, v1;
	v3, _, _ =	vpop (xrf2)  }
0x285: {  	_ = 	snop  }
0x286: {  	s6 =	sadd.s32 $0x6, s18  }
0x287: {  	s16 =	sadd.s32 $0x7, s18;
	s6 =	sand.u32 $0xE, s6  }
0x288: {  	v3 =	vbroadcast v3, $0xF;
	s21 =	sand.u32 $0xF, s16;
	v1 =	vmov s6;
	v4, _, _ =	vpop (xrf2)  }
0x289: {  	vm0 =	veq.s32 v1, v0;
	v1 =	vmov s21;
	v4 =	vbroadcast v4, $0xF  }
0x28a: {  	v2 =	vsel vm0, v3, v2;
	vm12 =	veq.s32 v1, v0  }
0x28b: {  	p0 =	sne.s32 s21, $0xF;
	v1 =	vsel vm12, v4, v2  }
0x28c: {  	[tilespmem:s30+$0x0] =	vst @!p0 v1  }
0x28d: {  	v1 =	vld [tilespmem:$0x18500];
	_ =	sdelay $0x4  }
0x28e: {  	v1 =	vsub.f32 $0.0e+00, v1;
	_ =	sdelay $0x1  }
0x28f: {  	v1 =	vmul.f32 $1.442695020e+00, v1;
	_ =	sdelay $0x1  }
0x290: {  	(erf) = vpow2.f32 v1;
	_ =	sdelay $0x8  }
0x291: {  	v1 =	vpop (erf)  }
0x292: {  	v1 =	vadd.f32 $1.000000000e+00, v1;
	_ =	sdelay $0x1  }
0x293: {  	(erf) = vrcp.f32 v1;
	_ =	sdelay $0x6  }
0x294: {  	v1 =	vld [tilespmem:$0x18700];
	_ =	sdelay $0x1  }
0x295: {  	v2 =	vpop (erf)  }
0x296: {  	v2 =	vmul.f32 $1.000000000e+01, v2;
	_ =	sdelay $0x1  }
0x297: {  	v1 =	vmul.f32 v2, v1;
	_ =	sdelay $0x1  }
0x298: {  	v1 =	vsub.f32 $0.0e+00, v1;
	_ =	sdelay $0x1  }
0x299: {  	v1 =	vmul.f32 $1.442695020e+00, v1;
	_ =	sdelay $0x1  }
0x29a: {  	(erf) = vpow2.f32 v1;
	_ =	sdelay $0x3  }
0x29b: {  	v1 =	vld [tilespmem:$0x18510];
	_ =	sdelay $0x4  }
0x29c: {  	v1 =	vsub.f32 $0.0e+00, v1;
	v2 =	vpop (erf)  }
0x29d: {  	v2 =	vadd.f32 $1.000000000e+00, v2  }
0x29e: {  	v1 =	vmul.f32 $1.442695020e+00, v1  }
0x29f: {  	(erf) = vrcp.f32 v2  }
0x2a0: {  	(erf) = vpow2.f32 v1;
	_ =	sdelay $0x7  }
0x2a1: {  	v1 =	vpop (erf)  }
0x2a2: {  	v2 =	vpop (erf)  }
0x2a3: {  	v2 =	vadd.f32 $1.000000000e+00, v2;
	_ =	sdelay $0x1  }
0x2a4: {  	(erf) = vrcp.f32 v2;
	_ =	sdelay $0x6  }
0x2a5: {  	v2 =	vld [tilespmem:$0x18710];
	_ =	sdelay $0x1  }
0x2a6: {  	v3 =	vpop (erf)  }
0x2a7: {  	v3 =	vmul.f32 $1.000000000e+01, v3;
	_ =	sdelay $0x1  }
0x2a8: {  	v2 =	vmul.f32 v3, v2;
	_ =	sdelay $0x1  }
0x2a9: {  	v2 =	vsub.f32 $0.0e+00, v2;
	_ =	sdelay $0x1  }
0x2aa: {  	v2 =	vmul.f32 $1.442695020e+00, v2;
	_ =	sdelay $0x1  }
0x2ab: {  	(erf) = vpow2.f32 v2;
	_ =	sdelay $0x3  }
0x2ac: {  	v2 =	vld [tilespmem:$0x18520];
	_ =	sdelay $0x4  }
0x2ad: {  	v2 =	vsub.f32 $0.0e+00, v2;
	v3 =	vpop (erf)  }
0x2ae: {  	v3 =	vadd.f32 $1.000000000e+00, v3  }
0x2af: {  	v2 =	vmul.f32 $1.442695020e+00, v2  }
0x2b0: {  	(erf) = vrcp.f32 v3  }
0x2b1: {  	(erf) = vpow2.f32 v2;
	_ =	sdelay $0x7  }
0x2b2: {  	v2 =	vpop (erf)  }
0x2b3: {  	v3 =	vpop (erf)  }
0x2b4: {  	v3 =	vadd.f32 $1.000000000e+00, v3;
	_ =	sdelay $0x1  }
0x2b5: {  	(erf) = vrcp.f32 v3;
	_ =	sdelay $0x6  }
0x2b6: {  	v3 =	vld [tilespmem:$0x18720];
	_ =	sdelay $0x1  }
0x2b7: {  	v9 =	vpop (erf)  }
0x2b8: {  	v4 =	vmul.f32 $1.000000000e+01, v9;
	_ =	sdelay $0x1  }
0x2b9: {  	v3 =	vmul.f32 v4, v3;
	_ =	sdelay $0x1  }
0x2ba: {  	v3 =	vsub.f32 $0.0e+00, v3;
	_ =	sdelay $0x1  }
0x2bb: {  	v3 =	vmul.f32 $1.442695020e+00, v3;
	_ =	sdelay $0x1  }
0x2bc: {  	(erf) = vpow2.f32 v3;
	_ =	sdelay $0x3  }
0x2bd: {  	v3 =	vld [tilespmem:$0x18530];
	_ =	sdelay $0x4  }
0x2be: {  	v3 =	vsub.f32 $0.0e+00, v3;
	v10 =	vpop (erf)  }
0x2bf: {  	v4 =	vadd.f32 $1.000000000e+00, v10  }
0x2c0: {  	v3 =	vmul.f32 $1.442695020e+00, v3  }
0x2c1: {  	(erf) = vrcp.f32 v4  }
0x2c2: {  	(erf) = vpow2.f32 v3;
	_ =	sdelay $0x7  }
0x2c3: {  	v3 =	vpop (erf)  }
0x2c4: {  	v11 =	vpop (erf)  }
0x2c5: {  	v4 =	vadd.f32 $1.000000000e+00, v11;
	_ =	sdelay $0x1  }
0x2c6: {  	(erf) = vrcp.f32 v4;
	_ =	sdelay $0x6  }
0x2c7: {  	v12 =	vld [tilespmem:$0x18730];
	_ =	sdelay $0x1  }
0x2c8: {  	v5 =	vpop (erf)  }
0x2c9: {  	v5 =	vmul.f32 $1.000000000e+01, v5;
	_ =	sdelay $0x1  }
0x2ca: {  	v4 =	vmul.f32 v5, v12;
	_ =	sdelay $0x1  }
0x2cb: {  	v4 =	vsub.f32 $0.0e+00, v4;
	_ =	sdelay $0x1  }
0x2cc: {  	v4 =	vmul.f32 $1.442695020e+00, v4;
	_ =	sdelay $0x1  }
0x2cd: {  	(erf) = vpow2.f32 v4;
	_ =	sdelay $0x3  }
0x2ce: {  	v13 =	vld [tilespmem:$0x18540];
	_ =	sdelay $0x4  }
0x2cf: {  	v4 =	vsub.f32 $0.0e+00, v13;
	v14 =	vpop (erf)  }
0x2d0: {  	v5 =	vadd.f32 $1.000000000e+00, v14  }
0x2d1: {  	v4 =	vmul.f32 $1.442695020e+00, v4  }
0x2d2: {  	(erf) = vrcp.f32 v5  }
0x2d3: {  	(erf) = vpow2.f32 v4;
	_ =	sdelay $0x7  }
0x2d4: {  	v15 =	vpop (erf)  }
0x2d5: {  	v16 =	vpop (erf)  }
0x2d6: {  	v5 =	vadd.f32 $1.000000000e+00, v16;
	_ =	sdelay $0x1  }
0x2d7: {  	(erf) = vrcp.f32 v5;
	_ =	sdelay $0x6  }
0x2d8: {  	v17 =	vld [tilespmem:$0x18740];
	_ =	sdelay $0x1  }
0x2d9: {  	v6 =	vpop (erf)  }
0x2da: {  	v6 =	vmul.f32 $1.000000000e+01, v6;
	_ =	sdelay $0x1  }
0x2db: {  	v5 =	vmul.f32 v6, v17;
	_ =	sdelay $0x1  }
0x2dc: {  	v5 =	vsub.f32 $0.0e+00, v5;
	_ =	sdelay $0x1  }
0x2dd: {  	v5 =	vmul.f32 $1.442695020e+00, v5;
	_ =	sdelay $0x1  }
0x2de: {  	(erf) = vpow2.f32 v5;
	_ =	sdelay $0x3  }
0x2df: {  	v18 =	vld [tilespmem:$0x18550];
	_ =	sdelay $0x4  }
0x2e0: {  	v5 =	vsub.f32 $0.0e+00, v18;
	v19 =	vpop (erf)  }
0x2e1: {  	v6 =	vadd.f32 $1.000000000e+00, v19  }
0x2e2: {  	v5 =	vmul.f32 $1.442695020e+00, v5  }
0x2e3: {  	(erf) = vrcp.f32 v6  }
0x2e4: {  	(erf) = vpow2.f32 v5;
	_ =	sdelay $0x7  }
0x2e5: {  	v20 =	vpop (erf)  }
0x2e6: {  	v21 =	vpop (erf)  }
0x2e7: {  	v6 =	vadd.f32 $1.000000000e+00, v21;
	_ =	sdelay $0x1  }
0x2e8: {  	(erf) = vrcp.f32 v6;
	_ =	sdelay $0x6  }
0x2e9: {  	v22 =	vld [tilespmem:$0x18750];
	_ =	sdelay $0x1  }
0x2ea: {  	v7 =	vpop (erf)  }
0x2eb: {  	v7 =	vmul.f32 $1.000000000e+01, v7;
	_ =	sdelay $0x1  }
0x2ec: {  	v6 =	vmul.f32 v7, v22;
	_ =	sdelay $0x1  }
0x2ed: {  	v6 =	vsub.f32 $0.0e+00, v6;
	_ =	sdelay $0x1  }
0x2ee: {  	v6 =	vmul.f32 $1.442695020e+00, v6;
	_ =	sdelay $0x1  }
0x2ef: {  	(erf) = vpow2.f32 v6;
	_ =	sdelay $0x3  }
0x2f0: {  	v23 =	vld [tilespmem:$0x18560];
	_ =	sdelay $0x4  }
0x2f1: {  	v6 =	vsub.f32 $0.0e+00, v23;
	v24 =	vpop (erf)  }
0x2f2: {  	v7 =	vadd.f32 $1.000000000e+00, v24  }
0x2f3: {  	v6 =	vmul.f32 $1.442695020e+00, v6  }
0x2f4: {  	(erf) = vrcp.f32 v7  }
0x2f5: {  	(erf) = vpow2.f32 v6;
	_ =	sdelay $0x7  }
0x2f6: {  	v25 =	vpop (erf)  }
0x2f7: {  	v26 =	vpop (erf)  }
0x2f8: {  	v7 =	vadd.f32 $1.000000000e+00, v26;
	_ =	sdelay $0x1  }
0x2f9: {  	(erf) = vrcp.f32 v7;
	_ =	sdelay $0x6  }
0x2fa: {  	v27 =	vld [tilespmem:$0x18760];
	_ =	sdelay $0x1  }
0x2fb: {  	v8 =	vpop (erf)  }
0x2fc: {  	v8 =	vmul.f32 $1.000000000e+01, v8;
	_ =	sdelay $0x1  }
0x2fd: {  	v7 =	vmul.f32 v8, v27;
	_ =	sdelay $0x1  }
0x2fe: {  	v7 =	vsub.f32 $0.0e+00, v7;
	_ =	sdelay $0x1  }
0x2ff: {  	v7 =	vmul.f32 $1.442695020e+00, v7;
	_ =	sdelay $0x1  }
0x300: {  	(erf) = vpow2.f32 v7;
	_ =	sdelay $0x3  }
0x301: {  	v28 =	vld [tilespmem:$0x18570];
	_ =	sdelay $0x4  }
0x302: {  	v7 =	vsub.f32 $0.0e+00, v28;
	v29 =	vpop (erf)  }
0x303: {  	v8 =	vadd.f32 $1.000000000e+00, v29  }
0x304: {  	v7 =	vmul.f32 $1.442695020e+00, v7  }
0x305: {  	(erf) = vrcp.f32 v8  }
0x306: {  	(erf) = vpow2.f32 v7;
	_ =	sdelay $0x7  }
0x307: {  	v30 =	vpop (erf)  }
0x308: {  	v31 =	vpop (erf)  }
0x309: {  	v8 =	vadd.f32 $1.000000000e+00, v31;
	_ =	sdelay $0x1  }
0x30a: {  	(erf) = vrcp.f32 v8;
	_ =	sdelay $0x6  }
0x30b: {  	v32 =	vld [tilespmem:$0x18770];
	_ =	sdelay $0x1  }
0x30c: {  	v9 =	vpop (erf)  }
0x30d: {  	v9 =	vmul.f32 $1.000000000e+01, v9;
	_ =	sdelay $0x1  }
0x30e: {  	v8 =	vmul.f32 v9, v32;
	_ =	sdelay $0x1  }
0x30f: {  	v8 =	vsub.f32 $0.0e+00, v8;
	_ =	sdelay $0x1  }
0x310: {  	v8 =	vmul.f32 $1.442695020e+00, v8;
	_ =	sdelay $0x1  }
0x311: {  	(erf) = vpow2.f32 v8;
	_ =	sdelay $0x8  }
0x312: {  	v8 =	vpop (erf)  }
0x313: {  	v8 =	vadd.f32 $1.000000000e+00, v8;
	_ =	sdelay $0x1  }
0x314: {  	(erf) = vrcp.f32 v8;
	_ =	sdelay $0x2  }
0x315: {  	[tilespmem:$0x18700] =	vst v1  }
0x316: {  	[tilespmem:$0x18710] =	vst v2  }
0x317: {  	[tilespmem:$0x18720] =	vst v3  }
0x318: {  	[tilespmem:$0x18730] =	vst v15  }
0x319: {  	[tilespmem:$0x18740] =	vst v20  }
0x31a: {  	[tilespmem:$0x18750] =	vst v25  }
0x31b: {  	[tilespmem:$0x18760] =	vst v30;
	v1 =	vpop (erf)  }
0x31c: {  	[tilespmem:$0x18770] =	vst v1  }
0x31d: {  	_ =	swait.ge [sflag:s0], $0x4000  }
0x31e: {  	[sflag:s0] =	ssyncset.done $0x0  }
0x31f: {  	[sflag:s0] =	ssyncadd.s32 $0xFFFFC000  }
0x320: {  	_ =	swait.ge [sflag:s4], $0x4000  }
0x321: {  	[sflag:s4] =	ssyncset.done $0x0  }
0x322: {  	[sflag:s4] =	ssyncadd.s32 $0xFFFFC000  }
0x323: {  	_ =	swait.ge [sflag:s3], $0x4000  }
0x324: {  	[sflag:s3] =	ssyncset.done $0x0  }
0x325: {  	s22 =	simm.s32 $0x0;
	[sflag:s3] =	ssyncadd.s32 $0xFFFFC000  }
0x326: {  	v1 =	vld [tilespmem:s22+$0x4500]  }
0x327: {  	v2 =	vld [tilespmem:s22+$0xC500]  }
0x328: {  	v3 =	vld [tilespmem:s22+$0x4580]  }
0x329: {  	v34 =	vld [tilespmem:s22+$0x4480]  }
0x32a: {  	v37 =	vld [tilespmem:s22+$0xC480]  }
0x32b: {  	v10 =	vld [tilespmem:s22+$0x4400]  }
0x32c: {  	v11 =	vld [tilespmem:s22+$0xC400]  }
0x32d: {  	v12 =	vld [tilespmem:s22+$0xC580]  }
0x32e: {  	v33 =	vmul.f32 v1, v1  }
0x32f: {  	v36 =	vmul.f32 v2, v2;
	v13 =	vmul.f32 v3, v3  }
0x330: {  	v40 =	vmul.f32 v34, v34;
	v14 =	vmul.f32 v37, v37  }
0x331: {  	v17 =	vmul.f32 v10, v10;
	v18 =	vmul.f32 v11, v11  }
0x332: {  	v19 =	vmul.f32 v12, v12;
	v35 =	vmul.f32 $2.083333210e-03, v33  }
0x333: {  	v38 =	vmul.f32 $2.083333210e-03, v36;
	v41 =	vmul.f32 $2.083333210e-03, v40  }
0x334: {  	v16 =	vmul.f32 $2.083333210e-03, v14;
	v20 =	vmul.f32 $2.083333210e-03, v17  }
0x335: {  	v21 =	vmul.f32 $2.083333210e-03, v18;
	v6 =	vadd.f32 $-2.083333210e-02, v35;
	v39 =	vadd.f32 $-2.083333210e-02, v38  }
0x336: {  	v15 =	vmul.f32 $2.083333210e-03, v13;
	v7 =	vadd.f32 $-2.083333210e-02, v41;
	v16 =	vadd.f32 $-2.083333210e-02, v16  }
0x337: {  	v47 =	vmul.f32 $2.083333210e-03, v19;
	v45 =	vadd.f32 $-2.083333210e-02, v20;
	v46 =	vadd.f32 $-2.083333210e-02, v21  }
0x338: {  	v15 =	vadd.f32 $-2.083333210e-02, v15;
	v4 =	vmul.f32 v6, v33;
	v6 =	vmul.f32 v39, v36  }
0x339: {  	v50 =	vadd.f32 $-2.083333210e-02, v47;
	v43 =	vmul.f32 v7, v40;
	v44 =	vmul.f32 v16, v14  }
0x33a: {  	v9 =	vmul.f32 v45, v17;
	v4 =	vadd.f32 $2.500000000e-01, v4;
	v42 =	vadd.f32 $2.500000000e-01, v6  }
0x33b: {  	v14 =	vmul.f32 v46, v18;
	v13 =	vmul.f32 v15, v13;
	v6 =	vadd.f32 $2.500000000e-01, v43  }
0x33c: {  	v48 =	vld [tilespmem:s22+$0x14500];
	v7 =	vadd.f32 $2.500000000e-01, v44;
	v1 =	vmul.f32 v4, v1;
	v2 =	vmul.f32 v42, v2  }
0x33d: {  	v49 =	vld [tilespmem:s22+$0x14480];
	v51 =	vadd.f32 $2.500000000e-01, v9;
	v52 =	vadd.f32 $2.500000000e-01, v14;
	v5 =	vmul.f32 v6, v34  }
0x33e: {  	v7 =	vmul.f32 v7, v37;
	v6 =	vmul.f32 v50, v19;
	v1 =	vsub.f32 v1, v2;
	v2 =	vld [tilespmem:s22+$0x14400]  }
0x33f: {  	v55 =	vadd.f32 $2.500000000e-01, v13;
	v53 =	vmul.f32 v51, v10;
	v54 =	vmul.f32 v52, v11  }
0x340: {  	v5 =	vsub.f32 v5, v7;
	v6 =	vadd.f32 $2.500000000e-01, v6  }
0x341: {  	v57 =	vld [tilespmem:s22+$0x14580];
	v3 =	vmul.f32 v55, v3;
	v56 =	vsub.f32 v53, v54;
	v1 =	vmul.f32 v1, v48  }
0x342: {  	v4 =	vmul.f32 v5, v49;
	v6 =	vmul.f32 v6, v12  }
0x343: {  	v1 =	vadd.f32 $0.0e+00, v1;
	v2 =	vmul.f32 v56, v2  }
0x344: {  	v4 =	vadd.f32 $0.0e+00, v4;
	v3 =	vsub.f32 v3, v6  }
0x345: {  	(xrf2) =	vadd.scan.msk.f32 $0xffff, v1;
	v1 =	vadd.f32 $0.0e+00, v2  }
0x346: {  	(xrf2) =	vadd.scan.msk.f32 $0xffff, v4;
	v2 =	vmul.f32 v3, v57  }
0x347: {  	(xrf2) =	vadd.scan.msk.f32 $0xffff, v1  }
0x348: {  	v1 =	vadd.f32 $0.0e+00, v2;
	_ =	sdelay $0x1  }
0x349: {  	(xrf2) =	vadd.scan.msk.f32 $0xffff, v1;
	_ =	sdelay $0x4  }
0x34a: {  	s24 =	simm.s32 $0x2;
	s16 =	simm.s32 $0x0;
	v1, _, _ =	vpop (xrf2)  }
0x34b: {  	s23 =	simm.s32 $0x3;
	s18 =	sand.u32 $0xE, s24;
	s20 =	sand.u32 $0xC, s16;
	v2, _, _ =	vpop (xrf2)  }
0x34c: {  	s19 =	simm.s32 $0x1;
	s6 =	sand.u32 $0xF, s23;
	v60 =	vmov s18;
	v61 =	vmov s20;
	v59, _, _ =	vpop (xrf2)  }
0x34d: {  	v58 =	vmov s6;
	vm13 =	veq.s32 v61, v0;
	s30 =	sand.u32 $0xD, s19;
	v5 =	vbroadcast v59, $0xF  }
0x34e: {  	v62 =	vmov s30;
	v3 =	vimm.f32 $0.0e+00;
	v2 =	vbroadcast v2, $0xF  }
0x34f: {  	vm1 =	veq.s32 v62, v0;
	v1 =	vbroadcast v1, $0xF;
	v63, _, _ =	vpop (xrf2);
	v3 =	vsel vm13, v5, v3  }
0x350: {  	vm14 =	veq.s32 v60, v0;
	v2 =	vsel vm1, v2, v3;
	v3 =	vbroadcast v63, $0xF  }
0x351: {  	vm15 =	veq.s32 v58, v0;
	v1 =	vsel vm14, v1, v2  }
0x352: {  	s18 =	simm.s32 $0x18774;
	p1 =	sne.s32 s6, $0xF;
	s19 =	simm.s32 $0x800;
	v1 =	vsel vm15, v3, v1  }
.LBB2_8:
0x353: {  	s21 =	sshra.s32 s19, $0x2;
	[tilespmem:s18+$0x0] =	vst @!p1 v1;
	s20 =	smov.u32 s16  }
0x354: {  	v2 =	vld [tilespmem:s21+$0x4500];
	_ =	sdelay $0x1  }
0x355: {  	v3 =	vld [tilespmem:s21+$0xC500];
	_ =	sdelay $0x1  }
0x356: {  	v4 =	vld [tilespmem:s21+$0x4580]  }
0x357: {  	v5 =	vmul.f32 v2, v2  }
0x358: {  	v6 =	vld [tilespmem:s21+$0x4480]  }
0x359: {  	v7 =	vmul.f32 $2.083333210e-03, v5;
	v8 =	vmul.f32 v3, v3;
	v9 =	vld [tilespmem:s21+$0xC480]  }
0x35a: {  	v10 =	vld [tilespmem:s21+$0xC580]  }
0x35b: {  	v7 =	vadd.f32 $-2.083333210e-02, v7;
	v11 =	vmul.f32 $2.083333210e-03, v8;
	v12 =	vld [tilespmem:s21+$0x4400];
	v13 =	vmul.f32 v4, v4  }
0x35c: {  	v14 =	vld [tilespmem:s21+$0xC400]  }
0x35d: {  	v5 =	vmul.f32 v7, v5;
	v7 =	vadd.f32 $-2.083333210e-02, v11;
	v11 =	vmul.f32 $2.083333210e-03, v13  }
0x35e: {  	v15 =	vmul.f32 v6, v6;
	v16 =	vmul.f32 v9, v9  }
0x35f: {  	v7 =	vmul.f32 v7, v8;
	v8 =	vmul.f32 v10, v10  }
0x360: {  	v5 =	vadd.f32 $2.500000000e-01, v5;
	v17 =	vmul.f32 $2.083333210e-03, v15;
	v18 =	vmul.f32 $2.083333210e-03, v16  }
0x361: {  	v19 =	vmul.f32 v12, v12;
	v20 =	vmul.f32 v14, v14  }
0x362: {  	v2 =	vmul.f32 v5, v2;
	v5 =	vadd.f32 $-2.083333210e-02, v17;
	v17 =	vadd.f32 $-2.083333210e-02, v18  }
0x363: {  	v7 =	vadd.f32 $2.500000000e-01, v7;
	v18 =	vmul.f32 $2.083333210e-03, v19;
	v21 =	vmul.f32 $2.083333210e-03, v20  }
0x364: {  	v11 =	vadd.f32 $-2.083333210e-02, v11;
	v5 =	vmul.f32 v5, v15;
	v22 =	vld [tilespmem:s21+$0x14500];
	v15 =	vmul.f32 v17, v16  }
0x365: {  	v3 =	vmul.f32 v7, v3;
	v7 =	vadd.f32 $-2.083333210e-02, v18;
	v16 =	vadd.f32 $-2.083333210e-02, v21  }
0x366: {  	v17 =	vmul.f32 $2.083333210e-03, v8;
	v5 =	vadd.f32 $2.500000000e-01, v5;
	v15 =	vadd.f32 $2.500000000e-01, v15  }
0x367: {  	v2 =	vsub.f32 v2, v3;
	v7 =	vmul.f32 v7, v19;
	v3 =	vld [tilespmem:s21+$0x14480];
	v16 =	vmul.f32 v16, v20  }
0x368: {  	v5 =	vmul.f32 v5, v6;
	v6 =	vmul.f32 v15, v9;
	v9 =	vadd.f32 $-2.083333210e-02, v17  }
0x369: {  	v7 =	vadd.f32 $2.500000000e-01, v7;
	v2 =	vmul.f32 v2, v22;
	v15 =	vadd.f32 $2.500000000e-01, v16  }
0x36a: {  	v11 =	vmul.f32 v11, v13;
	v5 =	vsub.f32 v5, v6;
	v6 =	vld [tilespmem:s21+$0x14400];
	v8 =	vmul.f32 v9, v8  }
0x36b: {  	v7 =	vmul.f32 v7, v12;
	v2 =	vadd.f32 $0.0e+00, v2;
	v9 =	vmul.f32 v15, v14  }
0x36c: {  	v3 =	vmul.f32 v5, v3;
	v5 =	vadd.f32 $2.500000000e-01, v11;
	v8 =	vadd.f32 $2.500000000e-01, v8  }
0x36d: {  	v7 =	vsub.f32 v7, v9;
	v9 =	vld [tilespmem:s21+$0x14580];
	(xrf2) =	vadd.scan.msk.f32 $0xffff, v2  }
0x36e: {  	v2 =	vadd.f32 $0.0e+00, v3;
	v3 =	vmul.f32 v5, v4;
	v4 =	vmul.f32 v8, v10  }
0x36f: {  	v5 =	vmul.f32 v7, v6  }
0x370: {  	v3 =	vsub.f32 v3, v4;
	(xrf2) =	vadd.scan.msk.f32 $0xffff, v2  }
0x371: {  	v2 =	vadd.f32 $0.0e+00, v5  }
0x372: {  	v3 =	vmul.f32 v3, v9  }
0x373: {  	(xrf2) =	vadd.scan.msk.f32 $0xffff, v2  }
0x374: {  	v3 =	vadd.f32 $0.0e+00, v3;
	_ =	sdelay $0x1  }
0x375: {  	(xrf2) =	vadd.scan.msk.f32 $0xffff, v3  }
0x376: {  	v2, _, _ =	vpop (xrf2);
	_ =	sdelay $0x2  }
0x377: {  	v3, _, _ =	vpop (xrf2)  }
0x378: {  	s6 =	sadd.s32 $0x7, s16  }
0x379: {  	s16 =	sadd.s32 $0x4, s16;
	s6 =	sand.u32 $0xF, s6;
	s21 =	sadd.s32 $0x6, s20  }
0x37a: {  	s22 =	sand.u32 $0xC, s16;
	s20 =	sadd.s32 $0x5, s20;
	s21 =	sand.u32 $0xE, s21;
	v4 =	vmov s6;
	v5, _, _ =	vpop (xrf2)  }
0x37b: {  	p0 =	slt.u32 s16, $0x7C;
	s20 =	sand.u32 $0xD, s20;
	v6 =	vmov s21;
	v7 =	vmov s22;
	v9 =	vbroadcast v5, $0xF  }
.Ltmp3:
0x37c: {  	v8 =	vmov s20;
	vm0 =	veq.s32 v7, v0;
	v3 =	vbroadcast v3, $0xF;
	(pc) =	sbr.rel @p0 .LBB2_8-.Ltmp3, $4  }
0x37d: {  	vm1 =	veq.s32 v8, v0;
	v2 =	vbroadcast v2, $0xF;
	v1 =	vsel vm0, v9, v1;
	v5, _, _ =	vpop (xrf2)  }
0x37e: {  	vm0 =	veq.s32 v6, v0;
	v1 =	vsel vm1, v3, v1;
	v3 =	vbroadcast v5, $0xF  }
0x37f: {  	v1 =	vsel vm0, v2, v1;
	vm0 =	veq.s32 v4, v0  }
0x380: {  	s19 =	sadd.s32 $0x800, s19;
	s18 =	sadd.s32 $0x4, s18;
	p1 =	sne.s32 s6, $0xF;
	v1 =	vsel vm0, v3, v1  }
0x381: {  	[tilespmem:s18+$0x0] =	vst @!p1 v1  }
0x382: {  	v1 =	vld [tilespmem:$0x18580];
	_ =	sdelay $0x4  }
0x383: {  	v1 =	vsub.f32 $0.0e+00, v1;
	_ =	sdelay $0x1  }
0x384: {  	v1 =	vmul.f32 $1.442695020e+00, v1;
	_ =	sdelay $0x1  }
0x385: {  	(erf) = vpow2.f32 v1;
	_ =	sdelay $0x8  }
0x386: {  	v1 =	vpop (erf)  }
0x387: {  	v1 =	vadd.f32 $1.000000000e+00, v1;
	_ =	sdelay $0x1  }
0x388: {  	(erf) = vrcp.f32 v1;
	_ =	sdelay $0x6  }
0x389: {  	v1 =	vld [tilespmem:$0x18780];
	_ =	sdelay $0x1  }
0x38a: {  	v2 =	vpop (erf)  }
0x38b: {  	v2 =	vmul.f32 $1.000000000e+01, v2;
	_ =	sdelay $0x1  }
0x38c: {  	v1 =	vmul.f32 v2, v1;
	_ =	sdelay $0x1  }
0x38d: {  	v1 =	vsub.f32 $0.0e+00, v1;
	_ =	sdelay $0x1  }
0x38e: {  	v1 =	vmul.f32 $1.442695020e+00, v1;
	_ =	sdelay $0x1  }
0x38f: {  	(erf) = vpow2.f32 v1;
	_ =	sdelay $0x3  }
0x390: {  	v1 =	vld [tilespmem:$0x18590];
	_ =	sdelay $0x4  }
0x391: {  	v1 =	vsub.f32 $0.0e+00, v1;
	v2 =	vpop (erf)  }
0x392: {  	v2 =	vadd.f32 $1.000000000e+00, v2  }
0x393: {  	v1 =	vmul.f32 $1.442695020e+00, v1  }
0x394: {  	(erf) = vrcp.f32 v2  }
0x395: {  	(erf) = vpow2.f32 v1;
	_ =	sdelay $0x7  }
0x396: {  	v1 =	vpop (erf)  }
0x397: {  	v2 =	vpop (erf)  }
0x398: {  	v2 =	vadd.f32 $1.000000000e+00, v2;
	_ =	sdelay $0x1  }
0x399: {  	(erf) = vrcp.f32 v2;
	_ =	sdelay $0x6  }
0x39a: {  	v2 =	vld [tilespmem:$0x18790];
	_ =	sdelay $0x1  }
0x39b: {  	v3 =	vpop (erf)  }
0x39c: {  	v3 =	vmul.f32 $1.000000000e+01, v3;
	_ =	sdelay $0x1  }
0x39d: {  	v2 =	vmul.f32 v3, v2;
	_ =	sdelay $0x1  }
0x39e: {  	v2 =	vsub.f32 $0.0e+00, v2;
	_ =	sdelay $0x1  }
0x39f: {  	v2 =	vmul.f32 $1.442695020e+00, v2;
	_ =	sdelay $0x1  }
0x3a0: {  	(erf) = vpow2.f32 v2;
	_ =	sdelay $0x3  }
0x3a1: {  	v2 =	vld [tilespmem:$0x185A0];
	_ =	sdelay $0x4  }
0x3a2: {  	v2 =	vsub.f32 $0.0e+00, v2;
	v3 =	vpop (erf)  }
0x3a3: {  	v3 =	vadd.f32 $1.000000000e+00, v3  }
0x3a4: {  	v2 =	vmul.f32 $1.442695020e+00, v2  }
0x3a5: {  	(erf) = vrcp.f32 v3  }
0x3a6: {  	(erf) = vpow2.f32 v2;
	_ =	sdelay $0x7  }
0x3a7: {  	v2 =	vpop (erf)  }
0x3a8: {  	v3 =	vpop (erf)  }
0x3a9: {  	v3 =	vadd.f32 $1.000000000e+00, v3;
	_ =	sdelay $0x1  }
0x3aa: {  	(erf) = vrcp.f32 v3;
	_ =	sdelay $0x6  }
0x3ab: {  	v3 =	vld [tilespmem:$0x187A0];
	_ =	sdelay $0x1  }
0x3ac: {  	v4 =	vpop (erf)  }
0x3ad: {  	v4 =	vmul.f32 $1.000000000e+01, v4;
	_ =	sdelay $0x1  }
0x3ae: {  	v3 =	vmul.f32 v4, v3;
	_ =	sdelay $0x1  }
0x3af: {  	v3 =	vsub.f32 $0.0e+00, v3;
	_ =	sdelay $0x1  }
0x3b0: {  	v3 =	vmul.f32 $1.442695020e+00, v3;
	_ =	sdelay $0x1  }
0x3b1: {  	(erf) = vpow2.f32 v3;
	_ =	sdelay $0x3  }
0x3b2: {  	v3 =	vld [tilespmem:$0x185B0];
	_ =	sdelay $0x4  }
0x3b3: {  	v3 =	vsub.f32 $0.0e+00, v3;
	v41 =	vpop (erf)  }
0x3b4: {  	v4 =	vadd.f32 $1.000000000e+00, v41  }
0x3b5: {  	v3 =	vmul.f32 $1.442695020e+00, v3  }
0x3b6: {  	(erf) = vrcp.f32 v4  }
0x3b7: {  	(erf) = vpow2.f32 v3;
	_ =	sdelay $0x7  }
0x3b8: {  	v3 =	vpop (erf)  }
0x3b9: {  	v42 =	vpop (erf)  }
0x3ba: {  	v4 =	vadd.f32 $1.000000000e+00, v42;
	_ =	sdelay $0x1  }
0x3bb: {  	(erf) = vrcp.f32 v4;
	_ =	sdelay $0x6  }
0x3bc: {  	v43 =	vld [tilespmem:$0x187B0];
	_ =	sdelay $0x1  }
0x3bd: {  	v5 =	vpop (erf)  }
0x3be: {  	v5 =	vmul.f32 $1.000000000e+01, v5;
	_ =	sdelay $0x1  }
0x3bf: {  	v4 =	vmul.f32 v5, v43;
	_ =	sdelay $0x1  }
0x3c0: {  	v4 =	vsub.f32 $0.0e+00, v4;
	_ =	sdelay $0x1  }
0x3c1: {  	v4 =	vmul.f32 $1.442695020e+00, v4;
	_ =	sdelay $0x1  }
0x3c2: {  	(erf) = vpow2.f32 v4;
	_ =	sdelay $0x3  }
0x3c3: {  	v44 =	vld [tilespmem:$0x185C0];
	_ =	sdelay $0x4  }
0x3c4: {  	v4 =	vsub.f32 $0.0e+00, v44;
	v45 =	vpop (erf)  }
0x3c5: {  	v5 =	vadd.f32 $1.000000000e+00, v45  }
0x3c6: {  	v4 =	vmul.f32 $1.442695020e+00, v4  }
0x3c7: {  	(erf) = vrcp.f32 v5  }
0x3c8: {  	(erf) = vpow2.f32 v4;
	_ =	sdelay $0x7  }
0x3c9: {  	v46 =	vpop (erf)  }
0x3ca: {  	v47 =	vpop (erf)  }
0x3cb: {  	v5 =	vadd.f32 $1.000000000e+00, v47;
	_ =	sdelay $0x1  }
0x3cc: {  	(erf) = vrcp.f32 v5;
	_ =	sdelay $0x6  }
0x3cd: {  	v48 =	vld [tilespmem:$0x187C0];
	_ =	sdelay $0x1  }
0x3ce: {  	v6 =	vpop (erf)  }
0x3cf: {  	v6 =	vmul.f32 $1.000000000e+01, v6;
	_ =	sdelay $0x1  }
0x3d0: {  	v5 =	vmul.f32 v6, v48;
	_ =	sdelay $0x1  }
0x3d1: {  	v5 =	vsub.f32 $0.0e+00, v5;
	_ =	sdelay $0x1  }
0x3d2: {  	v5 =	vmul.f32 $1.442695020e+00, v5;
	_ =	sdelay $0x1  }
0x3d3: {  	(erf) = vpow2.f32 v5;
	_ =	sdelay $0x3  }
0x3d4: {  	v49 =	vld [tilespmem:$0x185D0];
	_ =	sdelay $0x4  }
0x3d5: {  	v5 =	vsub.f32 $0.0e+00, v49;
	v50 =	vpop (erf)  }
0x3d6: {  	v6 =	vadd.f32 $1.000000000e+00, v50  }
0x3d7: {  	v5 =	vmul.f32 $1.442695020e+00, v5  }
0x3d8: {  	(erf) = vrcp.f32 v6  }
0x3d9: {  	(erf) = vpow2.f32 v5;
	_ =	sdelay $0x7  }
0x3da: {  	v51 =	vpop (erf)  }
0x3db: {  	v52 =	vpop (erf)  }
0x3dc: {  	v6 =	vadd.f32 $1.000000000e+00, v52;
	_ =	sdelay $0x1  }
0x3dd: {  	(erf) = vrcp.f32 v6;
	_ =	sdelay $0x6  }
0x3de: {  	v53 =	vld [tilespmem:$0x187D0];
	_ =	sdelay $0x1  }
0x3df: {  	v7 =	vpop (erf)  }
0x3e0: {  	v7 =	vmul.f32 $1.000000000e+01, v7;
	_ =	sdelay $0x1  }
0x3e1: {  	v6 =	vmul.f32 v7, v53;
	_ =	sdelay $0x1  }
0x3e2: {  	v6 =	vsub.f32 $0.0e+00, v6;
	_ =	sdelay $0x1  }
0x3e3: {  	v6 =	vmul.f32 $1.442695020e+00, v6;
	_ =	sdelay $0x1  }
0x3e4: {  	(erf) = vpow2.f32 v6;
	_ =	sdelay $0x3  }
0x3e5: {  	v54 =	vld [tilespmem:$0x185E0];
	_ =	sdelay $0x4  }
0x3e6: {  	v6 =	vsub.f32 $0.0e+00, v54;
	v55 =	vpop (erf)  }
0x3e7: {  	v7 =	vadd.f32 $1.000000000e+00, v55  }
0x3e8: {  	v6 =	vmul.f32 $1.442695020e+00, v6  }
0x3e9: {  	(erf) = vrcp.f32 v7  }
0x3ea: {  	(erf) = vpow2.f32 v6;
	_ =	sdelay $0x7  }
0x3eb: {  	v56 =	vpop (erf)  }
0x3ec: {  	v57 =	vpop (erf)  }
0x3ed: {  	v7 =	vadd.f32 $1.000000000e+00, v57;
	_ =	sdelay $0x1  }
0x3ee: {  	(erf) = vrcp.f32 v7;
	_ =	sdelay $0x6  }
0x3ef: {  	v58 =	vld [tilespmem:$0x187E0];
	_ =	sdelay $0x1  }
0x3f0: {  	v8 =	vpop (erf)  }
0x3f1: {  	v8 =	vmul.f32 $1.000000000e+01, v8;
	_ =	sdelay $0x1  }
0x3f2: {  	v7 =	vmul.f32 v8, v58;
	_ =	sdelay $0x1  }
0x3f3: {  	v7 =	vsub.f32 $0.0e+00, v7;
	_ =	sdelay $0x1  }
0x3f4: {  	v7 =	vmul.f32 $1.442695020e+00, v7;
	_ =	sdelay $0x1  }
0x3f5: {  	(erf) = vpow2.f32 v7;
	_ =	sdelay $0x3  }
0x3f6: {  	v59 =	vld [tilespmem:$0x185F0];
	_ =	sdelay $0x4  }
0x3f7: {  	v7 =	vsub.f32 $0.0e+00, v59;
	v60 =	vpop (erf)  }
0x3f8: {  	v8 =	vadd.f32 $1.000000000e+00, v60  }
0x3f9: {  	v7 =	vmul.f32 $1.442695020e+00, v7  }
0x3fa: {  	(erf) = vrcp.f32 v8  }
0x3fb: {  	(erf) = vpow2.f32 v7;
	_ =	sdelay $0x7  }
0x3fc: {  	v61 =	vpop (erf)  }
0x3fd: {  	v62 =	vpop (erf)  }
0x3fe: {  	v8 =	vadd.f32 $1.000000000e+00, v62;
	_ =	sdelay $0x1  }
0x3ff: {  	(erf) = vrcp.f32 v8;
	_ =	sdelay $0x6  }
0x400: {  	v63 =	vld [tilespmem:$0x187F0];
	_ =	sdelay $0x1  }
0x401: {  	v9 =	vpop (erf)  }
0x402: {  	v9 =	vmul.f32 $1.000000000e+01, v9;
	_ =	sdelay $0x1  }
0x403: {  	v8 =	vmul.f32 v9, v63;
	_ =	sdelay $0x1  }
0x404: {  	v8 =	vsub.f32 $0.0e+00, v8;
	_ =	sdelay $0x1  }
0x405: {  	v8 =	vmul.f32 $1.442695020e+00, v8;
	_ =	sdelay $0x1  }
0x406: {  	(erf) = vpow2.f32 v8;
	_ =	sdelay $0x8  }
0x407: {  	v8 =	vpop (erf)  }
0x408: {  	v8 =	vadd.f32 $1.000000000e+00, v8;
	_ =	sdelay $0x1  }
0x409: {  	(erf) = vrcp.f32 v8;
	_ =	sdelay $0x2  }
0x40a: {  	[tilespmem:$0x18780] =	vst v1  }
0x40b: {  	[tilespmem:$0x18790] =	vst v2  }
0x40c: {  	[tilespmem:$0x187A0] =	vst v3  }
0x40d: {  	[tilespmem:$0x187B0] =	vst v46  }
0x40e: {  	[tilespmem:$0x187C0] =	vst v51  }
0x40f: {  	s31 =	sadd.s32 $0x1, s31;
	[tilespmem:$0x187D0] =	vst v56  }
0x410: {  	p0 =	sne.s32 s31, s13;
	[tilespmem:$0x187E0] =	vst v61;
	v1 =	vpop (erf)  }
.Ltmp4:
0x411: {  	s6 =	simm.s32 $0x18600;
	[tilespmem:$0x187F0] =	vst v1;
	(pc) =	sbr.rel @p0 .LBB2_1-.Ltmp4, $4  }
0x412: {  	[hbm4b:s12+s5] =	stream.linear.scatter [tilespmem:s6], [sflag:$0x8], $0x200, $0x38;
	[tilespmem:$0x18800] =	vst v63  }
0x413: {  	_ =	swait.ge [sflag:s14], $0x200  }
0x414: {  	[sflag:s14] =	ssyncset.done $0x0  }
0x415: {  	[sflag:s14] =	ssyncadd.s32 $0xFFFFFE00  }
0x416: {  	_ =	sfence.sel $0x180000  }
0x417: {  	[bflag:$0x0] =	sbarrier.arrive $0xFFFF  }
0x418: {  	_ =	strace $0x90000047  }
0x419: {  	s0 =	stileid.u32;
	[bflag:$0x2] =	sbarrier.arrive $0xFFFF  }
0x41a: {  	p0 =	sne.s32 s0, $0x0;
	s0 =	rddreg [dreg:$0x7]  }
0x41b: {  	s0 =	sadd.s32 @!p0 $0x100000, s0  }
0x41c: {  	[sflag:s0] =	ssyncadd.tile.s32 @!p0 $0x1;
	_ =	shalt  }
.Lfunc_end2:
_tile_overlayer_lowered:
.L_overlay_start_2:
0x41d: {  	(tag) =	ssettag $0x2  }
0x41e: {  	s0 =	rddreg [dreg:$0x0];
	s2 =	stileid.u32  }
0x41f: {  	s1 =	rddreg [dreg:$0x1];
	p0 =	sne.s32 s2, $0x0  }
0x420: {  	s3 =	rddreg [dreg:$0x2];
	[bflag:$0x3] =	sbarrier.arrive $0xFFFF;
	s2 =	simm.s32 @!p0 $0x1C08  }
0x421: {  	[timem:s3], [sflag:s2] =	dma.local @!p0 [hbm:s0], s1  }
0x422: {  	s0 =	simm.s32 @!p0 $0x8  }
0x423: {  	_ =	swait.ge @!p0 [sflag:s0], s1  }
0x424: {  	s1 =	ssub.s32 @!p0 $0x0, s1;
	[sflag:s0] =	ssyncset.done @!p0 $0x0  }
0x425: {  	[sflag:s0] =	ssyncadd.s32 @!p0 s1  }
0x426: {  	[bflag:$0x3] =	sbarrier.arrive $0xFFFF  }
0x427: {  	_ =	shalt  }

</sc_bundles>
